<compile_context>
chip_gen: v7x
topology: tpu7x:2x2x1
jax: 0.10.2.dev20260603
libtpu: 0.0.44.dev20260713+nightly
codegen_flags: <defaults>
</compile_context>

<pallas_src>
import functools

import jax
import jax.numpy as jnp
import numpy as np
from jax import lax
from jax.experimental import pallas as pl
from jax.experimental.pallas import tpu as pltpu
from jax.experimental.pallas import tpu_sc as plsc

VOCAB = 100000
D_MODEL = 64
MAX_LEN = 200
BATCH = 4096

_NC = 2
_NS = 16
_NW = _NC * _NS

_BW = BATCH // _NW
_NBUF = 4
_NLANE = D_MODEL // 16
_DT = D_MODEL // 8
_TW = 8 * _BW
_PADW = _BW + 1


def _pos_embedding_np():
    pos = np.arange(MAX_LEN, dtype=np.float64)[:, None]
    i = np.arange(D_MODEL, dtype=np.float64)[None, :]
    angle = pos / np.power(10000.0, 2.0 * i / D_MODEL)
    pe = np.where((np.arange(D_MODEL)[None, :] % 2) == 0,
                  np.cos(angle), np.sin(angle))
    return pe.astype(np.float32)


_PE_NP = _pos_embedding_np()


def _body(x4_hbm, table_hbm, pe_hbm, out_hbm, *scratch):
    idxb = scratch[0:_NBUF]
    rowsb = scratch[_NBUF:2 * _NBUF]
    blockb = scratch[2 * _NBUF:3 * _NBUF]
    pad_v = scratch[3 * _NBUF]
    pe_v = scratch[3 * _NBUF + 1]
    isem = scratch[3 * _NBUF + 2:3 * _NBUF + 2 + _NBUF]
    gsem = scratch[3 * _NBUF + 2 + _NBUF:3 * _NBUF + 2 + 2 * _NBUF]
    ssem = scratch[3 * _NBUF + 2 + 2 * _NBUF:]

    wid = lax.axis_index("s") * _NC + lax.axis_index("c")

    pltpu.sync_copy(pe_hbm, pe_v)

    def fire_idx(t, b):
        pltpu.async_copy(x4_hbm.at[t // 8, wid, t % 8], idxb[b], isem[b])

    def fire_gather(t, b):
        pltpu.make_async_copy(x4_hbm.at[0, 0, 0], idxb[b], isem[b]).wait()
        pltpu.async_copy(table_hbm.at[idxb[b]], rowsb[b], gsem[b])

    def drain_store(b):
        pltpu.make_async_copy(
            blockb[b], out_hbm.at[0, pl.ds(0, _DT), 0], ssem[b]).wait()

    fire_idx(0, 0)
    fire_idx(1, 1)
    fire_idx(2, 2)
    fire_gather(0, 0)
    fire_gather(1, 1)

    lane = lax.iota(jnp.int32, 16)
    rowoff = [(lane + c * 16) * _PADW for c in range(_NLANE)]

    def step(t0):
        for b0 in range(_NBUF):
            t = t0 + b0
            b = b0
            bi = (b0 + 2) % _NBUF
            bg = (b0 + 1) % _NBUF

            bii = (b0 + 3) % _NBUF

            @pl.when(t < MAX_LEN - 3)
            def _():
                fire_idx(t + 3, bii)

            @pl.when(t < MAX_LEN - 2)
            def _():
                fire_gather(t + 2, bi)

            @pl.when(t >= 2)
            def _():
                drain_store(bi)

            pltpu.make_async_copy(
                table_hbm.at[idxb[b]], rowsb[b], gsem[b]).wait()

            pes = [pe_v[t, pl.ds(c * 16, 16)] for c in range(_NLANE)]

            @plsc.parallel_loop(0, _BW, unroll=8,
                                carry=tuple(pes) + tuple(rowoff))
            def _(i, carry):
                for c in range(_NLANE):
                    v = rowsb[b][i, pl.ds(c * 16, 16)] + carry[c]
                    plsc.store_scatter(pad_v, [carry[_NLANE + c] + i], v)
                return carry

            @plsc.parallel_loop(0, D_MODEL, unroll=8)
            def _(d):
                dt = d // 8
                r = d - dt * 8
                for j in range(_BW // 16):
                    blockb[b][dt, pl.ds(r * _BW + j * 16, 16)] = (
                        pad_v[pl.ds(d * _PADW + j * 16, 16)])

            pltpu.async_copy(
                blockb[b], out_hbm.at[t, pl.ds(0, _DT), wid], ssem[b])

    pl.loop(0, MAX_LEN, step=_NBUF)(step)

    for t in (MAX_LEN - 2, MAX_LEN - 1):
        drain_store(t % _NBUF)


_pallas_fn = functools.partial(
    pl.kernel,
    out_type=jax.ShapeDtypeStruct((MAX_LEN, _DT, _NW, _TW), jnp.float32),
    mesh=plsc.VectorSubcoreMesh(
        core_axis_name="c", subcore_axis_name="s",
        num_cores=_NC, num_subcores=_NS,
    ),
    scratch_types=(
        [pltpu.VMEM((_BW,), jnp.int32)] * _NBUF
        + [pltpu.VMEM((_BW, D_MODEL), jnp.float32)] * _NBUF
        + [pltpu.VMEM((_DT, _TW), jnp.float32)] * _NBUF
        + [pltpu.VMEM((D_MODEL * _PADW,), jnp.float32)]
        + [pltpu.VMEM((MAX_LEN, D_MODEL), jnp.float32)]
        + [pltpu.SemaphoreType.DMA] * (3 * _NBUF)
    ),
    compiler_params=pltpu.CompilerParams(
        use_tc_tiling_on_sc=False, needs_layout_passes=False),
)(_body)


@jax.jit
def kernel(X, table):
    x4 = X.T.reshape(MAX_LEN // 8, 8, _NW, _BW).transpose(0, 2, 1, 3)
    out5 = _pallas_fn(x4, table, jnp.asarray(_PE_NP))
    out = out5.reshape(MAX_LEN, _DT, _NW, 8, _BW)
    out = out.transpose(2, 4, 0, 1, 3)
    return out.reshape(BATCH, MAX_LEN, D_MODEL)

# --- scband reference (transcript-rebuilt; emitter-appended) ---
"""Pipeline reference for scband-positional-encoding-23811298689030 (READ-ONLY COPY).

The authoritative reference and input builder live on the scoring server;
editing this copy changes nothing except your own understanding.
"""

import jax, jax.numpy as jnp
import numpy as np

VOCAB = 100000
D_MODEL = 64
MAX_LEN = 200
BATCH = 4096


def _pos_embedding():
    # Faithful to the Keras loop: for each pos, for each i in range(d_model):
    #   i even -> cos(pos / 10000 ** (2*i/d_model)); i odd -> sin(same angle)
    pos = np.arange(MAX_LEN, dtype=np.float64)[:, None]
    i = np.arange(D_MODEL, dtype=np.float64)[None, :]
    angle = pos / np.power(10000.0, 2.0 * i / D_MODEL)
    pe = np.where((np.arange(D_MODEL)[None, :] % 2) == 0, np.cos(angle), np.sin(angle))
    return jnp.asarray(pe[None, :, :], dtype=jnp.float32)  # [1, max_len, d_model]


def setup_inputs(seed: int = 0) -> dict:
    key = jax.random.key(seed)
    k1, k2 = jax.random.split(key)
    X = jax.random.randint(k1, (BATCH, MAX_LEN), 0, VOCAB, dtype=jnp.int32)
    # learned embedding table (Keras Embedding weight), [vocab, d_model]
    table = jax.random.uniform(k2, (VOCAB, D_MODEL), dtype=jnp.float32, minval=-0.05, maxval=0.05)
    return {"X": X, "table": table}


def reference(X, table):
    pe = _pos_embedding()
    emb = jnp.take(table, X, axis=0)  # [B, max_len, d_model] gather
    return emb + pe

if __name__ == "__main__":
    import jax
    _d = setup_inputs()
    print(jax.jit(kernel)(*tuple(_d.values())))

</pallas_src>

<mosaic_0001>
#map = affine_map<(d0, d1) -> (0, 0, 0, 0)>
#map1 = affine_map<(d0, d1) -> (0, 0)>
module attributes {stable_mosaic.version = 14 : i64} {
  func.func @_body(%arg0: i32, %arg1: i32, %arg2: memref<25x32x8x128xi32, #tpu.memory_space<hbm>>, %arg3: memref<100000x64xf32, #tpu.memory_space<hbm>>, %arg4: memref<200x64xf32, #tpu.memory_space<hbm>>, %arg5: memref<200x8x32x1024xf32, #tpu.memory_space<hbm>>, %arg6: memref<128xi32, #tpu.memory_space<vmem>>, %arg7: memref<128xi32, #tpu.memory_space<vmem>>, %arg8: memref<128xi32, #tpu.memory_space<vmem>>, %arg9: memref<128xi32, #tpu.memory_space<vmem>>, %arg10: memref<128x64xf32, #tpu.memory_space<vmem>>, %arg11: memref<128x64xf32, #tpu.memory_space<vmem>>, %arg12: memref<128x64xf32, #tpu.memory_space<vmem>>, %arg13: memref<128x64xf32, #tpu.memory_space<vmem>>, %arg14: memref<8x1024xf32, #tpu.memory_space<vmem>>, %arg15: memref<8x1024xf32, #tpu.memory_space<vmem>>, %arg16: memref<8x1024xf32, #tpu.memory_space<vmem>>, %arg17: memref<8x1024xf32, #tpu.memory_space<vmem>>, %arg18: memref<8256xf32, #tpu.memory_space<vmem>>, %arg19: memref<200x64xf32, #tpu.memory_space<vmem>>, %arg20: memref<!tpu.dma_semaphore, #tpu.memory_space<semaphore_mem>>, %arg21: memref<!tpu.dma_semaphore, #tpu.memory_space<semaphore_mem>>, %arg22: memref<!tpu.dma_semaphore, #tpu.memory_space<semaphore_mem>>, %arg23: memref<!tpu.dma_semaphore, #tpu.memory_space<semaphore_mem>>, %arg24: memref<!tpu.dma_semaphore, #tpu.memory_space<semaphore_mem>>, %arg25: memref<!tpu.dma_semaphore, #tpu.memory_space<semaphore_mem>>, %arg26: memref<!tpu.dma_semaphore, #tpu.memory_space<semaphore_mem>>, %arg27: memref<!tpu.dma_semaphore, #tpu.memory_space<semaphore_mem>>, %arg28: memref<!tpu.dma_semaphore, #tpu.memory_space<semaphore_mem>>, %arg29: memref<!tpu.dma_semaphore, #tpu.memory_space<semaphore_mem>>, %arg30: memref<!tpu.dma_semaphore, #tpu.memory_space<semaphore_mem>>, %arg31: memref<!tpu.dma_semaphore, #tpu.memory_space<semaphore_mem>>) attributes {dimension_semantics = [#tpu.dimension_semantics<core_parallel>, #tpu.dimension_semantics<subcore_parallel>], iteration_bounds = array<i64: 2, 16>, scalar_prefetch = 0 : i64, scratch_operands = 26 : i64, tpu.core_type = #tpu.core_type<sc_vector_subcore>, window_params = [{transform_indices = #map}, {transform_indices = #map1}, {transform_indices = #map1}, {transform_indices = #map}]} {
    %mul3A = arith.constant 2 : i32
    %mul3A_0 = arith.muli %arg1, %mul3A : i32
    %add3A = arith.addi %mul3A_0, %arg0 : i32
    "tpu.region"() ({
      %run_scoped3A = tpu.sem_alloc : memref<!tpu.dma_semaphore, #tpu.memory_space<semaphore_mem>>
      tpu.enqueue_dma source(%arg4 : memref<200x64xf32, #tpu.memory_space<hbm>>) target(%arg19 : memref<200x64xf32, #tpu.memory_space<vmem>>) target_semaphore(%run_scoped3A : memref<!tpu.dma_semaphore, #tpu.memory_space<semaphore_mem>>)
      tpu.wait_dma2 semaphore(%run_scoped3A : memref<!tpu.dma_semaphore, #tpu.memory_space<semaphore_mem>>) src(%arg4 : memref<200x64xf32, #tpu.memory_space<hbm>>) dst(%arg19 : memref<200x64xf32, #tpu.memory_space<vmem>>)
      tpu.yield
    }) : () -> ()
    %dma_start3A = arith.constant 0 : i32
    %dma_start3A_1 = arith.constant 0 : i32
    %dma_start3A_2 = arith.constant 0 : i32
    %dma_start3A_3 = tpu.memref_slice %arg2[%dma_start3A, %add3A, %dma_start3A_1, %dma_start3A_2] : memref<25x32x8x128xi32, #tpu.memory_space<hbm>> -> memref<1x1x1x128xi32, #tpu.memory_space<hbm>>
    %dma_start3A_4 = tpu.memref_squeeze %dma_start3A_3 : memref<1x1x1x128xi32, #tpu.memory_space<hbm>> -> memref<128xi32, #tpu.memory_space<hbm>>
    %dma_start3A_5 = arith.constant 0 : i32
    %dma_start3A_6 = tpu.memref_slice %arg2[%dma_start3A, %add3A, %dma_start3A_1, %dma_start3A_5] : memref<25x32x8x128xi32, #tpu.memory_space<hbm>> -> memref<1x1x1x128xi32, #tpu.memory_space<hbm>>
    %dma_start3A_7 = tpu.memref_squeeze %dma_start3A_6 : memref<1x1x1x128xi32, #tpu.memory_space<hbm>> -> memref<128xi32, #tpu.memory_space<hbm>>
    tpu.enqueue_dma source(%dma_start3A_7 : memref<128xi32, #tpu.memory_space<hbm>>) target(%arg6 : memref<128xi32, #tpu.memory_space<vmem>>) target_semaphore(%arg20 : memref<!tpu.dma_semaphore, #tpu.memory_space<semaphore_mem>>)
    %dma_start3A_8 = arith.constant 0 : i32
    %dma_start3A_9 = arith.constant 1 : i32
    %dma_start3A_10 = arith.constant 0 : i32
    %dma_start3A_11 = tpu.memref_slice %arg2[%dma_start3A_8, %add3A, %dma_start3A_9, %dma_start3A_10] : memref<25x32x8x128xi32, #tpu.memory_space<hbm>> -> memref<1x1x1x128xi32, #tpu.memory_space<hbm>>
    %dma_start3A_12 = tpu.memref_squeeze %dma_start3A_11 : memref<1x1x1x128xi32, #tpu.memory_space<hbm>> -> memref<128xi32, #tpu.memory_space<hbm>>
    %dma_start3A_13 = arith.constant 0 : i32
    %dma_start3A_14 = tpu.memref_slice %arg2[%dma_start3A_8, %add3A, %dma_start3A_9, %dma_start3A_13] : memref<25x32x8x128xi32, #tpu.memory_space<hbm>> -> memref<1x1x1x128xi32, #tpu.memory_space<hbm>>
    %dma_start3A_15 = tpu.memref_squeeze %dma_start3A_14 : memref<1x1x1x128xi32, #tpu.memory_space<hbm>> -> memref<128xi32, #tpu.memory_space<hbm>>
    tpu.enqueue_dma source(%dma_start3A_15 : memref<128xi32, #tpu.memory_space<hbm>>) target(%arg7 : memref<128xi32, #tpu.memory_space<vmem>>) target_semaphore(%arg21 : memref<!tpu.dma_semaphore, #tpu.memory_space<semaphore_mem>>)
    %dma_start3A_16 = arith.constant 0 : i32
    %dma_start3A_17 = arith.constant 2 : i32
    %dma_start3A_18 = arith.constant 0 : i32
    %dma_start3A_19 = tpu.memref_slice %arg2[%dma_start3A_16, %add3A, %dma_start3A_17, %dma_start3A_18] : memref<25x32x8x128xi32, #tpu.memory_space<hbm>> -> memref<1x1x1x128xi32, #tpu.memory_space<hbm>>
    %dma_start3A_20 = tpu.memref_squeeze %dma_start3A_19 : memref<1x1x1x128xi32, #tpu.memory_space<hbm>> -> memref<128xi32, #tpu.memory_space<hbm>>
    %dma_start3A_21 = arith.constant 0 : i32
    %dma_start3A_22 = tpu.memref_slice %arg2[%dma_start3A_16, %add3A, %dma_start3A_17, %dma_start3A_21] : memref<25x32x8x128xi32, #tpu.memory_space<hbm>> -> memref<1x1x1x128xi32, #tpu.memory_space<hbm>>
    %dma_start3A_23 = tpu.memref_squeeze %dma_start3A_22 : memref<1x1x1x128xi32, #tpu.memory_space<hbm>> -> memref<128xi32, #tpu.memory_space<hbm>>
    tpu.enqueue_dma source(%dma_start3A_23 : memref<128xi32, #tpu.memory_space<hbm>>) target(%arg8 : memref<128xi32, #tpu.memory_space<vmem>>) target_semaphore(%arg22 : memref<!tpu.dma_semaphore, #tpu.memory_space<semaphore_mem>>)
    %dma_wait3A = arith.constant 0 : i32
    %dma_wait3A_24 = arith.constant 0 : i32
    %dma_wait3A_25 = arith.constant 0 : i32
    %dma_wait3A_26 = arith.constant 0 : i32
    %dma_wait3A_27 = tpu.memref_slice %arg2[%dma_wait3A, %dma_wait3A_24, %dma_wait3A_25, %dma_wait3A_26] : memref<25x32x8x128xi32, #tpu.memory_space<hbm>> -> memref<1x1x1x128xi32, #tpu.memory_space<hbm>>
    %dma_wait3A_28 = tpu.memref_squeeze %dma_wait3A_27 : memref<1x1x1x128xi32, #tpu.memory_space<hbm>> -> memref<128xi32, #tpu.memory_space<hbm>>
    %dma_wait3A_29 = arith.constant 0 : i32
    %dma_wait3A_30 = tpu.memref_slice %arg2[%dma_wait3A, %dma_wait3A_24, %dma_wait3A_25, %dma_wait3A_29] : memref<25x32x8x128xi32, #tpu.memory_space<hbm>> -> memref<1x1x1x128xi32, #tpu.memory_space<hbm>>
    %dma_wait3A_31 = tpu.memref_squeeze %dma_wait3A_30 : memref<1x1x1x128xi32, #tpu.memory_space<hbm>> -> memref<128xi32, #tpu.memory_space<hbm>>
    tpu.wait_dma2 semaphore(%arg20 : memref<!tpu.dma_semaphore, #tpu.memory_space<semaphore_mem>>) src(%dma_wait3A_31 : memref<128xi32, #tpu.memory_space<hbm>>) dst(%arg6 : memref<128xi32, #tpu.memory_space<vmem>>)
    %dma_start3A_32 = arith.constant 0 : i32
    %dma_start3A_33 = arith.constant 0 : i32
    %dma_start3A_34 = tpu.memref_slice %arg3[%dma_start3A_32, %dma_start3A_33] : memref<100000x64xf32, #tpu.memory_space<hbm>> -> memref<100000x64xf32, #tpu.memory_space<hbm>>
    tpu.enqueue_indirect_dma source(%dma_start3A_34 : memref<100000x64xf32, #tpu.memory_space<hbm>>) target(%arg10 : memref<128x64xf32, #tpu.memory_space<vmem>>) offsets(%arg6 : memref<128xi32, #tpu.memory_space<vmem>>) semaphore(%arg24 : memref<!tpu.dma_semaphore, #tpu.memory_space<semaphore_mem>>)
    %dma_wait3A_35 = arith.constant 0 : i32
    %dma_wait3A_36 = arith.constant 0 : i32
    %dma_wait3A_37 = arith.constant 0 : i32
    %dma_wait3A_38 = arith.constant 0 : i32
    %dma_wait3A_39 = tpu.memref_slice %arg2[%dma_wait3A_35, %dma_wait3A_36, %dma_wait3A_37, %dma_wait3A_38] : memref<25x32x8x128xi32, #tpu.memory_space<hbm>> -> memref<1x1x1x128xi32, #tpu.memory_space<hbm>>
    %dma_wait3A_40 = tpu.memref_squeeze %dma_wait3A_39 : memref<1x1x1x128xi32, #tpu.memory_space<hbm>> -> memref<128xi32, #tpu.memory_space<hbm>>
    %dma_wait3A_41 = arith.constant 0 : i32
    %dma_wait3A_42 = tpu.memref_slice %arg2[%dma_wait3A_35, %dma_wait3A_36, %dma_wait3A_37, %dma_wait3A_41] : memref<25x32x8x128xi32, #tpu.memory_space<hbm>> -> memref<1x1x1x128xi32, #tpu.memory_space<hbm>>
    %dma_wait3A_43 = tpu.memref_squeeze %dma_wait3A_42 : memref<1x1x1x128xi32, #tpu.memory_space<hbm>> -> memref<128xi32, #tpu.memory_space<hbm>>
    tpu.wait_dma2 semaphore(%arg21 : memref<!tpu.dma_semaphore, #tpu.memory_space<semaphore_mem>>) src(%dma_wait3A_43 : memref<128xi32, #tpu.memory_space<hbm>>) dst(%arg7 : memref<128xi32, #tpu.memory_space<vmem>>)
    %dma_start3A_44 = arith.constant 0 : i32
    %dma_start3A_45 = arith.constant 0 : i32
    %dma_start3A_46 = tpu.memref_slice %arg3[%dma_start3A_44, %dma_start3A_45] : memref<100000x64xf32, #tpu.memory_space<hbm>> -> memref<100000x64xf32, #tpu.memory_space<hbm>>
    tpu.enqueue_indirect_dma source(%dma_start3A_46 : memref<100000x64xf32, #tpu.memory_space<hbm>>) target(%arg11 : memref<128x64xf32, #tpu.memory_space<vmem>>) offsets(%arg7 : memref<128xi32, #tpu.memory_space<vmem>>) semaphore(%arg25 : memref<!tpu.dma_semaphore, #tpu.memory_space<semaphore_mem>>)
    %iota3A = tpu.iota {dimensions = array<i32: 0>} : vector<16xi32>
    %add3A_47 = arith.constant 0 : i32
    %add3A_48 = vector.broadcast %add3A_47 : i32 to vector<16xi32>
    %add3A_49 = arith.addi %iota3A, %add3A_48 : vector<16xi32>
    %mul3A_50 = arith.constant 129 : i32
    %mul3A_51 = vector.broadcast %mul3A_50 : i32 to vector<16xi32>
    %mul3A_52 = arith.muli %add3A_49, %mul3A_51 : vector<16xi32>
    %add3A_53 = arith.constant 16 : i32
    %add3A_54 = vector.broadcast %add3A_53 : i32 to vector<16xi32>
    %add3A_55 = arith.addi %iota3A, %add3A_54 : vector<16xi32>
    %mul3A_56 = arith.constant 129 : i32
    %mul3A_57 = vector.broadcast %mul3A_56 : i32 to vector<16xi32>
    %mul3A_58 = arith.muli %add3A_55, %mul3A_57 : vector<16xi32>
    %add3A_59 = arith.constant 32 : i32
    %add3A_60 = vector.broadcast %add3A_59 : i32 to vector<16xi32>
    %add3A_61 = arith.addi %iota3A, %add3A_60 : vector<16xi32>
    %mul3A_62 = arith.constant 129 : i32
    %mul3A_63 = vector.broadcast %mul3A_62 : i32 to vector<16xi32>
    %mul3A_64 = arith.muli %add3A_61, %mul3A_63 : vector<16xi32>
    %add3A_65 = arith.constant 48 : i32
    %add3A_66 = vector.broadcast %add3A_65 : i32 to vector<16xi32>
    %add3A_67 = arith.addi %iota3A, %add3A_66 : vector<16xi32>
    %mul3A_68 = arith.constant 129 : i32
    %mul3A_69 = vector.broadcast %mul3A_68 : i32 to vector<16xi32>
    %mul3A_70 = arith.muli %add3A_67, %mul3A_69 : vector<16xi32>
    %scan3A = arith.constant 0 : i32
    %scan3A_71 = arith.constant 50 : i32
    %scan3A_72 = arith.addi %scan3A, %scan3A_71 : i32
    %scan3A_73 = arith.constant 1 : i32
    scf.for %scan3A_95 = %scan3A to %scan3A_72 step %scan3A_73  : i32 {
      %mul3A_96 = arith.constant 4 : i32
      %mul3A_97 = arith.muli %scan3A_95, %mul3A_96 : i32
      %add3A_98 = arith.constant 0 : i32
      %add3A_99 = arith.addi %add3A_98, %mul3A_97 : i32
      %add3A_100 = arith.constant 0 : i32
      %add3A_101 = arith.addi %add3A_99, %add3A_100 : i32
      %lt3A = arith.constant 197 : i32
      %lt3A_102 = arith.cmpi slt, %add3A_101, %lt3A : i32
      %convert_element_type3A = arith.extui %lt3A_102 : i1 to i32
      %cond3A = arith.constant 0 : i32
      %cond3A_103 = arith.cmpi ne, %convert_element_type3A, %cond3A : i32
      scf.if %cond3A_103 {
        %add3A_282 = arith.constant 3 : i32
        %add3A_283 = arith.addi %add3A_101, %add3A_282 : i32
        %jit3A = arith.constant 8 : i32
        %div3A = arith.divsi %add3A_283, %jit3A : i32
        %sign3A = arith.constant 0 : i32
        %sign3A_284 = arith.cmpi sgt, %add3A_283, %sign3A : i32
        %sign3A_285 = arith.extui %sign3A_284 : i1 to i32
        %sign3A_286 = arith.constant 0 : i32
        %sign3A_287 = arith.cmpi slt, %add3A_283, %sign3A_286 : i32
        %sign3A_288 = arith.extui %sign3A_287 : i1 to i32
        %sign3A_289 = arith.subi %sign3A_285, %sign3A_288 : i32
        %sign3A_290 = arith.constant 0 : i32
        %sign3A_291 = arith.cmpi sgt, %jit3A, %sign3A_290 : i32
        %sign3A_292 = arith.extui %sign3A_291 : i1 to i32
        %sign3A_293 = arith.constant 0 : i32
        %sign3A_294 = arith.cmpi slt, %jit3A, %sign3A_293 : i32
        %sign3A_295 = arith.extui %sign3A_294 : i1 to i32
        %sign3A_296 = arith.subi %sign3A_292, %sign3A_295 : i32
        %ne3A = arith.cmpi ne, %sign3A_289, %sign3A_296 : i32
        %rem3A = arith.remsi %add3A_283, %jit3A : i32
        %ne3A_297 = arith.constant 0 : i32
        %ne3A_298 = arith.cmpi ne, %rem3A, %ne3A_297 : i32
        %and3A = arith.andi %ne3A, %ne3A_298 : i1
        %sub3A = arith.constant 1 : i32
        %sub3A_299 = arith.subi %div3A, %sub3A : i32
        %select_n3A = arith.select %and3A, %sub3A_299, %div3A : i32
        %jit3A_300 = arith.constant 8 : i32
        %eq3A = arith.constant 0 : i32
        %eq3A_301 = arith.cmpi eq, %jit3A_300, %eq3A : i32
        %jit3A_302 = arith.constant 1 : i32
        %select_n3A_303 = arith.select %eq3A_301, %jit3A_302, %jit3A_300 : i32
        %rem3A_304 = arith.remsi %add3A_283, %select_n3A_303 : i32
        %ne3A_305 = arith.constant 0 : i32
        %ne3A_306 = arith.cmpi ne, %rem3A_304, %ne3A_305 : i32
        %lt3A_307 = arith.constant 0 : i32
        %lt3A_308 = arith.cmpi slt, %rem3A_304, %lt3A_307 : i32
        %lt3A_309 = arith.constant 0 : i32
        %lt3A_310 = arith.cmpi slt, %select_n3A_303, %lt3A_309 : i32
        %ne3A_311 = arith.xori %lt3A_308, %lt3A_310 : i1
        %and3A_312 = arith.andi %ne3A_311, %ne3A_306 : i1
        %add3A_313 = arith.addi %rem3A_304, %select_n3A_303 : i32
        %select_n3A_314 = arith.select %and3A_312, %add3A_313, %rem3A_304 : i32
        %dma_start3A_315 = arith.constant 0 : i32
        %dma_start3A_316 = tpu.memref_slice %arg2[%select_n3A, %add3A, %select_n3A_314, %dma_start3A_315] : memref<25x32x8x128xi32, #tpu.memory_space<hbm>> -> memref<1x1x1x128xi32, #tpu.memory_space<hbm>>
        %dma_start3A_317 = tpu.memref_squeeze %dma_start3A_316 : memref<1x1x1x128xi32, #tpu.memory_space<hbm>> -> memref<128xi32, #tpu.memory_space<hbm>>
        %dma_start3A_318 = arith.constant 0 : i32
        %dma_start3A_319 = tpu.memref_slice %arg2[%select_n3A, %add3A, %select_n3A_314, %dma_start3A_318] : memref<25x32x8x128xi32, #tpu.memory_space<hbm>> -> memref<1x1x1x128xi32, #tpu.memory_space<hbm>>
        %dma_start3A_320 = tpu.memref_squeeze %dma_start3A_319 : memref<1x1x1x128xi32, #tpu.memory_space<hbm>> -> memref<128xi32, #tpu.memory_space<hbm>>
        tpu.enqueue_dma source(%dma_start3A_320 : memref<128xi32, #tpu.memory_space<hbm>>) target(%arg9 : memref<128xi32, #tpu.memory_space<vmem>>) target_semaphore(%arg23 : memref<!tpu.dma_semaphore, #tpu.memory_space<semaphore_mem>>)
      } else {
      }
      %lt3A_104 = arith.constant 198 : i32
      %lt3A_105 = arith.cmpi slt, %add3A_101, %lt3A_104 : i32
      %convert_element_type3A_106 = arith.extui %lt3A_105 : i1 to i32
      %cond3A_107 = arith.constant 0 : i32
      %cond3A_108 = arith.cmpi ne, %convert_element_type3A_106, %cond3A_107 : i32
      scf.if %cond3A_108 {
        %add3A_282 = arith.constant 2 : i32
        %add3A_283 = arith.addi %add3A_101, %add3A_282 : i32
        %dma_wait3A_284 = arith.constant 0 : i32
        %dma_wait3A_285 = arith.constant 0 : i32
        %dma_wait3A_286 = arith.constant 0 : i32
        %dma_wait3A_287 = arith.constant 0 : i32
        %dma_wait3A_288 = tpu.memref_slice %arg2[%dma_wait3A_284, %dma_wait3A_285, %dma_wait3A_286, %dma_wait3A_287] : memref<25x32x8x128xi32, #tpu.memory_space<hbm>> -> memref<1x1x1x128xi32, #tpu.memory_space<hbm>>
        %dma_wait3A_289 = tpu.memref_squeeze %dma_wait3A_288 : memref<1x1x1x128xi32, #tpu.memory_space<hbm>> -> memref<128xi32, #tpu.memory_space<hbm>>
        %dma_wait3A_290 = arith.constant 0 : i32
        %dma_wait3A_291 = tpu.memref_slice %arg2[%dma_wait3A_284, %dma_wait3A_285, %dma_wait3A_286, %dma_wait3A_290] : memref<25x32x8x128xi32, #tpu.memory_space<hbm>> -> memref<1x1x1x128xi32, #tpu.memory_space<hbm>>
        %dma_wait3A_292 = tpu.memref_squeeze %dma_wait3A_291 : memref<1x1x1x128xi32, #tpu.memory_space<hbm>> -> memref<128xi32, #tpu.memory_space<hbm>>
        tpu.wait_dma2 semaphore(%arg22 : memref<!tpu.dma_semaphore, #tpu.memory_space<semaphore_mem>>) src(%dma_wait3A_292 : memref<128xi32, #tpu.memory_space<hbm>>) dst(%arg8 : memref<128xi32, #tpu.memory_space<vmem>>)
        %dma_start3A_293 = arith.constant 0 : i32
        %dma_start3A_294 = arith.constant 0 : i32
        %dma_start3A_295 = tpu.memref_slice %arg3[%dma_start3A_293, %dma_start3A_294] : memref<100000x64xf32, #tpu.memory_space<hbm>> -> memref<100000x64xf32, #tpu.memory_space<hbm>>
        tpu.enqueue_indirect_dma source(%dma_start3A_295 : memref<100000x64xf32, #tpu.memory_space<hbm>>) target(%arg12 : memref<128x64xf32, #tpu.memory_space<vmem>>) offsets(%arg8 : memref<128xi32, #tpu.memory_space<vmem>>) semaphore(%arg26 : memref<!tpu.dma_semaphore, #tpu.memory_space<semaphore_mem>>)
      } else {
      }
      %ge3A = arith.constant 2 : i32
      %ge3A_109 = arith.cmpi sge, %add3A_101, %ge3A : i32
      %convert_element_type3A_110 = arith.extui %ge3A_109 : i1 to i32
      %cond3A_111 = arith.constant 0 : i32
      %cond3A_112 = arith.cmpi ne, %convert_element_type3A_110, %cond3A_111 : i32
      scf.if %cond3A_112 {
        %dma_wait3A_282 = arith.constant 0 : i32
        %dma_wait3A_283 = arith.constant 0 : i32
        %dma_wait3A_284 = arith.constant 0 : i32
        %dma_wait3A_285 = arith.constant 0 : i32
        %dma_wait3A_286 = tpu.memref_slice %arg5[%dma_wait3A_282, %dma_wait3A_284, %dma_wait3A_283, %dma_wait3A_285] : memref<200x8x32x1024xf32, #tpu.memory_space<hbm>> -> memref<1x8x1x1024xf32, #tpu.memory_space<hbm>>
        %dma_wait3A_287 = tpu.memref_squeeze %dma_wait3A_286 : memref<1x8x1x1024xf32, #tpu.memory_space<hbm>> -> memref<8x1024xf32, #tpu.memory_space<hbm>>
        %dma_wait3A_288 = arith.constant 0 : i32
        %dma_wait3A_289 = arith.constant 0 : i32
        %dma_wait3A_290 = tpu.memref_slice %arg5[%dma_wait3A_282, %dma_wait3A_288, %dma_wait3A_283, %dma_wait3A_289] : memref<200x8x32x1024xf32, #tpu.memory_space<hbm>> -> memref<1x8x1x1024xf32, #tpu.memory_space<hbm>>
        %dma_wait3A_291 = tpu.memref_squeeze %dma_wait3A_290 : memref<1x8x1x1024xf32, #tpu.memory_space<hbm>> -> memref<8x1024xf32, #tpu.memory_space<hbm>>
        tpu.wait_dma2 semaphore(%arg30 : memref<!tpu.dma_semaphore, #tpu.memory_space<semaphore_mem>>) src(%arg16 : memref<8x1024xf32, #tpu.memory_space<vmem>>) dst(%dma_wait3A_291 : memref<8x1024xf32, #tpu.memory_space<hbm>>)
      } else {
      }
      %dma_wait3A_113 = arith.constant 0 : i32
      %dma_wait3A_114 = arith.constant 0 : i32
      %dma_wait3A_115 = tpu.memref_slice %arg3[%dma_wait3A_113, %dma_wait3A_114] : memref<100000x64xf32, #tpu.memory_space<hbm>> -> memref<100000x64xf32, #tpu.memory_space<hbm>>
      tpu.wait_indirect_dma semaphore(%arg24 : memref<!tpu.dma_semaphore, #tpu.memory_space<semaphore_mem>>) src(%dma_wait3A_115 : memref<100000x64xf32, #tpu.memory_space<hbm>>) dst(%arg10 : memref<128x64xf32, #tpu.memory_space<vmem>>)
      %get3A = arith.index_cast %add3A_101 : i32 to index
      %get3A_116 = arith.constant 0 : index
      %get3A_117 = tpu.vector_load %arg19[%get3A, %get3A_116] {strides = array<i32>} : memref<200x64xf32, #tpu.memory_space<vmem>>, vector<16xf32>,
      %get3A_118 = arith.index_cast %add3A_101 : i32 to index
      %get3A_119 = arith.constant 16 : index
      %get3A_120 = tpu.vector_load %arg19[%get3A_118, %get3A_119] {strides = array<i32>} : memref<200x64xf32, #tpu.memory_space<vmem>>, vector<16xf32>,
      %get3A_121 = arith.index_cast %add3A_101 : i32 to index
      %get3A_122 = arith.constant 32 : index
      %get3A_123 = tpu.vector_load %arg19[%get3A_121, %get3A_122] {strides = array<i32>} : memref<200x64xf32, #tpu.memory_space<vmem>>, vector<16xf32>,
      %get3A_124 = arith.index_cast %add3A_101 : i32 to index
      %get3A_125 = arith.constant 48 : index
      %get3A_126 = tpu.vector_load %arg19[%get3A_124, %get3A_125] {strides = array<i32>} : memref<200x64xf32, #tpu.memory_space<vmem>>, vector<16xf32>,
      %parallel_loop3A = arith.constant 0 : i32
      %parallel_loop3A_127 = arith.constant 128 : i32
      %parallel_loop3A_128 = arith.constant 1 : i32
      %parallel_loop3A_129:8 = scf.for %parallel_loop3A_282 = %parallel_loop3A to %parallel_loop3A_127 step %parallel_loop3A_128 iter_args(%parallel_loop3A_283 = %get3A_117, %parallel_loop3A_284 = %get3A_120, %parallel_loop3A_285 = %get3A_123, %parallel_loop3A_286 = %get3A_126, %parallel_loop3A_287 = %mul3A_52, %parallel_loop3A_288 = %mul3A_58, %parallel_loop3A_289 = %mul3A_64, %parallel_loop3A_290 = %mul3A_70) -> (vector<16xf32>, vector<16xf32>, vector<16xf32>, vector<16xf32>, vector<16xi32>, vector<16xi32>, vector<16xi32>, vector<16xi32>)  : i32 {
        %parallel_loop3A_291 = arith.index_cast %parallel_loop3A_282 : i32 to index
        %parallel_loop3A_292 = arith.constant 0 : index
        %parallel_loop3A_293 = tpu.vector_load %arg10[%parallel_loop3A_291, %parallel_loop3A_292] {strides = array<i32>} : memref<128x64xf32, #tpu.memory_space<vmem>>, vector<16xf32>,
        %parallel_loop3A_294 = arith.addf %parallel_loop3A_293, %parallel_loop3A_283 : vector<16xf32>
        %parallel_loop3A_295 = vector.broadcast %parallel_loop3A_282 : i32 to vector<16xi32>
        %parallel_loop3A_296 = arith.addi %parallel_loop3A_287, %parallel_loop3A_295 : vector<16xi32>
        tpu.vector_store_idx %arg18[%parallel_loop3A_296], %parallel_loop3A_294 : memref<8256xf32, #tpu.memory_space<vmem>>[vector<16xi32>], vector<16xf32>,
        %parallel_loop3A_297 = arith.index_cast %parallel_loop3A_282 : i32 to index
        %parallel_loop3A_298 = arith.constant 16 : index
        %parallel_loop3A_299 = tpu.vector_load %arg10[%parallel_loop3A_297, %parallel_loop3A_298] {strides = array<i32>} : memref<128x64xf32, #tpu.memory_space<vmem>>, vector<16xf32>,
        %parallel_loop3A_300 = arith.addf %parallel_loop3A_299, %parallel_loop3A_284 : vector<16xf32>
        %parallel_loop3A_301 = vector.broadcast %parallel_loop3A_282 : i32 to vector<16xi32>
        %parallel_loop3A_302 = arith.addi %parallel_loop3A_288, %parallel_loop3A_301 : vector<16xi32>
        tpu.vector_store_idx %arg18[%parallel_loop3A_302], %parallel_loop3A_300 : memref<8256xf32, #tpu.memory_space<vmem>>[vector<16xi32>], vector<16xf32>,
        %parallel_loop3A_303 = arith.index_cast %parallel_loop3A_282 : i32 to index
        %parallel_loop3A_304 = arith.constant 32 : index
        %parallel_loop3A_305 = tpu.vector_load %arg10[%parallel_loop3A_303, %parallel_loop3A_304] {strides = array<i32>} : memref<128x64xf32, #tpu.memory_space<vmem>>, vector<16xf32>,
        %parallel_loop3A_306 = arith.addf %parallel_loop3A_305, %parallel_loop3A_285 : vector<16xf32>
        %parallel_loop3A_307 = vector.broadcast %parallel_loop3A_282 : i32 to vector<16xi32>
        %parallel_loop3A_308 = arith.addi %parallel_loop3A_289, %parallel_loop3A_307 : vector<16xi32>
        tpu.vector_store_idx %arg18[%parallel_loop3A_308], %parallel_loop3A_306 : memref<8256xf32, #tpu.memory_space<vmem>>[vector<16xi32>], vector<16xf32>,
        %parallel_loop3A_309 = arith.index_cast %parallel_loop3A_282 : i32 to index
        %parallel_loop3A_310 = arith.constant 48 : index
        %parallel_loop3A_311 = tpu.vector_load %arg10[%parallel_loop3A_309, %parallel_loop3A_310] {strides = array<i32>} : memref<128x64xf32, #tpu.memory_space<vmem>>, vector<16xf32>,
        %parallel_loop3A_312 = arith.addf %parallel_loop3A_311, %parallel_loop3A_286 : vector<16xf32>
        %parallel_loop3A_313 = vector.broadcast %parallel_loop3A_282 : i32 to vector<16xi32>
        %parallel_loop3A_314 = arith.addi %parallel_loop3A_290, %parallel_loop3A_313 : vector<16xi32>
        tpu.vector_store_idx %arg18[%parallel_loop3A_314], %parallel_loop3A_312 : memref<8256xf32, #tpu.memory_space<vmem>>[vector<16xi32>], vector<16xf32>,
        scf.yield %parallel_loop3A_283, %parallel_loop3A_284, %parallel_loop3A_285, %parallel_loop3A_286, %parallel_loop3A_287, %parallel_loop3A_288, %parallel_loop3A_289, %parallel_loop3A_290 : vector<16xf32>, vector<16xf32>, vector<16xf32>, vector<16xf32>, vector<16xi32>, vector<16xi32>, vector<16xi32>, vector<16xi32>
      } {sc.loop_unroll_factor = 8 : i64, sc.parallel_access}
      %parallel_loop3A_130 = arith.constant 0 : i32
      %parallel_loop3A_131 = arith.constant 64 : i32
      %parallel_loop3A_132 = arith.constant 1 : i32
      scf.for %parallel_loop3A_282 = %parallel_loop3A_130 to %parallel_loop3A_131 step %parallel_loop3A_132  : i32 {
        %parallel_loop3A_283 = arith.constant 8 : i32
        %parallel_loop3A_284 = arith.divsi %parallel_loop3A_282, %parallel_loop3A_283 : i32
        %parallel_loop3A_285 = arith.constant 0 : i32
        %parallel_loop3A_286 = arith.cmpi sgt, %parallel_loop3A_282, %parallel_loop3A_285 : i32
        %parallel_loop3A_287 = arith.extui %parallel_loop3A_286 : i1 to i32
        %parallel_loop3A_288 = arith.constant 0 : i32
        %parallel_loop3A_289 = arith.cmpi slt, %parallel_loop3A_282, %parallel_loop3A_288 : i32
        %parallel_loop3A_290 = arith.extui %parallel_loop3A_289 : i1 to i32
        %parallel_loop3A_291 = arith.subi %parallel_loop3A_287, %parallel_loop3A_290 : i32
        %parallel_loop3A_292 = arith.constant 0 : i32
        %parallel_loop3A_293 = arith.cmpi sgt, %parallel_loop3A_283, %parallel_loop3A_292 : i32
        %parallel_loop3A_294 = arith.extui %parallel_loop3A_293 : i1 to i32
        %parallel_loop3A_295 = arith.constant 0 : i32
        %parallel_loop3A_296 = arith.cmpi slt, %parallel_loop3A_283, %parallel_loop3A_295 : i32
        %parallel_loop3A_297 = arith.extui %parallel_loop3A_296 : i1 to i32
        %parallel_loop3A_298 = arith.subi %parallel_loop3A_294, %parallel_loop3A_297 : i32
        %parallel_loop3A_299 = arith.cmpi ne, %parallel_loop3A_291, %parallel_loop3A_298 : i32
        %parallel_loop3A_300 = arith.remsi %parallel_loop3A_282, %parallel_loop3A_283 : i32
        %parallel_loop3A_301 = arith.constant 0 : i32
        %parallel_loop3A_302 = arith.cmpi ne, %parallel_loop3A_300, %parallel_loop3A_301 : i32
        %parallel_loop3A_303 = arith.andi %parallel_loop3A_299, %parallel_loop3A_302 : i1
        %parallel_loop3A_304 = arith.constant 1 : i32
        %parallel_loop3A_305 = arith.subi %parallel_loop3A_284, %parallel_loop3A_304 : i32
        %parallel_loop3A_306 = arith.select %parallel_loop3A_303, %parallel_loop3A_305, %parallel_loop3A_284 : i32
        %parallel_loop3A_307 = arith.constant 8 : i32
        %parallel_loop3A_308 = arith.muli %parallel_loop3A_306, %parallel_loop3A_307 : i32
        %parallel_loop3A_309 = arith.subi %parallel_loop3A_282, %parallel_loop3A_308 : i32
        %parallel_loop3A_310 = arith.constant 129 : i32
        %parallel_loop3A_311 = arith.muli %parallel_loop3A_282, %parallel_loop3A_310 : i32
        %parallel_loop3A_312 = arith.constant 0 : i32
        %parallel_loop3A_313 = arith.addi %parallel_loop3A_311, %parallel_loop3A_312 : i32
        %parallel_loop3A_314 = arith.index_cast %parallel_loop3A_313 : i32 to index
        %parallel_loop3A_315 = tpu.vector_load %arg18[%parallel_loop3A_314] {strides = array<i32>} : memref<8256xf32, #tpu.memory_space<vmem>>, vector<16xf32>,
        %parallel_loop3A_316 = arith.constant 128 : i32
        %parallel_loop3A_317 = arith.muli %parallel_loop3A_309, %parallel_loop3A_316 : i32
        %parallel_loop3A_318 = arith.constant 0 : i32
        %parallel_loop3A_319 = arith.addi %parallel_loop3A_317, %parallel_loop3A_318 : i32
        %parallel_loop3A_320 = arith.index_cast %parallel_loop3A_306 : i32 to index
        %parallel_loop3A_321 = arith.index_cast %parallel_loop3A_319 : i32 to index
        %parallel_loop3A_322 = tpu.vector_load %arg14[%parallel_loop3A_320, %parallel_loop3A_321] {strides = array<i32>} : memref<8x1024xf32, #tpu.memory_space<vmem>>, vector<16xf32>,
        tpu.vector_store %arg14[%parallel_loop3A_320, %parallel_loop3A_321], %parallel_loop3A_315 {strides = array<i32>} : memref<8x1024xf32, #tpu.memory_space<vmem>>, vector<16xf32>,
        %parallel_loop3A_323 = arith.constant 129 : i32
        %parallel_loop3A_324 = arith.muli %parallel_loop3A_282, %parallel_loop3A_323 : i32
        %parallel_loop3A_325 = arith.constant 16 : i32
        %parallel_loop3A_326 = arith.addi %parallel_loop3A_324, %parallel_loop3A_325 : i32
        %parallel_loop3A_327 = arith.index_cast %parallel_loop3A_326 : i32 to index
        %parallel_loop3A_328 = tpu.vector_load %arg18[%parallel_loop3A_327] {strides = array<i32>} : memref<8256xf32, #tpu.memory_space<vmem>>, vector<16xf32>,
        %parallel_loop3A_329 = arith.constant 128 : i32
        %parallel_loop3A_330 = arith.muli %parallel_loop3A_309, %parallel_loop3A_329 : i32
        %parallel_loop3A_331 = arith.constant 16 : i32
        %parallel_loop3A_332 = arith.addi %parallel_loop3A_330, %parallel_loop3A_331 : i32
        %parallel_loop3A_333 = arith.index_cast %parallel_loop3A_306 : i32 to index
        %parallel_loop3A_334 = arith.index_cast %parallel_loop3A_332 : i32 to index
        %parallel_loop3A_335 = tpu.vector_load %arg14[%parallel_loop3A_333, %parallel_loop3A_334] {strides = array<i32>} : memref<8x1024xf32, #tpu.memory_space<vmem>>, vector<16xf32>,
        tpu.vector_store %arg14[%parallel_loop3A_333, %parallel_loop3A_334], %parallel_loop3A_328 {strides = array<i32>} : memref<8x1024xf32, #tpu.memory_space<vmem>>, vector<16xf32>,
        %parallel_loop3A_336 = arith.constant 129 : i32
        %parallel_loop3A_337 = arith.muli %parallel_loop3A_282, %parallel_loop3A_336 : i32
        %parallel_loop3A_338 = arith.constant 32 : i32
        %parallel_loop3A_339 = arith.addi %parallel_loop3A_337, %parallel_loop3A_338 : i32
        %parallel_loop3A_340 = arith.index_cast %parallel_loop3A_339 : i32 to index
        %parallel_loop3A_341 = tpu.vector_load %arg18[%parallel_loop3A_340] {strides = array<i32>} : memref<8256xf32, #tpu.memory_space<vmem>>, vector<16xf32>,
        %parallel_loop3A_342 = arith.constant 128 : i32
        %parallel_loop3A_343 = arith.muli %parallel_loop3A_309, %parallel_loop3A_342 : i32
        %parallel_loop3A_344 = arith.constant 32 : i32
        %parallel_loop3A_345 = arith.addi %parallel_loop3A_343, %parallel_loop3A_344 : i32
        %parallel_loop3A_346 = arith.index_cast %parallel_loop3A_306 : i32 to index
        %parallel_loop3A_347 = arith.index_cast %parallel_loop3A_345 : i32 to index
        %parallel_loop3A_348 = tpu.vector_load %arg14[%parallel_loop3A_346, %parallel_loop3A_347] {strides = array<i32>} : memref<8x1024xf32, #tpu.memory_space<vmem>>, vector<16xf32>,
        tpu.vector_store %arg14[%parallel_loop3A_346, %parallel_loop3A_347], %parallel_loop3A_341 {strides = array<i32>} : memref<8x1024xf32, #tpu.memory_space<vmem>>, vector<16xf32>,
        %parallel_loop3A_349 = arith.constant 129 : i32
        %parallel_loop3A_350 = arith.muli %parallel_loop3A_282, %parallel_loop3A_349 : i32
        %parallel_loop3A_351 = arith.constant 48 : i32
        %parallel_loop3A_352 = arith.addi %parallel_loop3A_350, %parallel_loop3A_351 : i32
        %parallel_loop3A_353 = arith.index_cast %parallel_loop3A_352 : i32 to index
        %parallel_loop3A_354 = tpu.vector_load %arg18[%parallel_loop3A_353] {strides = array<i32>} : memref<8256xf32, #tpu.memory_space<vmem>>, vector<16xf32>,
        %parallel_loop3A_355 = arith.constant 128 : i32
        %parallel_loop3A_356 = arith.muli %parallel_loop3A_309, %parallel_loop3A_355 : i32
        %parallel_loop3A_357 = arith.constant 48 : i32
        %parallel_loop3A_358 = arith.addi %parallel_loop3A_356, %parallel_loop3A_357 : i32
        %parallel_loop3A_359 = arith.index_cast %parallel_loop3A_306 : i32 to index
        %parallel_loop3A_360 = arith.index_cast %parallel_loop3A_358 : i32 to index
        %parallel_loop3A_361 = tpu.vector_load %arg14[%parallel_loop3A_359, %parallel_loop3A_360] {strides = array<i32>} : memref<8x1024xf32, #tpu.memory_space<vmem>>, vector<16xf32>,
        tpu.vector_store %arg14[%parallel_loop3A_359, %parallel_loop3A_360], %parallel_loop3A_354 {strides = array<i32>} : memref<8x1024xf32, #tpu.memory_space<vmem>>, vector<16xf32>,
        %parallel_loop3A_362 = arith.constant 129 : i32
        %parallel_loop3A_363 = arith.muli %parallel_loop3A_282, %parallel_loop3A_362 : i32
        %parallel_loop3A_364 = arith.constant 64 : i32
        %parallel_loop3A_365 = arith.addi %parallel_loop3A_363, %parallel_loop3A_364 : i32
        %parallel_loop3A_366 = arith.index_cast %parallel_loop3A_365 : i32 to index
        %parallel_loop3A_367 = tpu.vector_load %arg18[%parallel_loop3A_366] {strides = array<i32>} : memref<8256xf32, #tpu.memory_space<vmem>>, vector<16xf32>,
        %parallel_loop3A_368 = arith.constant 128 : i32
        %parallel_loop3A_369 = arith.muli %parallel_loop3A_309, %parallel_loop3A_368 : i32
        %parallel_loop3A_370 = arith.constant 64 : i32
        %parallel_loop3A_371 = arith.addi %parallel_loop3A_369, %parallel_loop3A_370 : i32
        %parallel_loop3A_372 = arith.index_cast %parallel_loop3A_306 : i32 to index
        %parallel_loop3A_373 = arith.index_cast %parallel_loop3A_371 : i32 to index
        %parallel_loop3A_374 = tpu.vector_load %arg14[%parallel_loop3A_372, %parallel_loop3A_373] {strides = array<i32>} : memref<8x1024xf32, #tpu.memory_space<vmem>>, vector<16xf32>,
        tpu.vector_store %arg14[%parallel_loop3A_372, %parallel_loop3A_373], %parallel_loop3A_367 {strides = array<i32>} : memref<8x1024xf32, #tpu.memory_space<vmem>>, vector<16xf32>,
        %parallel_loop3A_375 = arith.constant 129 : i32
        %parallel_loop3A_376 = arith.muli %parallel_loop3A_282, %parallel_loop3A_375 : i32
        %parallel_loop3A_377 = arith.constant 80 : i32
        %parallel_loop3A_378 = arith.addi %parallel_loop3A_376, %parallel_loop3A_377 : i32
        %parallel_loop3A_379 = arith.index_cast %parallel_loop3A_378 : i32 to index
        %parallel_loop3A_380 = tpu.vector_load %arg18[%parallel_loop3A_379] {strides = array<i32>} : memref<8256xf32, #tpu.memory_space<vmem>>, vector<16xf32>,
        %parallel_loop3A_381 = arith.constant 128 : i32
        %parallel_loop3A_382 = arith.muli %parallel_loop3A_309, %parallel_loop3A_381 : i32
        %parallel_loop3A_383 = arith.constant 80 : i32
        %parallel_loop3A_384 = arith.addi %parallel_loop3A_382, %parallel_loop3A_383 : i32
        %parallel_loop3A_385 = arith.index_cast %parallel_loop3A_306 : i32 to index
        %parallel_loop3A_386 = arith.index_cast %parallel_loop3A_384 : i32 to index
        %parallel_loop3A_387 = tpu.vector_load %arg14[%parallel_loop3A_385, %parallel_loop3A_386] {strides = array<i32>} : memref<8x1024xf32, #tpu.memory_space<vmem>>, vector<16xf32>,
        tpu.vector_store %arg14[%parallel_loop3A_385, %parallel_loop3A_386], %parallel_loop3A_380 {strides = array<i32>} : memref<8x1024xf32, #tpu.memory_space<vmem>>, vector<16xf32>,
        %parallel_loop3A_388 = arith.constant 129 : i32
        %parallel_loop3A_389 = arith.muli %parallel_loop3A_282, %parallel_loop3A_388 : i32
        %parallel_loop3A_390 = arith.constant 96 : i32
        %parallel_loop3A_391 = arith.addi %parallel_loop3A_389, %parallel_loop3A_390 : i32
        %parallel_loop3A_392 = arith.index_cast %parallel_loop3A_391 : i32 to index
        %parallel_loop3A_393 = tpu.vector_load %arg18[%parallel_loop3A_392] {strides = array<i32>} : memref<8256xf32, #tpu.memory_space<vmem>>, vector<16xf32>,
        %parallel_loop3A_394 = arith.constant 128 : i32
        %parallel_loop3A_395 = arith.muli %parallel_loop3A_309, %parallel_loop3A_394 : i32
        %parallel_loop3A_396 = arith.constant 96 : i32
        %parallel_loop3A_397 = arith.addi %parallel_loop3A_395, %parallel_loop3A_396 : i32
        %parallel_loop3A_398 = arith.index_cast %parallel_loop3A_306 : i32 to index
        %parallel_loop3A_399 = arith.index_cast %parallel_loop3A_397 : i32 to index
        %parallel_loop3A_400 = tpu.vector_load %arg14[%parallel_loop3A_398, %parallel_loop3A_399] {strides = array<i32>} : memref<8x1024xf32, #tpu.memory_space<vmem>>, vector<16xf32>,
        tpu.vector_store %arg14[%parallel_loop3A_398, %parallel_loop3A_399], %parallel_loop3A_393 {strides = array<i32>} : memref<8x1024xf32, #tpu.memory_space<vmem>>, vector<16xf32>,
        %parallel_loop3A_401 = arith.constant 129 : i32
        %parallel_loop3A_402 = arith.muli %parallel_loop3A_282, %parallel_loop3A_401 : i32
        %parallel_loop3A_403 = arith.constant 112 : i32
        %parallel_loop3A_404 = arith.addi %parallel_loop3A_402, %parallel_loop3A_403 : i32
        %parallel_loop3A_405 = arith.index_cast %parallel_loop3A_404 : i32 to index
        %parallel_loop3A_406 = tpu.vector_load %arg18[%parallel_loop3A_405] {strides = array<i32>} : memref<8256xf32, #tpu.memory_space<vmem>>, vector<16xf32>,
        %parallel_loop3A_407 = arith.constant 128 : i32
        %parallel_loop3A_408 = arith.muli %parallel_loop3A_309, %parallel_loop3A_407 : i32
        %parallel_loop3A_409 = arith.constant 112 : i32
        %parallel_loop3A_410 = arith.addi %parallel_loop3A_408, %parallel_loop3A_409 : i32
        %parallel_loop3A_411 = arith.index_cast %parallel_loop3A_306 : i32 to index
        %parallel_loop3A_412 = arith.index_cast %parallel_loop3A_410 : i32 to index
        %parallel_loop3A_413 = tpu.vector_load %arg14[%parallel_loop3A_411, %parallel_loop3A_412] {strides = array<i32>} : memref<8x1024xf32, #tpu.memory_space<vmem>>, vector<16xf32>,
        tpu.vector_store %arg14[%parallel_loop3A_411, %parallel_loop3A_412], %parallel_loop3A_406 {strides = array<i32>} : memref<8x1024xf32, #tpu.memory_space<vmem>>, vector<16xf32>,
      } {sc.loop_unroll_factor = 8 : i64, sc.parallel_access}
      %dma_start3A_133 = arith.constant 0 : i32
      %dma_start3A_134 = arith.constant 0 : i32
      %dma_start3A_135 = tpu.memref_slice %arg5[%add3A_101, %dma_start3A_133, %add3A, %dma_start3A_134] : memref<200x8x32x1024xf32, #tpu.memory_space<hbm>> -> memref<1x8x1x1024xf32, #tpu.memory_space<hbm>>
      %dma_start3A_136 = tpu.memref_squeeze %dma_start3A_135 : memref<1x8x1x1024xf32, #tpu.memory_space<hbm>> -> memref<8x1024xf32, #tpu.memory_space<hbm>>
      %dma_start3A_137 = arith.constant 0 : i32
      %dma_start3A_138 = arith.constant 0 : i32
      %dma_start3A_139 = tpu.memref_slice %arg5[%add3A_101, %dma_start3A_137, %add3A, %dma_start3A_138] : memref<200x8x32x1024xf32, #tpu.memory_space<hbm>> -> memref<1x8x1x1024xf32, #tpu.memory_space<hbm>>
      %dma_start3A_140 = tpu.memref_squeeze %dma_start3A_139 : memref<1x8x1x1024xf32, #tpu.memory_space<hbm>> -> memref<8x1024xf32, #tpu.memory_space<hbm>>
      tpu.enqueue_dma source(%arg14 : memref<8x1024xf32, #tpu.memory_space<vmem>>) target(%dma_start3A_140 : memref<8x1024xf32, #tpu.memory_space<hbm>>) target_semaphore(%arg28 : memref<!tpu.dma_semaphore, #tpu.memory_space<semaphore_mem>>)
      %add3A_141 = arith.constant 1 : i32
      %add3A_142 = arith.addi %add3A_99, %add3A_141 : i32
      %lt3A_143 = arith.constant 197 : i32
      %lt3A_144 = arith.cmpi slt, %add3A_142, %lt3A_143 : i32
      %convert_element_type3A_145 = arith.extui %lt3A_144 : i1 to i32
      %cond3A_146 = arith.constant 0 : i32
      %cond3A_147 = arith.cmpi ne, %convert_element_type3A_145, %cond3A_146 : i32
      scf.if %cond3A_147 {
        %add3A_282 = arith.constant 3 : i32
        %add3A_283 = arith.addi %add3A_142, %add3A_282 : i32
        %jit3A = arith.constant 8 : i32
        %div3A = arith.divsi %add3A_283, %jit3A : i32
        %sign3A = arith.constant 0 : i32
        %sign3A_284 = arith.cmpi sgt, %add3A_283, %sign3A : i32
        %sign3A_285 = arith.extui %sign3A_284 : i1 to i32
        %sign3A_286 = arith.constant 0 : i32
        %sign3A_287 = arith.cmpi slt, %add3A_283, %sign3A_286 : i32
        %sign3A_288 = arith.extui %sign3A_287 : i1 to i32
        %sign3A_289 = arith.subi %sign3A_285, %sign3A_288 : i32
        %sign3A_290 = arith.constant 0 : i32
        %sign3A_291 = arith.cmpi sgt, %jit3A, %sign3A_290 : i32
        %sign3A_292 = arith.extui %sign3A_291 : i1 to i32
        %sign3A_293 = arith.constant 0 : i32
        %sign3A_294 = arith.cmpi slt, %jit3A, %sign3A_293 : i32
        %sign3A_295 = arith.extui %sign3A_294 : i1 to i32
        %sign3A_296 = arith.subi %sign3A_292, %sign3A_295 : i32
        %ne3A = arith.cmpi ne, %sign3A_289, %sign3A_296 : i32
        %rem3A = arith.remsi %add3A_283, %jit3A : i32
        %ne3A_297 = arith.constant 0 : i32
        %ne3A_298 = arith.cmpi ne, %rem3A, %ne3A_297 : i32
        %and3A = arith.andi %ne3A, %ne3A_298 : i1
        %sub3A = arith.constant 1 : i32
        %sub3A_299 = arith.subi %div3A, %sub3A : i32
        %select_n3A = arith.select %and3A, %sub3A_299, %div3A : i32
        %jit3A_300 = arith.constant 8 : i32
        %eq3A = arith.constant 0 : i32
        %eq3A_301 = arith.cmpi eq, %jit3A_300, %eq3A : i32
        %jit3A_302 = arith.constant 1 : i32
        %select_n3A_303 = arith.select %eq3A_301, %jit3A_302, %jit3A_300 : i32
        %rem3A_304 = arith.remsi %add3A_283, %select_n3A_303 : i32
        %ne3A_305 = arith.constant 0 : i32
        %ne3A_306 = arith.cmpi ne, %rem3A_304, %ne3A_305 : i32
        %lt3A_307 = arith.constant 0 : i32
        %lt3A_308 = arith.cmpi slt, %rem3A_304, %lt3A_307 : i32
        %lt3A_309 = arith.constant 0 : i32
        %lt3A_310 = arith.cmpi slt, %select_n3A_303, %lt3A_309 : i32
        %ne3A_311 = arith.xori %lt3A_308, %lt3A_310 : i1
        %and3A_312 = arith.andi %ne3A_311, %ne3A_306 : i1
        %add3A_313 = arith.addi %rem3A_304, %select_n3A_303 : i32
        %select_n3A_314 = arith.select %and3A_312, %add3A_313, %rem3A_304 : i32
        %dma_start3A_315 = arith.constant 0 : i32
        %dma_start3A_316 = tpu.memref_slice %arg2[%select_n3A, %add3A, %select_n3A_314, %dma_start3A_315] : memref<25x32x8x128xi32, #tpu.memory_space<hbm>> -> memref<1x1x1x128xi32, #tpu.memory_space<hbm>>
        %dma_start3A_317 = tpu.memref_squeeze %dma_start3A_316 : memref<1x1x1x128xi32, #tpu.memory_space<hbm>> -> memref<128xi32, #tpu.memory_space<hbm>>
        %dma_start3A_318 = arith.constant 0 : i32
        %dma_start3A_319 = tpu.memref_slice %arg2[%select_n3A, %add3A, %select_n3A_314, %dma_start3A_318] : memref<25x32x8x128xi32, #tpu.memory_space<hbm>> -> memref<1x1x1x128xi32, #tpu.memory_space<hbm>>
        %dma_start3A_320 = tpu.memref_squeeze %dma_start3A_319 : memref<1x1x1x128xi32, #tpu.memory_space<hbm>> -> memref<128xi32, #tpu.memory_space<hbm>>
        tpu.enqueue_dma source(%dma_start3A_320 : memref<128xi32, #tpu.memory_space<hbm>>) target(%arg6 : memref<128xi32, #tpu.memory_space<vmem>>) target_semaphore(%arg20 : memref<!tpu.dma_semaphore, #tpu.memory_space<semaphore_mem>>)
      } else {
      }
      %lt3A_148 = arith.constant 198 : i32
      %lt3A_149 = arith.cmpi slt, %add3A_142, %lt3A_148 : i32
      %convert_element_type3A_150 = arith.extui %lt3A_149 : i1 to i32
      %cond3A_151 = arith.constant 0 : i32
      %cond3A_152 = arith.cmpi ne, %convert_element_type3A_150, %cond3A_151 : i32
      scf.if %cond3A_152 {
        %add3A_282 = arith.constant 2 : i32
        %add3A_283 = arith.addi %add3A_142, %add3A_282 : i32
        %dma_wait3A_284 = arith.constant 0 : i32
        %dma_wait3A_285 = arith.constant 0 : i32
        %dma_wait3A_286 = arith.constant 0 : i32
        %dma_wait3A_287 = arith.constant 0 : i32
        %dma_wait3A_288 = tpu.memref_slice %arg2[%dma_wait3A_284, %dma_wait3A_285, %dma_wait3A_286, %dma_wait3A_287] : memref<25x32x8x128xi32, #tpu.memory_space<hbm>> -> memref<1x1x1x128xi32, #tpu.memory_space<hbm>>
        %dma_wait3A_289 = tpu.memref_squeeze %dma_wait3A_288 : memref<1x1x1x128xi32, #tpu.memory_space<hbm>> -> memref<128xi32, #tpu.memory_space<hbm>>
        %dma_wait3A_290 = arith.constant 0 : i32
        %dma_wait3A_291 = tpu.memref_slice %arg2[%dma_wait3A_284, %dma_wait3A_285, %dma_wait3A_286, %dma_wait3A_290] : memref<25x32x8x128xi32, #tpu.memory_space<hbm>> -> memref<1x1x1x128xi32, #tpu.memory_space<hbm>>
        %dma_wait3A_292 = tpu.memref_squeeze %dma_wait3A_291 : memref<1x1x1x128xi32, #tpu.memory_space<hbm>> -> memref<128xi32, #tpu.memory_space<hbm>>
        tpu.wait_dma2 semaphore(%arg23 : memref<!tpu.dma_semaphore, #tpu.memory_space<semaphore_mem>>) src(%dma_wait3A_292 : memref<128xi32, #tpu.memory_space<hbm>>) dst(%arg9 : memref<128xi32, #tpu.memory_space<vmem>>)
        %dma_start3A_293 = arith.constant 0 : i32
        %dma_start3A_294 = arith.constant 0 : i32
        %dma_start3A_295 = tpu.memref_slice %arg3[%dma_start3A_293, %dma_start3A_294] : memref<100000x64xf32, #tpu.memory_space<hbm>> -> memref<100000x64xf32, #tpu.memory_space<hbm>>
        tpu.enqueue_indirect_dma source(%dma_start3A_295 : memref<100000x64xf32, #tpu.memory_space<hbm>>) target(%arg13 : memref<128x64xf32, #tpu.memory_space<vmem>>) offsets(%arg9 : memref<128xi32, #tpu.memory_space<vmem>>) semaphore(%arg27 : memref<!tpu.dma_semaphore, #tpu.memory_space<semaphore_mem>>)
      } else {
      }
      %ge3A_153 = arith.constant 2 : i32
      %ge3A_154 = arith.cmpi sge, %add3A_142, %ge3A_153 : i32
      %convert_element_type3A_155 = arith.extui %ge3A_154 : i1 to i32
      %cond3A_156 = arith.constant 0 : i32
      %cond3A_157 = arith.cmpi ne, %convert_element_type3A_155, %cond3A_156 : i32
      scf.if %cond3A_157 {
        %dma_wait3A_282 = arith.constant 0 : i32
        %dma_wait3A_283 = arith.constant 0 : i32
        %dma_wait3A_284 = arith.constant 0 : i32
        %dma_wait3A_285 = arith.constant 0 : i32
        %dma_wait3A_286 = tpu.memref_slice %arg5[%dma_wait3A_282, %dma_wait3A_284, %dma_wait3A_283, %dma_wait3A_285] : memref<200x8x32x1024xf32, #tpu.memory_space<hbm>> -> memref<1x8x1x1024xf32, #tpu.memory_space<hbm>>
        %dma_wait3A_287 = tpu.memref_squeeze %dma_wait3A_286 : memref<1x8x1x1024xf32, #tpu.memory_space<hbm>> -> memref<8x1024xf32, #tpu.memory_space<hbm>>
        %dma_wait3A_288 = arith.constant 0 : i32
        %dma_wait3A_289 = arith.constant 0 : i32
        %dma_wait3A_290 = tpu.memref_slice %arg5[%dma_wait3A_282, %dma_wait3A_288, %dma_wait3A_283, %dma_wait3A_289] : memref<200x8x32x1024xf32, #tpu.memory_space<hbm>> -> memref<1x8x1x1024xf32, #tpu.memory_space<hbm>>
        %dma_wait3A_291 = tpu.memref_squeeze %dma_wait3A_290 : memref<1x8x1x1024xf32, #tpu.memory_space<hbm>> -> memref<8x1024xf32, #tpu.memory_space<hbm>>
        tpu.wait_dma2 semaphore(%arg31 : memref<!tpu.dma_semaphore, #tpu.memory_space<semaphore_mem>>) src(%arg17 : memref<8x1024xf32, #tpu.memory_space<vmem>>) dst(%dma_wait3A_291 : memref<8x1024xf32, #tpu.memory_space<hbm>>)
      } else {
      }
      %dma_wait3A_158 = arith.constant 0 : i32
      %dma_wait3A_159 = arith.constant 0 : i32
      %dma_wait3A_160 = tpu.memref_slice %arg3[%dma_wait3A_158, %dma_wait3A_159] : memref<100000x64xf32, #tpu.memory_space<hbm>> -> memref<100000x64xf32, #tpu.memory_space<hbm>>
      tpu.wait_indirect_dma semaphore(%arg25 : memref<!tpu.dma_semaphore, #tpu.memory_space<semaphore_mem>>) src(%dma_wait3A_160 : memref<100000x64xf32, #tpu.memory_space<hbm>>) dst(%arg11 : memref<128x64xf32, #tpu.memory_space<vmem>>)
      %get3A_161 = arith.index_cast %add3A_142 : i32 to index
      %get3A_162 = arith.constant 0 : index
      %get3A_163 = tpu.vector_load %arg19[%get3A_161, %get3A_162] {strides = array<i32>} : memref<200x64xf32, #tpu.memory_space<vmem>>, vector<16xf32>,
      %get3A_164 = arith.index_cast %add3A_142 : i32 to index
      %get3A_165 = arith.constant 16 : index
      %get3A_166 = tpu.vector_load %arg19[%get3A_164, %get3A_165] {strides = array<i32>} : memref<200x64xf32, #tpu.memory_space<vmem>>, vector<16xf32>,
      %get3A_167 = arith.index_cast %add3A_142 : i32 to index
      %get3A_168 = arith.constant 32 : index
      %get3A_169 = tpu.vector_load %arg19[%get3A_167, %get3A_168] {strides = array<i32>} : memref<200x64xf32, #tpu.memory_space<vmem>>, vector<16xf32>,
      %get3A_170 = arith.index_cast %add3A_142 : i32 to index
      %get3A_171 = arith.constant 48 : index
      %get3A_172 = tpu.vector_load %arg19[%get3A_170, %get3A_171] {strides = array<i32>} : memref<200x64xf32, #tpu.memory_space<vmem>>, vector<16xf32>,
      %parallel_loop3A_173 = arith.constant 0 : i32
      %parallel_loop3A_174 = arith.constant 128 : i32
      %parallel_loop3A_175 = arith.constant 1 : i32
      %parallel_loop3A_176:8 = scf.for %parallel_loop3A_282 = %parallel_loop3A_173 to %parallel_loop3A_174 step %parallel_loop3A_175 iter_args(%parallel_loop3A_283 = %get3A_163, %parallel_loop3A_284 = %get3A_166, %parallel_loop3A_285 = %get3A_169, %parallel_loop3A_286 = %get3A_172, %parallel_loop3A_287 = %mul3A_52, %parallel_loop3A_288 = %mul3A_58, %parallel_loop3A_289 = %mul3A_64, %parallel_loop3A_290 = %mul3A_70) -> (vector<16xf32>, vector<16xf32>, vector<16xf32>, vector<16xf32>, vector<16xi32>, vector<16xi32>, vector<16xi32>, vector<16xi32>)  : i32 {
        %parallel_loop3A_291 = arith.index_cast %parallel_loop3A_282 : i32 to index
        %parallel_loop3A_292 = arith.constant 0 : index
        %parallel_loop3A_293 = tpu.vector_load %arg11[%parallel_loop3A_291, %parallel_loop3A_292] {strides = array<i32>} : memref<128x64xf32, #tpu.memory_space<vmem>>, vector<16xf32>,
        %parallel_loop3A_294 = arith.addf %parallel_loop3A_293, %parallel_loop3A_283 : vector<16xf32>
        %parallel_loop3A_295 = vector.broadcast %parallel_loop3A_282 : i32 to vector<16xi32>
        %parallel_loop3A_296 = arith.addi %parallel_loop3A_287, %parallel_loop3A_295 : vector<16xi32>
        tpu.vector_store_idx %arg18[%parallel_loop3A_296], %parallel_loop3A_294 : memref<8256xf32, #tpu.memory_space<vmem>>[vector<16xi32>], vector<16xf32>,
        %parallel_loop3A_297 = arith.index_cast %parallel_loop3A_282 : i32 to index
        %parallel_loop3A_298 = arith.constant 16 : index
        %parallel_loop3A_299 = tpu.vector_load %arg11[%parallel_loop3A_297, %parallel_loop3A_298] {strides = array<i32>} : memref<128x64xf32, #tpu.memory_space<vmem>>, vector<16xf32>,
        %parallel_loop3A_300 = arith.addf %parallel_loop3A_299, %parallel_loop3A_284 : vector<16xf32>
        %parallel_loop3A_301 = vector.broadcast %parallel_loop3A_282 : i32 to vector<16xi32>
        %parallel_loop3A_302 = arith.addi %parallel_loop3A_288, %parallel_loop3A_301 : vector<16xi32>
        tpu.vector_store_idx %arg18[%parallel_loop3A_302], %parallel_loop3A_300 : memref<8256xf32, #tpu.memory_space<vmem>>[vector<16xi32>], vector<16xf32>,
        %parallel_loop3A_303 = arith.index_cast %parallel_loop3A_282 : i32 to index
        %parallel_loop3A_304 = arith.constant 32 : index
        %parallel_loop3A_305 = tpu.vector_load %arg11[%parallel_loop3A_303, %parallel_loop3A_304] {strides = array<i32>} : memref<128x64xf32, #tpu.memory_space<vmem>>, vector<16xf32>,
        %parallel_loop3A_306 = arith.addf %parallel_loop3A_305, %parallel_loop3A_285 : vector<16xf32>
        %parallel_loop3A_307 = vector.broadcast %parallel_loop3A_282 : i32 to vector<16xi32>
        %parallel_loop3A_308 = arith.addi %parallel_loop3A_289, %parallel_loop3A_307 : vector<16xi32>
        tpu.vector_store_idx %arg18[%parallel_loop3A_308], %parallel_loop3A_306 : memref<8256xf32, #tpu.memory_space<vmem>>[vector<16xi32>], vector<16xf32>,
        %parallel_loop3A_309 = arith.index_cast %parallel_loop3A_282 : i32 to index
        %parallel_loop3A_310 = arith.constant 48 : index
        %parallel_loop3A_311 = tpu.vector_load %arg11[%parallel_loop3A_309, %parallel_loop3A_310] {strides = array<i32>} : memref<128x64xf32, #tpu.memory_space<vmem>>, vector<16xf32>,
        %parallel_loop3A_312 = arith.addf %parallel_loop3A_311, %parallel_loop3A_286 : vector<16xf32>
        %parallel_loop3A_313 = vector.broadcast %parallel_loop3A_282 : i32 to vector<16xi32>
        %parallel_loop3A_314 = arith.addi %parallel_loop3A_290, %parallel_loop3A_313 : vector<16xi32>
        tpu.vector_store_idx %arg18[%parallel_loop3A_314], %parallel_loop3A_312 : memref<8256xf32, #tpu.memory_space<vmem>>[vector<16xi32>], vector<16xf32>,
        scf.yield %parallel_loop3A_283, %parallel_loop3A_284, %parallel_loop3A_285, %parallel_loop3A_286, %parallel_loop3A_287, %parallel_loop3A_288, %parallel_loop3A_289, %parallel_loop3A_290 : vector<16xf32>, vector<16xf32>, vector<16xf32>, vector<16xf32>, vector<16xi32>, vector<16xi32>, vector<16xi32>, vector<16xi32>
      } {sc.loop_unroll_factor = 8 : i64, sc.parallel_access}
      %parallel_loop3A_177 = arith.constant 0 : i32
      %parallel_loop3A_178 = arith.constant 64 : i32
      %parallel_loop3A_179 = arith.constant 1 : i32
      scf.for %parallel_loop3A_282 = %parallel_loop3A_177 to %parallel_loop3A_178 step %parallel_loop3A_179  : i32 {
        %parallel_loop3A_283 = arith.constant 8 : i32
        %parallel_loop3A_284 = arith.divsi %parallel_loop3A_282, %parallel_loop3A_283 : i32
        %parallel_loop3A_285 = arith.constant 0 : i32
        %parallel_loop3A_286 = arith.cmpi sgt, %parallel_loop3A_282, %parallel_loop3A_285 : i32
        %parallel_loop3A_287 = arith.extui %parallel_loop3A_286 : i1 to i32
        %parallel_loop3A_288 = arith.constant 0 : i32
        %parallel_loop3A_289 = arith.cmpi slt, %parallel_loop3A_282, %parallel_loop3A_288 : i32
        %parallel_loop3A_290 = arith.extui %parallel_loop3A_289 : i1 to i32
        %parallel_loop3A_291 = arith.subi %parallel_loop3A_287, %parallel_loop3A_290 : i32
        %parallel_loop3A_292 = arith.constant 0 : i32
        %parallel_loop3A_293 = arith.cmpi sgt, %parallel_loop3A_283, %parallel_loop3A_292 : i32
        %parallel_loop3A_294 = arith.extui %parallel_loop3A_293 : i1 to i32
        %parallel_loop3A_295 = arith.constant 0 : i32
        %parallel_loop3A_296 = arith.cmpi slt, %parallel_loop3A_283, %parallel_loop3A_295 : i32
        %parallel_loop3A_297 = arith.extui %parallel_loop3A_296 : i1 to i32
        %parallel_loop3A_298 = arith.subi %parallel_loop3A_294, %parallel_loop3A_297 : i32
        %parallel_loop3A_299 = arith.cmpi ne, %parallel_loop3A_291, %parallel_loop3A_298 : i32
        %parallel_loop3A_300 = arith.remsi %parallel_loop3A_282, %parallel_loop3A_283 : i32
        %parallel_loop3A_301 = arith.constant 0 : i32
        %parallel_loop3A_302 = arith.cmpi ne, %parallel_loop3A_300, %parallel_loop3A_301 : i32
        %parallel_loop3A_303 = arith.andi %parallel_loop3A_299, %parallel_loop3A_302 : i1
        %parallel_loop3A_304 = arith.constant 1 : i32
        %parallel_loop3A_305 = arith.subi %parallel_loop3A_284, %parallel_loop3A_304 : i32
        %parallel_loop3A_306 = arith.select %parallel_loop3A_303, %parallel_loop3A_305, %parallel_loop3A_284 : i32
        %parallel_loop3A_307 = arith.constant 8 : i32
        %parallel_loop3A_308 = arith.muli %parallel_loop3A_306, %parallel_loop3A_307 : i32
        %parallel_loop3A_309 = arith.subi %parallel_loop3A_282, %parallel_loop3A_308 : i32
        %parallel_loop3A_310 = arith.constant 129 : i32
        %parallel_loop3A_311 = arith.muli %parallel_loop3A_282, %parallel_loop3A_310 : i32
        %parallel_loop3A_312 = arith.constant 0 : i32
        %parallel_loop3A_313 = arith.addi %parallel_loop3A_311, %parallel_loop3A_312 : i32
        %parallel_loop3A_314 = arith.index_cast %parallel_loop3A_313 : i32 to index
        %parallel_loop3A_315 = tpu.vector_load %arg18[%parallel_loop3A_314] {strides = array<i32>} : memref<8256xf32, #tpu.memory_space<vmem>>, vector<16xf32>,
        %parallel_loop3A_316 = arith.constant 128 : i32
        %parallel_loop3A_317 = arith.muli %parallel_loop3A_309, %parallel_loop3A_316 : i32
        %parallel_loop3A_318 = arith.constant 0 : i32
        %parallel_loop3A_319 = arith.addi %parallel_loop3A_317, %parallel_loop3A_318 : i32
        %parallel_loop3A_320 = arith.index_cast %parallel_loop3A_306 : i32 to index
        %parallel_loop3A_321 = arith.index_cast %parallel_loop3A_319 : i32 to index
        %parallel_loop3A_322 = tpu.vector_load %arg15[%parallel_loop3A_320, %parallel_loop3A_321] {strides = array<i32>} : memref<8x1024xf32, #tpu.memory_space<vmem>>, vector<16xf32>,
        tpu.vector_store %arg15[%parallel_loop3A_320, %parallel_loop3A_321], %parallel_loop3A_315 {strides = array<i32>} : memref<8x1024xf32, #tpu.memory_space<vmem>>, vector<16xf32>,
        %parallel_loop3A_323 = arith.constant 129 : i32
        %parallel_loop3A_324 = arith.muli %parallel_loop3A_282, %parallel_loop3A_323 : i32
        %parallel_loop3A_325 = arith.constant 16 : i32
        %parallel_loop3A_326 = arith.addi %parallel_loop3A_324, %parallel_loop3A_325 : i32
        %parallel_loop3A_327 = arith.index_cast %parallel_loop3A_326 : i32 to index
        %parallel_loop3A_328 = tpu.vector_load %arg18[%parallel_loop3A_327] {strides = array<i32>} : memref<8256xf32, #tpu.memory_space<vmem>>, vector<16xf32>,
        %parallel_loop3A_329 = arith.constant 128 : i32
        %parallel_loop3A_330 = arith.muli %parallel_loop3A_309, %parallel_loop3A_329 : i32
        %parallel_loop3A_331 = arith.constant 16 : i32
        %parallel_loop3A_332 = arith.addi %parallel_loop3A_330, %parallel_loop3A_331 : i32
        %parallel_loop3A_333 = arith.index_cast %parallel_loop3A_306 : i32 to index
        %parallel_loop3A_334 = arith.index_cast %parallel_loop3A_332 : i32 to index
        %parallel_loop3A_335 = tpu.vector_load %arg15[%parallel_loop3A_333, %parallel_loop3A_334] {strides = array<i32>} : memref<8x1024xf32, #tpu.memory_space<vmem>>, vector<16xf32>,
        tpu.vector_store %arg15[%parallel_loop3A_333, %parallel_loop3A_334], %parallel_loop3A_328 {strides = array<i32>} : memref<8x1024xf32, #tpu.memory_space<vmem>>, vector<16xf32>,
        %parallel_loop3A_336 = arith.constant 129 : i32
        %parallel_loop3A_337 = arith.muli %parallel_loop3A_282, %parallel_loop3A_336 : i32
        %parallel_loop3A_338 = arith.constant 32 : i32
        %parallel_loop3A_339 = arith.addi %parallel_loop3A_337, %parallel_loop3A_338 : i32
        %parallel_loop3A_340 = arith.index_cast %parallel_loop3A_339 : i32 to index
        %parallel_loop3A_341 = tpu.vector_load %arg18[%parallel_loop3A_340] {strides = array<i32>} : memref<8256xf32, #tpu.memory_space<vmem>>, vector<16xf32>,
        %parallel_loop3A_342 = arith.constant 128 : i32
        %parallel_loop3A_343 = arith.muli %parallel_loop3A_309, %parallel_loop3A_342 : i32
        %parallel_loop3A_344 = arith.constant 32 : i32
        %parallel_loop3A_345 = arith.addi %parallel_loop3A_343, %parallel_loop3A_344 : i32
        %parallel_loop3A_346 = arith.index_cast %parallel_loop3A_306 : i32 to index
        %parallel_loop3A_347 = arith.index_cast %parallel_loop3A_345 : i32 to index
        %parallel_loop3A_348 = tpu.vector_load %arg15[%parallel_loop3A_346, %parallel_loop3A_347] {strides = array<i32>} : memref<8x1024xf32, #tpu.memory_space<vmem>>, vector<16xf32>,
        tpu.vector_store %arg15[%parallel_loop3A_346, %parallel_loop3A_347], %parallel_loop3A_341 {strides = array<i32>} : memref<8x1024xf32, #tpu.memory_space<vmem>>, vector<16xf32>,
        %parallel_loop3A_349 = arith.constant 129 : i32
        %parallel_loop3A_350 = arith.muli %parallel_loop3A_282, %parallel_loop3A_349 : i32
        %parallel_loop3A_351 = arith.constant 48 : i32
        %parallel_loop3A_352 = arith.addi %parallel_loop3A_350, %parallel_loop3A_351 : i32
        %parallel_loop3A_353 = arith.index_cast %parallel_loop3A_352 : i32 to index
        %parallel_loop3A_354 = tpu.vector_load %arg18[%parallel_loop3A_353] {strides = array<i32>} : memref<8256xf32, #tpu.memory_space<vmem>>, vector<16xf32>,
        %parallel_loop3A_355 = arith.constant 128 : i32
        %parallel_loop3A_356 = arith.muli %parallel_loop3A_309, %parallel_loop3A_355 : i32
        %parallel_loop3A_357 = arith.constant 48 : i32
        %parallel_loop3A_358 = arith.addi %parallel_loop3A_356, %parallel_loop3A_357 : i32
        %parallel_loop3A_359 = arith.index_cast %parallel_loop3A_306 : i32 to index
        %parallel_loop3A_360 = arith.index_cast %parallel_loop3A_358 : i32 to index
        %parallel_loop3A_361 = tpu.vector_load %arg15[%parallel_loop3A_359, %parallel_loop3A_360] {strides = array<i32>} : memref<8x1024xf32, #tpu.memory_space<vmem>>, vector<16xf32>,
        tpu.vector_store %arg15[%parallel_loop3A_359, %parallel_loop3A_360], %parallel_loop3A_354 {strides = array<i32>} : memref<8x1024xf32, #tpu.memory_space<vmem>>, vector<16xf32>,
        %parallel_loop3A_362 = arith.constant 129 : i32
        %parallel_loop3A_363 = arith.muli %parallel_loop3A_282, %parallel_loop3A_362 : i32
        %parallel_loop3A_364 = arith.constant 64 : i32
        %parallel_loop3A_365 = arith.addi %parallel_loop3A_363, %parallel_loop3A_364 : i32
        %parallel_loop3A_366 = arith.index_cast %parallel_loop3A_365 : i32 to index
        %parallel_loop3A_367 = tpu.vector_load %arg18[%parallel_loop3A_366] {strides = array<i32>} : memref<8256xf32, #tpu.memory_space<vmem>>, vector<16xf32>,
        %parallel_loop3A_368 = arith.constant 128 : i32
        %parallel_loop3A_369 = arith.muli %parallel_loop3A_309, %parallel_loop3A_368 : i32
        %parallel_loop3A_370 = arith.constant 64 : i32
        %parallel_loop3A_371 = arith.addi %parallel_loop3A_369, %parallel_loop3A_370 : i32
        %parallel_loop3A_372 = arith.index_cast %parallel_loop3A_306 : i32 to index
        %parallel_loop3A_373 = arith.index_cast %parallel_loop3A_371 : i32 to index
        %parallel_loop3A_374 = tpu.vector_load %arg15[%parallel_loop3A_372, %parallel_loop3A_373] {strides = array<i32>} : memref<8x1024xf32, #tpu.memory_space<vmem>>, vector<16xf32>,
        tpu.vector_store %arg15[%parallel_loop3A_372, %parallel_loop3A_373], %parallel_loop3A_367 {strides = array<i32>} : memref<8x1024xf32, #tpu.memory_space<vmem>>, vector<16xf32>,
        %parallel_loop3A_375 = arith.constant 129 : i32
        %parallel_loop3A_376 = arith.muli %parallel_loop3A_282, %parallel_loop3A_375 : i32
        %parallel_loop3A_377 = arith.constant 80 : i32
        %parallel_loop3A_378 = arith.addi %parallel_loop3A_376, %parallel_loop3A_377 : i32
        %parallel_loop3A_379 = arith.index_cast %parallel_loop3A_378 : i32 to index
        %parallel_loop3A_380 = tpu.vector_load %arg18[%parallel_loop3A_379] {strides = array<i32>} : memref<8256xf32, #tpu.memory_space<vmem>>, vector<16xf32>,
        %parallel_loop3A_381 = arith.constant 128 : i32
        %parallel_loop3A_382 = arith.muli %parallel_loop3A_309, %parallel_loop3A_381 : i32
        %parallel_loop3A_383 = arith.constant 80 : i32
        %parallel_loop3A_384 = arith.addi %parallel_loop3A_382, %parallel_loop3A_383 : i32
        %parallel_loop3A_385 = arith.index_cast %parallel_loop3A_306 : i32 to index
        %parallel_loop3A_386 = arith.index_cast %parallel_loop3A_384 : i32 to index
        %parallel_loop3A_387 = tpu.vector_load %arg15[%parallel_loop3A_385, %parallel_loop3A_386] {strides = array<i32>} : memref<8x1024xf32, #tpu.memory_space<vmem>>, vector<16xf32>,
        tpu.vector_store %arg15[%parallel_loop3A_385, %parallel_loop3A_386], %parallel_loop3A_380 {strides = array<i32>} : memref<8x1024xf32, #tpu.memory_space<vmem>>, vector<16xf32>,
        %parallel_loop3A_388 = arith.constant 129 : i32
        %parallel_loop3A_389 = arith.muli %parallel_loop3A_282, %parallel_loop3A_388 : i32
        %parallel_loop3A_390 = arith.constant 96 : i32
        %parallel_loop3A_391 = arith.addi %parallel_loop3A_389, %parallel_loop3A_390 : i32
        %parallel_loop3A_392 = arith.index_cast %parallel_loop3A_391 : i32 to index
        %parallel_loop3A_393 = tpu.vector_load %arg18[%parallel_loop3A_392] {strides = array<i32>} : memref<8256xf32, #tpu.memory_space<vmem>>, vector<16xf32>,
        %parallel_loop3A_394 = arith.constant 128 : i32
        %parallel_loop3A_395 = arith.muli %parallel_loop3A_309, %parallel_loop3A_394 : i32
        %parallel_loop3A_396 = arith.constant 96 : i32
        %parallel_loop3A_397 = arith.addi %parallel_loop3A_395, %parallel_loop3A_396 : i32
        %parallel_loop3A_398 = arith.index_cast %parallel_loop3A_306 : i32 to index
        %parallel_loop3A_399 = arith.index_cast %parallel_loop3A_397 : i32 to index
        %parallel_loop3A_400 = tpu.vector_load %arg15[%parallel_loop3A_398, %parallel_loop3A_399] {strides = array<i32>} : memref<8x1024xf32, #tpu.memory_space<vmem>>, vector<16xf32>,
        tpu.vector_store %arg15[%parallel_loop3A_398, %parallel_loop3A_399], %parallel_loop3A_393 {strides = array<i32>} : memref<8x1024xf32, #tpu.memory_space<vmem>>, vector<16xf32>,
        %parallel_loop3A_401 = arith.constant 129 : i32
        %parallel_loop3A_402 = arith.muli %parallel_loop3A_282, %parallel_loop3A_401 : i32
        %parallel_loop3A_403 = arith.constant 112 : i32
        %parallel_loop3A_404 = arith.addi %parallel_loop3A_402, %parallel_loop3A_403 : i32
        %parallel_loop3A_405 = arith.index_cast %parallel_loop3A_404 : i32 to index
        %parallel_loop3A_406 = tpu.vector_load %arg18[%parallel_loop3A_405] {strides = array<i32>} : memref<8256xf32, #tpu.memory_space<vmem>>, vector<16xf32>,
        %parallel_loop3A_407 = arith.constant 128 : i32
        %parallel_loop3A_408 = arith.muli %parallel_loop3A_309, %parallel_loop3A_407 : i32
        %parallel_loop3A_409 = arith.constant 112 : i32
        %parallel_loop3A_410 = arith.addi %parallel_loop3A_408, %parallel_loop3A_409 : i32
        %parallel_loop3A_411 = arith.index_cast %parallel_loop3A_306 : i32 to index
        %parallel_loop3A_412 = arith.index_cast %parallel_loop3A_410 : i32 to index
        %parallel_loop3A_413 = tpu.vector_load %arg15[%parallel_loop3A_411, %parallel_loop3A_412] {strides = array<i32>} : memref<8x1024xf32, #tpu.memory_space<vmem>>, vector<16xf32>,
        tpu.vector_store %arg15[%parallel_loop3A_411, %parallel_loop3A_412], %parallel_loop3A_406 {strides = array<i32>} : memref<8x1024xf32, #tpu.memory_space<vmem>>, vector<16xf32>,
      } {sc.loop_unroll_factor = 8 : i64, sc.parallel_access}
      %dma_start3A_180 = arith.constant 0 : i32
      %dma_start3A_181 = arith.constant 0 : i32
      %dma_start3A_182 = tpu.memref_slice %arg5[%add3A_142, %dma_start3A_180, %add3A, %dma_start3A_181] : memref<200x8x32x1024xf32, #tpu.memory_space<hbm>> -> memref<1x8x1x1024xf32, #tpu.memory_space<hbm>>
      %dma_start3A_183 = tpu.memref_squeeze %dma_start3A_182 : memref<1x8x1x1024xf32, #tpu.memory_space<hbm>> -> memref<8x1024xf32, #tpu.memory_space<hbm>>
      %dma_start3A_184 = arith.constant 0 : i32
      %dma_start3A_185 = arith.constant 0 : i32
      %dma_start3A_186 = tpu.memref_slice %arg5[%add3A_142, %dma_start3A_184, %add3A, %dma_start3A_185] : memref<200x8x32x1024xf32, #tpu.memory_space<hbm>> -> memref<1x8x1x1024xf32, #tpu.memory_space<hbm>>
      %dma_start3A_187 = tpu.memref_squeeze %dma_start3A_186 : memref<1x8x1x1024xf32, #tpu.memory_space<hbm>> -> memref<8x1024xf32, #tpu.memory_space<hbm>>
      tpu.enqueue_dma source(%arg15 : memref<8x1024xf32, #tpu.memory_space<vmem>>) target(%dma_start3A_187 : memref<8x1024xf32, #tpu.memory_space<hbm>>) target_semaphore(%arg29 : memref<!tpu.dma_semaphore, #tpu.memory_space<semaphore_mem>>)
      %add3A_188 = arith.constant 2 : i32
      %add3A_189 = arith.addi %add3A_99, %add3A_188 : i32
      %lt3A_190 = arith.constant 197 : i32
      %lt3A_191 = arith.cmpi slt, %add3A_189, %lt3A_190 : i32
      %convert_element_type3A_192 = arith.extui %lt3A_191 : i1 to i32
      %cond3A_193 = arith.constant 0 : i32
      %cond3A_194 = arith.cmpi ne, %convert_element_type3A_192, %cond3A_193 : i32
      scf.if %cond3A_194 {
        %add3A_282 = arith.constant 3 : i32
        %add3A_283 = arith.addi %add3A_189, %add3A_282 : i32
        %jit3A = arith.constant 8 : i32
        %div3A = arith.divsi %add3A_283, %jit3A : i32
        %sign3A = arith.constant 0 : i32
        %sign3A_284 = arith.cmpi sgt, %add3A_283, %sign3A : i32
        %sign3A_285 = arith.extui %sign3A_284 : i1 to i32
        %sign3A_286 = arith.constant 0 : i32
        %sign3A_287 = arith.cmpi slt, %add3A_283, %sign3A_286 : i32
        %sign3A_288 = arith.extui %sign3A_287 : i1 to i32
        %sign3A_289 = arith.subi %sign3A_285, %sign3A_288 : i32
        %sign3A_290 = arith.constant 0 : i32
        %sign3A_291 = arith.cmpi sgt, %jit3A, %sign3A_290 : i32
        %sign3A_292 = arith.extui %sign3A_291 : i1 to i32
        %sign3A_293 = arith.constant 0 : i32
        %sign3A_294 = arith.cmpi slt, %jit3A, %sign3A_293 : i32
        %sign3A_295 = arith.extui %sign3A_294 : i1 to i32
        %sign3A_296 = arith.subi %sign3A_292, %sign3A_295 : i32
        %ne3A = arith.cmpi ne, %sign3A_289, %sign3A_296 : i32
        %rem3A = arith.remsi %add3A_283, %jit3A : i32
        %ne3A_297 = arith.constant 0 : i32
        %ne3A_298 = arith.cmpi ne, %rem3A, %ne3A_297 : i32
        %and3A = arith.andi %ne3A, %ne3A_298 : i1
        %sub3A = arith.constant 1 : i32
        %sub3A_299 = arith.subi %div3A, %sub3A : i32
        %select_n3A = arith.select %and3A, %sub3A_299, %div3A : i32
        %jit3A_300 = arith.constant 8 : i32
        %eq3A = arith.constant 0 : i32
        %eq3A_301 = arith.cmpi eq, %jit3A_300, %eq3A : i32
        %jit3A_302 = arith.constant 1 : i32
        %select_n3A_303 = arith.select %eq3A_301, %jit3A_302, %jit3A_300 : i32
        %rem3A_304 = arith.remsi %add3A_283, %select_n3A_303 : i32
        %ne3A_305 = arith.constant 0 : i32
        %ne3A_306 = arith.cmpi ne, %rem3A_304, %ne3A_305 : i32
        %lt3A_307 = arith.constant 0 : i32
        %lt3A_308 = arith.cmpi slt, %rem3A_304, %lt3A_307 : i32
        %lt3A_309 = arith.constant 0 : i32
        %lt3A_310 = arith.cmpi slt, %select_n3A_303, %lt3A_309 : i32
        %ne3A_311 = arith.xori %lt3A_308, %lt3A_310 : i1
        %and3A_312 = arith.andi %ne3A_311, %ne3A_306 : i1
        %add3A_313 = arith.addi %rem3A_304, %select_n3A_303 : i32
        %select_n3A_314 = arith.select %and3A_312, %add3A_313, %rem3A_304 : i32
        %dma_start3A_315 = arith.constant 0 : i32
        %dma_start3A_316 = tpu.memref_slice %arg2[%select_n3A, %add3A, %select_n3A_314, %dma_start3A_315] : memref<25x32x8x128xi32, #tpu.memory_space<hbm>> -> memref<1x1x1x128xi32, #tpu.memory_space<hbm>>
        %dma_start3A_317 = tpu.memref_squeeze %dma_start3A_316 : memref<1x1x1x128xi32, #tpu.memory_space<hbm>> -> memref<128xi32, #tpu.memory_space<hbm>>
        %dma_start3A_318 = arith.constant 0 : i32
        %dma_start3A_319 = tpu.memref_slice %arg2[%select_n3A, %add3A, %select_n3A_314, %dma_start3A_318] : memref<25x32x8x128xi32, #tpu.memory_space<hbm>> -> memref<1x1x1x128xi32, #tpu.memory_space<hbm>>
        %dma_start3A_320 = tpu.memref_squeeze %dma_start3A_319 : memref<1x1x1x128xi32, #tpu.memory_space<hbm>> -> memref<128xi32, #tpu.memory_space<hbm>>
        tpu.enqueue_dma source(%dma_start3A_320 : memref<128xi32, #tpu.memory_space<hbm>>) target(%arg7 : memref<128xi32, #tpu.memory_space<vmem>>) target_semaphore(%arg21 : memref<!tpu.dma_semaphore, #tpu.memory_space<semaphore_mem>>)
      } else {
      }
      %lt3A_195 = arith.constant 198 : i32
      %lt3A_196 = arith.cmpi slt, %add3A_189, %lt3A_195 : i32
      %convert_element_type3A_197 = arith.extui %lt3A_196 : i1 to i32
      %cond3A_198 = arith.constant 0 : i32
      %cond3A_199 = arith.cmpi ne, %convert_element_type3A_197, %cond3A_198 : i32
      scf.if %cond3A_199 {
        %add3A_282 = arith.constant 2 : i32
        %add3A_283 = arith.addi %add3A_189, %add3A_282 : i32
        %dma_wait3A_284 = arith.constant 0 : i32
        %dma_wait3A_285 = arith.constant 0 : i32
        %dma_wait3A_286 = arith.constant 0 : i32
        %dma_wait3A_287 = arith.constant 0 : i32
        %dma_wait3A_288 = tpu.memref_slice %arg2[%dma_wait3A_284, %dma_wait3A_285, %dma_wait3A_286, %dma_wait3A_287] : memref<25x32x8x128xi32, #tpu.memory_space<hbm>> -> memref<1x1x1x128xi32, #tpu.memory_space<hbm>>
        %dma_wait3A_289 = tpu.memref_squeeze %dma_wait3A_288 : memref<1x1x1x128xi32, #tpu.memory_space<hbm>> -> memref<128xi32, #tpu.memory_space<hbm>>
        %dma_wait3A_290 = arith.constant 0 : i32
        %dma_wait3A_291 = tpu.memref_slice %arg2[%dma_wait3A_284, %dma_wait3A_285, %dma_wait3A_286, %dma_wait3A_290] : memref<25x32x8x128xi32, #tpu.memory_space<hbm>> -> memref<1x1x1x128xi32, #tpu.memory_space<hbm>>
        %dma_wait3A_292 = tpu.memref_squeeze %dma_wait3A_291 : memref<1x1x1x128xi32, #tpu.memory_space<hbm>> -> memref<128xi32, #tpu.memory_space<hbm>>
        tpu.wait_dma2 semaphore(%arg20 : memref<!tpu.dma_semaphore, #tpu.memory_space<semaphore_mem>>) src(%dma_wait3A_292 : memref<128xi32, #tpu.memory_space<hbm>>) dst(%arg6 : memref<128xi32, #tpu.memory_space<vmem>>)
        %dma_start3A_293 = arith.constant 0 : i32
        %dma_start3A_294 = arith.constant 0 : i32
        %dma_start3A_295 = tpu.memref_slice %arg3[%dma_start3A_293, %dma_start3A_294] : memref<100000x64xf32, #tpu.memory_space<hbm>> -> memref<100000x64xf32, #tpu.memory_space<hbm>>
        tpu.enqueue_indirect_dma source(%dma_start3A_295 : memref<100000x64xf32, #tpu.memory_space<hbm>>) target(%arg10 : memref<128x64xf32, #tpu.memory_space<vmem>>) offsets(%arg6 : memref<128xi32, #tpu.memory_space<vmem>>) semaphore(%arg24 : memref<!tpu.dma_semaphore, #tpu.memory_space<semaphore_mem>>)
      } else {
      }
      %ge3A_200 = arith.constant 2 : i32
      %ge3A_201 = arith.cmpi sge, %add3A_189, %ge3A_200 : i32
      %convert_element_type3A_202 = arith.extui %ge3A_201 : i1 to i32
      %cond3A_203 = arith.constant 0 : i32
      %cond3A_204 = arith.cmpi ne, %convert_element_type3A_202, %cond3A_203 : i32
      scf.if %cond3A_204 {
        %dma_wait3A_282 = arith.constant 0 : i32
        %dma_wait3A_283 = arith.constant 0 : i32
        %dma_wait3A_284 = arith.constant 0 : i32
        %dma_wait3A_285 = arith.constant 0 : i32
        %dma_wait3A_286 = tpu.memref_slice %arg5[%dma_wait3A_282, %dma_wait3A_284, %dma_wait3A_283, %dma_wait3A_285] : memref<200x8x32x1024xf32, #tpu.memory_space<hbm>> -> memref<1x8x1x1024xf32, #tpu.memory_space<hbm>>
        %dma_wait3A_287 = tpu.memref_squeeze %dma_wait3A_286 : memref<1x8x1x1024xf32, #tpu.memory_space<hbm>> -> memref<8x1024xf32, #tpu.memory_space<hbm>>
        %dma_wait3A_288 = arith.constant 0 : i32
        %dma_wait3A_289 = arith.constant 0 : i32
        %dma_wait3A_290 = tpu.memref_slice %arg5[%dma_wait3A_282, %dma_wait3A_288, %dma_wait3A_283, %dma_wait3A_289] : memref<200x8x32x1024xf32, #tpu.memory_space<hbm>> -> memref<1x8x1x1024xf32, #tpu.memory_space<hbm>>
        %dma_wait3A_291 = tpu.memref_squeeze %dma_wait3A_290 : memref<1x8x1x1024xf32, #tpu.memory_space<hbm>> -> memref<8x1024xf32, #tpu.memory_space<hbm>>
        tpu.wait_dma2 semaphore(%arg28 : memref<!tpu.dma_semaphore, #tpu.memory_space<semaphore_mem>>) src(%arg14 : memref<8x1024xf32, #tpu.memory_space<vmem>>) dst(%dma_wait3A_291 : memref<8x1024xf32, #tpu.memory_space<hbm>>)
      } else {
      }
      %dma_wait3A_205 = arith.constant 0 : i32
      %dma_wait3A_206 = arith.constant 0 : i32
      %dma_wait3A_207 = tpu.memref_slice %arg3[%dma_wait3A_205, %dma_wait3A_206] : memref<100000x64xf32, #tpu.memory_space<hbm>> -> memref<100000x64xf32, #tpu.memory_space<hbm>>
      tpu.wait_indirect_dma semaphore(%arg26 : memref<!tpu.dma_semaphore, #tpu.memory_space<semaphore_mem>>) src(%dma_wait3A_207 : memref<100000x64xf32, #tpu.memory_space<hbm>>) dst(%arg12 : memref<128x64xf32, #tpu.memory_space<vmem>>)
      %get3A_208 = arith.index_cast %add3A_189 : i32 to index
      %get3A_209 = arith.constant 0 : index
      %get3A_210 = tpu.vector_load %arg19[%get3A_208, %get3A_209] {strides = array<i32>} : memref<200x64xf32, #tpu.memory_space<vmem>>, vector<16xf32>,
      %get3A_211 = arith.index_cast %add3A_189 : i32 to index
      %get3A_212 = arith.constant 16 : index
      %get3A_213 = tpu.vector_load %arg19[%get3A_211, %get3A_212] {strides = array<i32>} : memref<200x64xf32, #tpu.memory_space<vmem>>, vector<16xf32>,
      %get3A_214 = arith.index_cast %add3A_189 : i32 to index
      %get3A_215 = arith.constant 32 : index
      %get3A_216 = tpu.vector_load %arg19[%get3A_214, %get3A_215] {strides = array<i32>} : memref<200x64xf32, #tpu.memory_space<vmem>>, vector<16xf32>,
      %get3A_217 = arith.index_cast %add3A_189 : i32 to index
      %get3A_218 = arith.constant 48 : index
      %get3A_219 = tpu.vector_load %arg19[%get3A_217, %get3A_218] {strides = array<i32>} : memref<200x64xf32, #tpu.memory_space<vmem>>, vector<16xf32>,
      %parallel_loop3A_220 = arith.constant 0 : i32
      %parallel_loop3A_221 = arith.constant 128 : i32
      %parallel_loop3A_222 = arith.constant 1 : i32
      %parallel_loop3A_223:8 = scf.for %parallel_loop3A_282 = %parallel_loop3A_220 to %parallel_loop3A_221 step %parallel_loop3A_222 iter_args(%parallel_loop3A_283 = %get3A_210, %parallel_loop3A_284 = %get3A_213, %parallel_loop3A_285 = %get3A_216, %parallel_loop3A_286 = %get3A_219, %parallel_loop3A_287 = %mul3A_52, %parallel_loop3A_288 = %mul3A_58, %parallel_loop3A_289 = %mul3A_64, %parallel_loop3A_290 = %mul3A_70) -> (vector<16xf32>, vector<16xf32>, vector<16xf32>, vector<16xf32>, vector<16xi32>, vector<16xi32>, vector<16xi32>, vector<16xi32>)  : i32 {
        %parallel_loop3A_291 = arith.index_cast %parallel_loop3A_282 : i32 to index
        %parallel_loop3A_292 = arith.constant 0 : index
        %parallel_loop3A_293 = tpu.vector_load %arg12[%parallel_loop3A_291, %parallel_loop3A_292] {strides = array<i32>} : memref<128x64xf32, #tpu.memory_space<vmem>>, vector<16xf32>,
        %parallel_loop3A_294 = arith.addf %parallel_loop3A_293, %parallel_loop3A_283 : vector<16xf32>
        %parallel_loop3A_295 = vector.broadcast %parallel_loop3A_282 : i32 to vector<16xi32>
        %parallel_loop3A_296 = arith.addi %parallel_loop3A_287, %parallel_loop3A_295 : vector<16xi32>
        tpu.vector_store_idx %arg18[%parallel_loop3A_296], %parallel_loop3A_294 : memref<8256xf32, #tpu.memory_space<vmem>>[vector<16xi32>], vector<16xf32>,
        %parallel_loop3A_297 = arith.index_cast %parallel_loop3A_282 : i32 to index
        %parallel_loop3A_298 = arith.constant 16 : index
        %parallel_loop3A_299 = tpu.vector_load %arg12[%parallel_loop3A_297, %parallel_loop3A_298] {strides = array<i32>} : memref<128x64xf32, #tpu.memory_space<vmem>>, vector<16xf32>,
        %parallel_loop3A_300 = arith.addf %parallel_loop3A_299, %parallel_loop3A_284 : vector<16xf32>
        %parallel_loop3A_301 = vector.broadcast %parallel_loop3A_282 : i32 to vector<16xi32>
        %parallel_loop3A_302 = arith.addi %parallel_loop3A_288, %parallel_loop3A_301 : vector<16xi32>
        tpu.vector_store_idx %arg18[%parallel_loop3A_302], %parallel_loop3A_300 : memref<8256xf32, #tpu.memory_space<vmem>>[vector<16xi32>], vector<16xf32>,
        %parallel_loop3A_303 = arith.index_cast %parallel_loop3A_282 : i32 to index
        %parallel_loop3A_304 = arith.constant 32 : index
        %parallel_loop3A_305 = tpu.vector_load %arg12[%parallel_loop3A_303, %parallel_loop3A_304] {strides = array<i32>} : memref<128x64xf32, #tpu.memory_space<vmem>>, vector<16xf32>,
        %parallel_loop3A_306 = arith.addf %parallel_loop3A_305, %parallel_loop3A_285 : vector<16xf32>
        %parallel_loop3A_307 = vector.broadcast %parallel_loop3A_282 : i32 to vector<16xi32>
        %parallel_loop3A_308 = arith.addi %parallel_loop3A_289, %parallel_loop3A_307 : vector<16xi32>
        tpu.vector_store_idx %arg18[%parallel_loop3A_308], %parallel_loop3A_306 : memref<8256xf32, #tpu.memory_space<vmem>>[vector<16xi32>], vector<16xf32>,
        %parallel_loop3A_309 = arith.index_cast %parallel_loop3A_282 : i32 to index
        %parallel_loop3A_310 = arith.constant 48 : index
        %parallel_loop3A_311 = tpu.vector_load %arg12[%parallel_loop3A_309, %parallel_loop3A_310] {strides = array<i32>} : memref<128x64xf32, #tpu.memory_space<vmem>>, vector<16xf32>,
        %parallel_loop3A_312 = arith.addf %parallel_loop3A_311, %parallel_loop3A_286 : vector<16xf32>
        %parallel_loop3A_313 = vector.broadcast %parallel_loop3A_282 : i32 to vector<16xi32>
        %parallel_loop3A_314 = arith.addi %parallel_loop3A_290, %parallel_loop3A_313 : vector<16xi32>
        tpu.vector_store_idx %arg18[%parallel_loop3A_314], %parallel_loop3A_312 : memref<8256xf32, #tpu.memory_space<vmem>>[vector<16xi32>], vector<16xf32>,
        scf.yield %parallel_loop3A_283, %parallel_loop3A_284, %parallel_loop3A_285, %parallel_loop3A_286, %parallel_loop3A_287, %parallel_loop3A_288, %parallel_loop3A_289, %parallel_loop3A_290 : vector<16xf32>, vector<16xf32>, vector<16xf32>, vector<16xf32>, vector<16xi32>, vector<16xi32>, vector<16xi32>, vector<16xi32>
      } {sc.loop_unroll_factor = 8 : i64, sc.parallel_access}
      %parallel_loop3A_224 = arith.constant 0 : i32
      %parallel_loop3A_225 = arith.constant 64 : i32
      %parallel_loop3A_226 = arith.constant 1 : i32
      scf.for %parallel_loop3A_282 = %parallel_loop3A_224 to %parallel_loop3A_225 step %parallel_loop3A_226  : i32 {
        %parallel_loop3A_283 = arith.constant 8 : i32
        %parallel_loop3A_284 = arith.divsi %parallel_loop3A_282, %parallel_loop3A_283 : i32
        %parallel_loop3A_285 = arith.constant 0 : i32
        %parallel_loop3A_286 = arith.cmpi sgt, %parallel_loop3A_282, %parallel_loop3A_285 : i32
        %parallel_loop3A_287 = arith.extui %parallel_loop3A_286 : i1 to i32
        %parallel_loop3A_288 = arith.constant 0 : i32
        %parallel_loop3A_289 = arith.cmpi slt, %parallel_loop3A_282, %parallel_loop3A_288 : i32
        %parallel_loop3A_290 = arith.extui %parallel_loop3A_289 : i1 to i32
        %parallel_loop3A_291 = arith.subi %parallel_loop3A_287, %parallel_loop3A_290 : i32
        %parallel_loop3A_292 = arith.constant 0 : i32
        %parallel_loop3A_293 = arith.cmpi sgt, %parallel_loop3A_283, %parallel_loop3A_292 : i32
        %parallel_loop3A_294 = arith.extui %parallel_loop3A_293 : i1 to i32
        %parallel_loop3A_295 = arith.constant 0 : i32
        %parallel_loop3A_296 = arith.cmpi slt, %parallel_loop3A_283, %parallel_loop3A_295 : i32
        %parallel_loop3A_297 = arith.extui %parallel_loop3A_296 : i1 to i32
        %parallel_loop3A_298 = arith.subi %parallel_loop3A_294, %parallel_loop3A_297 : i32
        %parallel_loop3A_299 = arith.cmpi ne, %parallel_loop3A_291, %parallel_loop3A_298 : i32
        %parallel_loop3A_300 = arith.remsi %parallel_loop3A_282, %parallel_loop3A_283 : i32
        %parallel_loop3A_301 = arith.constant 0 : i32
        %parallel_loop3A_302 = arith.cmpi ne, %parallel_loop3A_300, %parallel_loop3A_301 : i32
        %parallel_loop3A_303 = arith.andi %parallel_loop3A_299, %parallel_loop3A_302 : i1
        %parallel_loop3A_304 = arith.constant 1 : i32
        %parallel_loop3A_305 = arith.subi %parallel_loop3A_284, %parallel_loop3A_304 : i32
        %parallel_loop3A_306 = arith.select %parallel_loop3A_303, %parallel_loop3A_305, %parallel_loop3A_284 : i32
        %parallel_loop3A_307 = arith.constant 8 : i32
        %parallel_loop3A_308 = arith.muli %parallel_loop3A_306, %parallel_loop3A_307 : i32
        %parallel_loop3A_309 = arith.subi %parallel_loop3A_282, %parallel_loop3A_308 : i32
        %parallel_loop3A_310 = arith.constant 129 : i32
        %parallel_loop3A_311 = arith.muli %parallel_loop3A_282, %parallel_loop3A_310 : i32
        %parallel_loop3A_312 = arith.constant 0 : i32
        %parallel_loop3A_313 = arith.addi %parallel_loop3A_311, %parallel_loop3A_312 : i32
        %parallel_loop3A_314 = arith.index_cast %parallel_loop3A_313 : i32 to index
        %parallel_loop3A_315 = tpu.vector_load %arg18[%parallel_loop3A_314] {strides = array<i32>} : memref<8256xf32, #tpu.memory_space<vmem>>, vector<16xf32>,
        %parallel_loop3A_316 = arith.constant 128 : i32
        %parallel_loop3A_317 = arith.muli %parallel_loop3A_309, %parallel_loop3A_316 : i32
        %parallel_loop3A_318 = arith.constant 0 : i32
        %parallel_loop3A_319 = arith.addi %parallel_loop3A_317, %parallel_loop3A_318 : i32
        %parallel_loop3A_320 = arith.index_cast %parallel_loop3A_306 : i32 to index
        %parallel_loop3A_321 = arith.index_cast %parallel_loop3A_319 : i32 to index
        %parallel_loop3A_322 = tpu.vector_load %arg16[%parallel_loop3A_320, %parallel_loop3A_321] {strides = array<i32>} : memref<8x1024xf32, #tpu.memory_space<vmem>>, vector<16xf32>,
        tpu.vector_store %arg16[%parallel_loop3A_320, %parallel_loop3A_321], %parallel_loop3A_315 {strides = array<i32>} : memref<8x1024xf32, #tpu.memory_space<vmem>>, vector<16xf32>,
        %parallel_loop3A_323 = arith.constant 129 : i32
        %parallel_loop3A_324 = arith.muli %parallel_loop3A_282, %parallel_loop3A_323 : i32
        %parallel_loop3A_325 = arith.constant 16 : i32
        %parallel_loop3A_326 = arith.addi %parallel_loop3A_324, %parallel_loop3A_325 : i32
        %parallel_loop3A_327 = arith.index_cast %parallel_loop3A_326 : i32 to index
        %parallel_loop3A_328 = tpu.vector_load %arg18[%parallel_loop3A_327] {strides = array<i32>} : memref<8256xf32, #tpu.memory_space<vmem>>, vector<16xf32>,
        %parallel_loop3A_329 = arith.constant 128 : i32
        %parallel_loop3A_330 = arith.muli %parallel_loop3A_309, %parallel_loop3A_329 : i32
        %parallel_loop3A_331 = arith.constant 16 : i32
        %parallel_loop3A_332 = arith.addi %parallel_loop3A_330, %parallel_loop3A_331 : i32
        %parallel_loop3A_333 = arith.index_cast %parallel_loop3A_306 : i32 to index
        %parallel_loop3A_334 = arith.index_cast %parallel_loop3A_332 : i32 to index
        %parallel_loop3A_335 = tpu.vector_load %arg16[%parallel_loop3A_333, %parallel_loop3A_334] {strides = array<i32>} : memref<8x1024xf32, #tpu.memory_space<vmem>>, vector<16xf32>,
        tpu.vector_store %arg16[%parallel_loop3A_333, %parallel_loop3A_334], %parallel_loop3A_328 {strides = array<i32>} : memref<8x1024xf32, #tpu.memory_space<vmem>>, vector<16xf32>,
        %parallel_loop3A_336 = arith.constant 129 : i32
        %parallel_loop3A_337 = arith.muli %parallel_loop3A_282, %parallel_loop3A_336 : i32
        %parallel_loop3A_338 = arith.constant 32 : i32
        %parallel_loop3A_339 = arith.addi %parallel_loop3A_337, %parallel_loop3A_338 : i32
        %parallel_loop3A_340 = arith.index_cast %parallel_loop3A_339 : i32 to index
        %parallel_loop3A_341 = tpu.vector_load %arg18[%parallel_loop3A_340] {strides = array<i32>} : memref<8256xf32, #tpu.memory_space<vmem>>, vector<16xf32>,
        %parallel_loop3A_342 = arith.constant 128 : i32
        %parallel_loop3A_343 = arith.muli %parallel_loop3A_309, %parallel_loop3A_342 : i32
        %parallel_loop3A_344 = arith.constant 32 : i32
        %parallel_loop3A_345 = arith.addi %parallel_loop3A_343, %parallel_loop3A_344 : i32
        %parallel_loop3A_346 = arith.index_cast %parallel_loop3A_306 : i32 to index
        %parallel_loop3A_347 = arith.index_cast %parallel_loop3A_345 : i32 to index
        %parallel_loop3A_348 = tpu.vector_load %arg16[%parallel_loop3A_346, %parallel_loop3A_347] {strides = array<i32>} : memref<8x1024xf32, #tpu.memory_space<vmem>>, vector<16xf32>,
        tpu.vector_store %arg16[%parallel_loop3A_346, %parallel_loop3A_347], %parallel_loop3A_341 {strides = array<i32>} : memref<8x1024xf32, #tpu.memory_space<vmem>>, vector<16xf32>,
        %parallel_loop3A_349 = arith.constant 129 : i32
        %parallel_loop3A_350 = arith.muli %parallel_loop3A_282, %parallel_loop3A_349 : i32
        %parallel_loop3A_351 = arith.constant 48 : i32
        %parallel_loop3A_352 = arith.addi %parallel_loop3A_350, %parallel_loop3A_351 : i32
        %parallel_loop3A_353 = arith.index_cast %parallel_loop3A_352 : i32 to index
        %parallel_loop3A_354 = tpu.vector_load %arg18[%parallel_loop3A_353] {strides = array<i32>} : memref<8256xf32, #tpu.memory_space<vmem>>, vector<16xf32>,
        %parallel_loop3A_355 = arith.constant 128 : i32
        %parallel_loop3A_356 = arith.muli %parallel_loop3A_309, %parallel_loop3A_355 : i32
        %parallel_loop3A_357 = arith.constant 48 : i32
        %parallel_loop3A_358 = arith.addi %parallel_loop3A_356, %parallel_loop3A_357 : i32
        %parallel_loop3A_359 = arith.index_cast %parallel_loop3A_306 : i32 to index
        %parallel_loop3A_360 = arith.index_cast %parallel_loop3A_358 : i32 to index
        %parallel_loop3A_361 = tpu.vector_load %arg16[%parallel_loop3A_359, %parallel_loop3A_360] {strides = array<i32>} : memref<8x1024xf32, #tpu.memory_space<vmem>>, vector<16xf32>,
        tpu.vector_store %arg16[%parallel_loop3A_359, %parallel_loop3A_360], %parallel_loop3A_354 {strides = array<i32>} : memref<8x1024xf32, #tpu.memory_space<vmem>>, vector<16xf32>,
        %parallel_loop3A_362 = arith.constant 129 : i32
        %parallel_loop3A_363 = arith.muli %parallel_loop3A_282, %parallel_loop3A_362 : i32
        %parallel_loop3A_364 = arith.constant 64 : i32
        %parallel_loop3A_365 = arith.addi %parallel_loop3A_363, %parallel_loop3A_364 : i32
        %parallel_loop3A_366 = arith.index_cast %parallel_loop3A_365 : i32 to index
        %parallel_loop3A_367 = tpu.vector_load %arg18[%parallel_loop3A_366] {strides = array<i32>} : memref<8256xf32, #tpu.memory_space<vmem>>, vector<16xf32>,
        %parallel_loop3A_368 = arith.constant 128 : i32
        %parallel_loop3A_369 = arith.muli %parallel_loop3A_309, %parallel_loop3A_368 : i32
        %parallel_loop3A_370 = arith.constant 64 : i32
        %parallel_loop3A_371 = arith.addi %parallel_loop3A_369, %parallel_loop3A_370 : i32
        %parallel_loop3A_372 = arith.index_cast %parallel_loop3A_306 : i32 to index
        %parallel_loop3A_373 = arith.index_cast %parallel_loop3A_371 : i32 to index
        %parallel_loop3A_374 = tpu.vector_load %arg16[%parallel_loop3A_372, %parallel_loop3A_373] {strides = array<i32>} : memref<8x1024xf32, #tpu.memory_space<vmem>>, vector<16xf32>,
        tpu.vector_store %arg16[%parallel_loop3A_372, %parallel_loop3A_373], %parallel_loop3A_367 {strides = array<i32>} : memref<8x1024xf32, #tpu.memory_space<vmem>>, vector<16xf32>,
        %parallel_loop3A_375 = arith.constant 129 : i32
        %parallel_loop3A_376 = arith.muli %parallel_loop3A_282, %parallel_loop3A_375 : i32
        %parallel_loop3A_377 = arith.constant 80 : i32
        %parallel_loop3A_378 = arith.addi %parallel_loop3A_376, %parallel_loop3A_377 : i32
        %parallel_loop3A_379 = arith.index_cast %parallel_loop3A_378 : i32 to index
        %parallel_loop3A_380 = tpu.vector_load %arg18[%parallel_loop3A_379] {strides = array<i32>} : memref<8256xf32, #tpu.memory_space<vmem>>, vector<16xf32>,
        %parallel_loop3A_381 = arith.constant 128 : i32
        %parallel_loop3A_382 = arith.muli %parallel_loop3A_309, %parallel_loop3A_381 : i32
        %parallel_loop3A_383 = arith.constant 80 : i32
        %parallel_loop3A_384 = arith.addi %parallel_loop3A_382, %parallel_loop3A_383 : i32
        %parallel_loop3A_385 = arith.index_cast %parallel_loop3A_306 : i32 to index
        %parallel_loop3A_386 = arith.index_cast %parallel_loop3A_384 : i32 to index
        %parallel_loop3A_387 = tpu.vector_load %arg16[%parallel_loop3A_385, %parallel_loop3A_386] {strides = array<i32>} : memref<8x1024xf32, #tpu.memory_space<vmem>>, vector<16xf32>,
        tpu.vector_store %arg16[%parallel_loop3A_385, %parallel_loop3A_386], %parallel_loop3A_380 {strides = array<i32>} : memref<8x1024xf32, #tpu.memory_space<vmem>>, vector<16xf32>,
        %parallel_loop3A_388 = arith.constant 129 : i32
        %parallel_loop3A_389 = arith.muli %parallel_loop3A_282, %parallel_loop3A_388 : i32
        %parallel_loop3A_390 = arith.constant 96 : i32
        %parallel_loop3A_391 = arith.addi %parallel_loop3A_389, %parallel_loop3A_390 : i32
        %parallel_loop3A_392 = arith.index_cast %parallel_loop3A_391 : i32 to index
        %parallel_loop3A_393 = tpu.vector_load %arg18[%parallel_loop3A_392] {strides = array<i32>} : memref<8256xf32, #tpu.memory_space<vmem>>, vector<16xf32>,
        %parallel_loop3A_394 = arith.constant 128 : i32
        %parallel_loop3A_395 = arith.muli %parallel_loop3A_309, %parallel_loop3A_394 : i32
        %parallel_loop3A_396 = arith.constant 96 : i32
        %parallel_loop3A_397 = arith.addi %parallel_loop3A_395, %parallel_loop3A_396 : i32
        %parallel_loop3A_398 = arith.index_cast %parallel_loop3A_306 : i32 to index
        %parallel_loop3A_399 = arith.index_cast %parallel_loop3A_397 : i32 to index
        %parallel_loop3A_400 = tpu.vector_load %arg16[%parallel_loop3A_398, %parallel_loop3A_399] {strides = array<i32>} : memref<8x1024xf32, #tpu.memory_space<vmem>>, vector<16xf32>,
        tpu.vector_store %arg16[%parallel_loop3A_398, %parallel_loop3A_399], %parallel_loop3A_393 {strides = array<i32>} : memref<8x1024xf32, #tpu.memory_space<vmem>>, vector<16xf32>,
        %parallel_loop3A_401 = arith.constant 129 : i32
        %parallel_loop3A_402 = arith.muli %parallel_loop3A_282, %parallel_loop3A_401 : i32
        %parallel_loop3A_403 = arith.constant 112 : i32
        %parallel_loop3A_404 = arith.addi %parallel_loop3A_402, %parallel_loop3A_403 : i32
        %parallel_loop3A_405 = arith.index_cast %parallel_loop3A_404 : i32 to index
        %parallel_loop3A_406 = tpu.vector_load %arg18[%parallel_loop3A_405] {strides = array<i32>} : memref<8256xf32, #tpu.memory_space<vmem>>, vector<16xf32>,
        %parallel_loop3A_407 = arith.constant 128 : i32
        %parallel_loop3A_408 = arith.muli %parallel_loop3A_309, %parallel_loop3A_407 : i32
        %parallel_loop3A_409 = arith.constant 112 : i32
        %parallel_loop3A_410 = arith.addi %parallel_loop3A_408, %parallel_loop3A_409 : i32
        %parallel_loop3A_411 = arith.index_cast %parallel_loop3A_306 : i32 to index
        %parallel_loop3A_412 = arith.index_cast %parallel_loop3A_410 : i32 to index
        %parallel_loop3A_413 = tpu.vector_load %arg16[%parallel_loop3A_411, %parallel_loop3A_412] {strides = array<i32>} : memref<8x1024xf32, #tpu.memory_space<vmem>>, vector<16xf32>,
        tpu.vector_store %arg16[%parallel_loop3A_411, %parallel_loop3A_412], %parallel_loop3A_406 {strides = array<i32>} : memref<8x1024xf32, #tpu.memory_space<vmem>>, vector<16xf32>,
      } {sc.loop_unroll_factor = 8 : i64, sc.parallel_access}
      %dma_start3A_227 = arith.constant 0 : i32
      %dma_start3A_228 = arith.constant 0 : i32
      %dma_start3A_229 = tpu.memref_slice %arg5[%add3A_189, %dma_start3A_227, %add3A, %dma_start3A_228] : memref<200x8x32x1024xf32, #tpu.memory_space<hbm>> -> memref<1x8x1x1024xf32, #tpu.memory_space<hbm>>
      %dma_start3A_230 = tpu.memref_squeeze %dma_start3A_229 : memref<1x8x1x1024xf32, #tpu.memory_space<hbm>> -> memref<8x1024xf32, #tpu.memory_space<hbm>>
      %dma_start3A_231 = arith.constant 0 : i32
      %dma_start3A_232 = arith.constant 0 : i32
      %dma_start3A_233 = tpu.memref_slice %arg5[%add3A_189, %dma_start3A_231, %add3A, %dma_start3A_232] : memref<200x8x32x1024xf32, #tpu.memory_space<hbm>> -> memref<1x8x1x1024xf32, #tpu.memory_space<hbm>>
      %dma_start3A_234 = tpu.memref_squeeze %dma_start3A_233 : memref<1x8x1x1024xf32, #tpu.memory_space<hbm>> -> memref<8x1024xf32, #tpu.memory_space<hbm>>
      tpu.enqueue_dma source(%arg16 : memref<8x1024xf32, #tpu.memory_space<vmem>>) target(%dma_start3A_234 : memref<8x1024xf32, #tpu.memory_space<hbm>>) target_semaphore(%arg30 : memref<!tpu.dma_semaphore, #tpu.memory_space<semaphore_mem>>)
      %add3A_235 = arith.constant 3 : i32
      %add3A_236 = arith.addi %add3A_99, %add3A_235 : i32
      %lt3A_237 = arith.constant 197 : i32
      %lt3A_238 = arith.cmpi slt, %add3A_236, %lt3A_237 : i32
      %convert_element_type3A_239 = arith.extui %lt3A_238 : i1 to i32
      %cond3A_240 = arith.constant 0 : i32
      %cond3A_241 = arith.cmpi ne, %convert_element_type3A_239, %cond3A_240 : i32
      scf.if %cond3A_241 {
        %add3A_282 = arith.constant 3 : i32
        %add3A_283 = arith.addi %add3A_236, %add3A_282 : i32
        %jit3A = arith.constant 8 : i32
        %div3A = arith.divsi %add3A_283, %jit3A : i32
        %sign3A = arith.constant 0 : i32
        %sign3A_284 = arith.cmpi sgt, %add3A_283, %sign3A : i32
        %sign3A_285 = arith.extui %sign3A_284 : i1 to i32
        %sign3A_286 = arith.constant 0 : i32
        %sign3A_287 = arith.cmpi slt, %add3A_283, %sign3A_286 : i32
        %sign3A_288 = arith.extui %sign3A_287 : i1 to i32
        %sign3A_289 = arith.subi %sign3A_285, %sign3A_288 : i32
        %sign3A_290 = arith.constant 0 : i32
        %sign3A_291 = arith.cmpi sgt, %jit3A, %sign3A_290 : i32
        %sign3A_292 = arith.extui %sign3A_291 : i1 to i32
        %sign3A_293 = arith.constant 0 : i32
        %sign3A_294 = arith.cmpi slt, %jit3A, %sign3A_293 : i32
        %sign3A_295 = arith.extui %sign3A_294 : i1 to i32
        %sign3A_296 = arith.subi %sign3A_292, %sign3A_295 : i32
        %ne3A = arith.cmpi ne, %sign3A_289, %sign3A_296 : i32
        %rem3A = arith.remsi %add3A_283, %jit3A : i32
        %ne3A_297 = arith.constant 0 : i32
        %ne3A_298 = arith.cmpi ne, %rem3A, %ne3A_297 : i32
        %and3A = arith.andi %ne3A, %ne3A_298 : i1
        %sub3A = arith.constant 1 : i32
        %sub3A_299 = arith.subi %div3A, %sub3A : i32
        %select_n3A = arith.select %and3A, %sub3A_299, %div3A : i32
        %jit3A_300 = arith.constant 8 : i32
        %eq3A = arith.constant 0 : i32
        %eq3A_301 = arith.cmpi eq, %jit3A_300, %eq3A : i32
        %jit3A_302 = arith.constant 1 : i32
        %select_n3A_303 = arith.select %eq3A_301, %jit3A_302, %jit3A_300 : i32
        %rem3A_304 = arith.remsi %add3A_283, %select_n3A_303 : i32
        %ne3A_305 = arith.constant 0 : i32
        %ne3A_306 = arith.cmpi ne, %rem3A_304, %ne3A_305 : i32
        %lt3A_307 = arith.constant 0 : i32
        %lt3A_308 = arith.cmpi slt, %rem3A_304, %lt3A_307 : i32
        %lt3A_309 = arith.constant 0 : i32
        %lt3A_310 = arith.cmpi slt, %select_n3A_303, %lt3A_309 : i32
        %ne3A_311 = arith.xori %lt3A_308, %lt3A_310 : i1
        %and3A_312 = arith.andi %ne3A_311, %ne3A_306 : i1
        %add3A_313 = arith.addi %rem3A_304, %select_n3A_303 : i32
        %select_n3A_314 = arith.select %and3A_312, %add3A_313, %rem3A_304 : i32
        %dma_start3A_315 = arith.constant 0 : i32
        %dma_start3A_316 = tpu.memref_slice %arg2[%select_n3A, %add3A, %select_n3A_314, %dma_start3A_315] : memref<25x32x8x128xi32, #tpu.memory_space<hbm>> -> memref<1x1x1x128xi32, #tpu.memory_space<hbm>>
        %dma_start3A_317 = tpu.memref_squeeze %dma_start3A_316 : memref<1x1x1x128xi32, #tpu.memory_space<hbm>> -> memref<128xi32, #tpu.memory_space<hbm>>
        %dma_start3A_318 = arith.constant 0 : i32
        %dma_start3A_319 = tpu.memref_slice %arg2[%select_n3A, %add3A, %select_n3A_314, %dma_start3A_318] : memref<25x32x8x128xi32, #tpu.memory_space<hbm>> -> memref<1x1x1x128xi32, #tpu.memory_space<hbm>>
        %dma_start3A_320 = tpu.memref_squeeze %dma_start3A_319 : memref<1x1x1x128xi32, #tpu.memory_space<hbm>> -> memref<128xi32, #tpu.memory_space<hbm>>
        tpu.enqueue_dma source(%dma_start3A_320 : memref<128xi32, #tpu.memory_space<hbm>>) target(%arg8 : memref<128xi32, #tpu.memory_space<vmem>>) target_semaphore(%arg22 : memref<!tpu.dma_semaphore, #tpu.memory_space<semaphore_mem>>)
      } else {
      }
      %lt3A_242 = arith.constant 198 : i32
      %lt3A_243 = arith.cmpi slt, %add3A_236, %lt3A_242 : i32
      %convert_element_type3A_244 = arith.extui %lt3A_243 : i1 to i32
      %cond3A_245 = arith.constant 0 : i32
      %cond3A_246 = arith.cmpi ne, %convert_element_type3A_244, %cond3A_245 : i32
      scf.if %cond3A_246 {
        %add3A_282 = arith.constant 2 : i32
        %add3A_283 = arith.addi %add3A_236, %add3A_282 : i32
        %dma_wait3A_284 = arith.constant 0 : i32
        %dma_wait3A_285 = arith.constant 0 : i32
        %dma_wait3A_286 = arith.constant 0 : i32
        %dma_wait3A_287 = arith.constant 0 : i32
        %dma_wait3A_288 = tpu.memref_slice %arg2[%dma_wait3A_284, %dma_wait3A_285, %dma_wait3A_286, %dma_wait3A_287] : memref<25x32x8x128xi32, #tpu.memory_space<hbm>> -> memref<1x1x1x128xi32, #tpu.memory_space<hbm>>
        %dma_wait3A_289 = tpu.memref_squeeze %dma_wait3A_288 : memref<1x1x1x128xi32, #tpu.memory_space<hbm>> -> memref<128xi32, #tpu.memory_space<hbm>>
        %dma_wait3A_290 = arith.constant 0 : i32
        %dma_wait3A_291 = tpu.memref_slice %arg2[%dma_wait3A_284, %dma_wait3A_285, %dma_wait3A_286, %dma_wait3A_290] : memref<25x32x8x128xi32, #tpu.memory_space<hbm>> -> memref<1x1x1x128xi32, #tpu.memory_space<hbm>>
        %dma_wait3A_292 = tpu.memref_squeeze %dma_wait3A_291 : memref<1x1x1x128xi32, #tpu.memory_space<hbm>> -> memref<128xi32, #tpu.memory_space<hbm>>
        tpu.wait_dma2 semaphore(%arg21 : memref<!tpu.dma_semaphore, #tpu.memory_space<semaphore_mem>>) src(%dma_wait3A_292 : memref<128xi32, #tpu.memory_space<hbm>>) dst(%arg7 : memref<128xi32, #tpu.memory_space<vmem>>)
        %dma_start3A_293 = arith.constant 0 : i32
        %dma_start3A_294 = arith.constant 0 : i32
        %dma_start3A_295 = tpu.memref_slice %arg3[%dma_start3A_293, %dma_start3A_294] : memref<100000x64xf32, #tpu.memory_space<hbm>> -> memref<100000x64xf32, #tpu.memory_space<hbm>>
        tpu.enqueue_indirect_dma source(%dma_start3A_295 : memref<100000x64xf32, #tpu.memory_space<hbm>>) target(%arg11 : memref<128x64xf32, #tpu.memory_space<vmem>>) offsets(%arg7 : memref<128xi32, #tpu.memory_space<vmem>>) semaphore(%arg25 : memref<!tpu.dma_semaphore, #tpu.memory_space<semaphore_mem>>)
      } else {
      }
      %ge3A_247 = arith.constant 2 : i32
      %ge3A_248 = arith.cmpi sge, %add3A_236, %ge3A_247 : i32
      %convert_element_type3A_249 = arith.extui %ge3A_248 : i1 to i32
      %cond3A_250 = arith.constant 0 : i32
      %cond3A_251 = arith.cmpi ne, %convert_element_type3A_249, %cond3A_250 : i32
      scf.if %cond3A_251 {
        %dma_wait3A_282 = arith.constant 0 : i32
        %dma_wait3A_283 = arith.constant 0 : i32
        %dma_wait3A_284 = arith.constant 0 : i32
        %dma_wait3A_285 = arith.constant 0 : i32
        %dma_wait3A_286 = tpu.memref_slice %arg5[%dma_wait3A_282, %dma_wait3A_284, %dma_wait3A_283, %dma_wait3A_285] : memref<200x8x32x1024xf32, #tpu.memory_space<hbm>> -> memref<1x8x1x1024xf32, #tpu.memory_space<hbm>>
        %dma_wait3A_287 = tpu.memref_squeeze %dma_wait3A_286 : memref<1x8x1x1024xf32, #tpu.memory_space<hbm>> -> memref<8x1024xf32, #tpu.memory_space<hbm>>
        %dma_wait3A_288 = arith.constant 0 : i32
        %dma_wait3A_289 = arith.constant 0 : i32
        %dma_wait3A_290 = tpu.memref_slice %arg5[%dma_wait3A_282, %dma_wait3A_288, %dma_wait3A_283, %dma_wait3A_289] : memref<200x8x32x1024xf32, #tpu.memory_space<hbm>> -> memref<1x8x1x1024xf32, #tpu.memory_space<hbm>>
        %dma_wait3A_291 = tpu.memref_squeeze %dma_wait3A_290 : memref<1x8x1x1024xf32, #tpu.memory_space<hbm>> -> memref<8x1024xf32, #tpu.memory_space<hbm>>
        tpu.wait_dma2 semaphore(%arg29 : memref<!tpu.dma_semaphore, #tpu.memory_space<semaphore_mem>>) src(%arg15 : memref<8x1024xf32, #tpu.memory_space<vmem>>) dst(%dma_wait3A_291 : memref<8x1024xf32, #tpu.memory_space<hbm>>)
      } else {
      }
      %dma_wait3A_252 = arith.constant 0 : i32
      %dma_wait3A_253 = arith.constant 0 : i32
      %dma_wait3A_254 = tpu.memref_slice %arg3[%dma_wait3A_252, %dma_wait3A_253] : memref<100000x64xf32, #tpu.memory_space<hbm>> -> memref<100000x64xf32, #tpu.memory_space<hbm>>
      tpu.wait_indirect_dma semaphore(%arg27 : memref<!tpu.dma_semaphore, #tpu.memory_space<semaphore_mem>>) src(%dma_wait3A_254 : memref<100000x64xf32, #tpu.memory_space<hbm>>) dst(%arg13 : memref<128x64xf32, #tpu.memory_space<vmem>>)
      %get3A_255 = arith.index_cast %add3A_236 : i32 to index
      %get3A_256 = arith.constant 0 : index
      %get3A_257 = tpu.vector_load %arg19[%get3A_255, %get3A_256] {strides = array<i32>} : memref<200x64xf32, #tpu.memory_space<vmem>>, vector<16xf32>,
      %get3A_258 = arith.index_cast %add3A_236 : i32 to index
      %get3A_259 = arith.constant 16 : index
      %get3A_260 = tpu.vector_load %arg19[%get3A_258, %get3A_259] {strides = array<i32>} : memref<200x64xf32, #tpu.memory_space<vmem>>, vector<16xf32>,
      %get3A_261 = arith.index_cast %add3A_236 : i32 to index
      %get3A_262 = arith.constant 32 : index
      %get3A_263 = tpu.vector_load %arg19[%get3A_261, %get3A_262] {strides = array<i32>} : memref<200x64xf32, #tpu.memory_space<vmem>>, vector<16xf32>,
      %get3A_264 = arith.index_cast %add3A_236 : i32 to index
      %get3A_265 = arith.constant 48 : index
      %get3A_266 = tpu.vector_load %arg19[%get3A_264, %get3A_265] {strides = array<i32>} : memref<200x64xf32, #tpu.memory_space<vmem>>, vector<16xf32>,
      %parallel_loop3A_267 = arith.constant 0 : i32
      %parallel_loop3A_268 = arith.constant 128 : i32
      %parallel_loop3A_269 = arith.constant 1 : i32
      %parallel_loop3A_270:8 = scf.for %parallel_loop3A_282 = %parallel_loop3A_267 to %parallel_loop3A_268 step %parallel_loop3A_269 iter_args(%parallel_loop3A_283 = %get3A_257, %parallel_loop3A_284 = %get3A_260, %parallel_loop3A_285 = %get3A_263, %parallel_loop3A_286 = %get3A_266, %parallel_loop3A_287 = %mul3A_52, %parallel_loop3A_288 = %mul3A_58, %parallel_loop3A_289 = %mul3A_64, %parallel_loop3A_290 = %mul3A_70) -> (vector<16xf32>, vector<16xf32>, vector<16xf32>, vector<16xf32>, vector<16xi32>, vector<16xi32>, vector<16xi32>, vector<16xi32>)  : i32 {
        %parallel_loop3A_291 = arith.index_cast %parallel_loop3A_282 : i32 to index
        %parallel_loop3A_292 = arith.constant 0 : index
        %parallel_loop3A_293 = tpu.vector_load %arg13[%parallel_loop3A_291, %parallel_loop3A_292] {strides = array<i32>} : memref<128x64xf32, #tpu.memory_space<vmem>>, vector<16xf32>,
        %parallel_loop3A_294 = arith.addf %parallel_loop3A_293, %parallel_loop3A_283 : vector<16xf32>
        %parallel_loop3A_295 = vector.broadcast %parallel_loop3A_282 : i32 to vector<16xi32>
        %parallel_loop3A_296 = arith.addi %parallel_loop3A_287, %parallel_loop3A_295 : vector<16xi32>
        tpu.vector_store_idx %arg18[%parallel_loop3A_296], %parallel_loop3A_294 : memref<8256xf32, #tpu.memory_space<vmem>>[vector<16xi32>], vector<16xf32>,
        %parallel_loop3A_297 = arith.index_cast %parallel_loop3A_282 : i32 to index
        %parallel_loop3A_298 = arith.constant 16 : index
        %parallel_loop3A_299 = tpu.vector_load %arg13[%parallel_loop3A_297, %parallel_loop3A_298] {strides = array<i32>} : memref<128x64xf32, #tpu.memory_space<vmem>>, vector<16xf32>,
        %parallel_loop3A_300 = arith.addf %parallel_loop3A_299, %parallel_loop3A_284 : vector<16xf32>
        %parallel_loop3A_301 = vector.broadcast %parallel_loop3A_282 : i32 to vector<16xi32>
        %parallel_loop3A_302 = arith.addi %parallel_loop3A_288, %parallel_loop3A_301 : vector<16xi32>
        tpu.vector_store_idx %arg18[%parallel_loop3A_302], %parallel_loop3A_300 : memref<8256xf32, #tpu.memory_space<vmem>>[vector<16xi32>], vector<16xf32>,
        %parallel_loop3A_303 = arith.index_cast %parallel_loop3A_282 : i32 to index
        %parallel_loop3A_304 = arith.constant 32 : index
        %parallel_loop3A_305 = tpu.vector_load %arg13[%parallel_loop3A_303, %parallel_loop3A_304] {strides = array<i32>} : memref<128x64xf32, #tpu.memory_space<vmem>>, vector<16xf32>,
        %parallel_loop3A_306 = arith.addf %parallel_loop3A_305, %parallel_loop3A_285 : vector<16xf32>
        %parallel_loop3A_307 = vector.broadcast %parallel_loop3A_282 : i32 to vector<16xi32>
        %parallel_loop3A_308 = arith.addi %parallel_loop3A_289, %parallel_loop3A_307 : vector<16xi32>
        tpu.vector_store_idx %arg18[%parallel_loop3A_308], %parallel_loop3A_306 : memref<8256xf32, #tpu.memory_space<vmem>>[vector<16xi32>], vector<16xf32>,
        %parallel_loop3A_309 = arith.index_cast %parallel_loop3A_282 : i32 to index
        %parallel_loop3A_310 = arith.constant 48 : index
        %parallel_loop3A_311 = tpu.vector_load %arg13[%parallel_loop3A_309, %parallel_loop3A_310] {strides = array<i32>} : memref<128x64xf32, #tpu.memory_space<vmem>>, vector<16xf32>,
        %parallel_loop3A_312 = arith.addf %parallel_loop3A_311, %parallel_loop3A_286 : vector<16xf32>
        %parallel_loop3A_313 = vector.broadcast %parallel_loop3A_282 : i32 to vector<16xi32>
        %parallel_loop3A_314 = arith.addi %parallel_loop3A_290, %parallel_loop3A_313 : vector<16xi32>
        tpu.vector_store_idx %arg18[%parallel_loop3A_314], %parallel_loop3A_312 : memref<8256xf32, #tpu.memory_space<vmem>>[vector<16xi32>], vector<16xf32>,
        scf.yield %parallel_loop3A_283, %parallel_loop3A_284, %parallel_loop3A_285, %parallel_loop3A_286, %parallel_loop3A_287, %parallel_loop3A_288, %parallel_loop3A_289, %parallel_loop3A_290 : vector<16xf32>, vector<16xf32>, vector<16xf32>, vector<16xf32>, vector<16xi32>, vector<16xi32>, vector<16xi32>, vector<16xi32>
      } {sc.loop_unroll_factor = 8 : i64, sc.parallel_access}
      %parallel_loop3A_271 = arith.constant 0 : i32
      %parallel_loop3A_272 = arith.constant 64 : i32
      %parallel_loop3A_273 = arith.constant 1 : i32
      scf.for %parallel_loop3A_282 = %parallel_loop3A_271 to %parallel_loop3A_272 step %parallel_loop3A_273  : i32 {
        %parallel_loop3A_283 = arith.constant 8 : i32
        %parallel_loop3A_284 = arith.divsi %parallel_loop3A_282, %parallel_loop3A_283 : i32
        %parallel_loop3A_285 = arith.constant 0 : i32
        %parallel_loop3A_286 = arith.cmpi sgt, %parallel_loop3A_282, %parallel_loop3A_285 : i32
        %parallel_loop3A_287 = arith.extui %parallel_loop3A_286 : i1 to i32
        %parallel_loop3A_288 = arith.constant 0 : i32
        %parallel_loop3A_289 = arith.cmpi slt, %parallel_loop3A_282, %parallel_loop3A_288 : i32
        %parallel_loop3A_290 = arith.extui %parallel_loop3A_289 : i1 to i32
        %parallel_loop3A_291 = arith.subi %parallel_loop3A_287, %parallel_loop3A_290 : i32
        %parallel_loop3A_292 = arith.constant 0 : i32
        %parallel_loop3A_293 = arith.cmpi sgt, %parallel_loop3A_283, %parallel_loop3A_292 : i32
        %parallel_loop3A_294 = arith.extui %parallel_loop3A_293 : i1 to i32
        %parallel_loop3A_295 = arith.constant 0 : i32
        %parallel_loop3A_296 = arith.cmpi slt, %parallel_loop3A_283, %parallel_loop3A_295 : i32
        %parallel_loop3A_297 = arith.extui %parallel_loop3A_296 : i1 to i32
        %parallel_loop3A_298 = arith.subi %parallel_loop3A_294, %parallel_loop3A_297 : i32
        %parallel_loop3A_299 = arith.cmpi ne, %parallel_loop3A_291, %parallel_loop3A_298 : i32
        %parallel_loop3A_300 = arith.remsi %parallel_loop3A_282, %parallel_loop3A_283 : i32
        %parallel_loop3A_301 = arith.constant 0 : i32
        %parallel_loop3A_302 = arith.cmpi ne, %parallel_loop3A_300, %parallel_loop3A_301 : i32
        %parallel_loop3A_303 = arith.andi %parallel_loop3A_299, %parallel_loop3A_302 : i1
        %parallel_loop3A_304 = arith.constant 1 : i32
        %parallel_loop3A_305 = arith.subi %parallel_loop3A_284, %parallel_loop3A_304 : i32
        %parallel_loop3A_306 = arith.select %parallel_loop3A_303, %parallel_loop3A_305, %parallel_loop3A_284 : i32
        %parallel_loop3A_307 = arith.constant 8 : i32
        %parallel_loop3A_308 = arith.muli %parallel_loop3A_306, %parallel_loop3A_307 : i32
        %parallel_loop3A_309 = arith.subi %parallel_loop3A_282, %parallel_loop3A_308 : i32
        %parallel_loop3A_310 = arith.constant 129 : i32
        %parallel_loop3A_311 = arith.muli %parallel_loop3A_282, %parallel_loop3A_310 : i32
        %parallel_loop3A_312 = arith.constant 0 : i32
        %parallel_loop3A_313 = arith.addi %parallel_loop3A_311, %parallel_loop3A_312 : i32
        %parallel_loop3A_314 = arith.index_cast %parallel_loop3A_313 : i32 to index
        %parallel_loop3A_315 = tpu.vector_load %arg18[%parallel_loop3A_314] {strides = array<i32>} : memref<8256xf32, #tpu.memory_space<vmem>>, vector<16xf32>,
        %parallel_loop3A_316 = arith.constant 128 : i32
        %parallel_loop3A_317 = arith.muli %parallel_loop3A_309, %parallel_loop3A_316 : i32
        %parallel_loop3A_318 = arith.constant 0 : i32
        %parallel_loop3A_319 = arith.addi %parallel_loop3A_317, %parallel_loop3A_318 : i32
        %parallel_loop3A_320 = arith.index_cast %parallel_loop3A_306 : i32 to index
        %parallel_loop3A_321 = arith.index_cast %parallel_loop3A_319 : i32 to index
        %parallel_loop3A_322 = tpu.vector_load %arg17[%parallel_loop3A_320, %parallel_loop3A_321] {strides = array<i32>} : memref<8x1024xf32, #tpu.memory_space<vmem>>, vector<16xf32>,
        tpu.vector_store %arg17[%parallel_loop3A_320, %parallel_loop3A_321], %parallel_loop3A_315 {strides = array<i32>} : memref<8x1024xf32, #tpu.memory_space<vmem>>, vector<16xf32>,
        %parallel_loop3A_323 = arith.constant 129 : i32
        %parallel_loop3A_324 = arith.muli %parallel_loop3A_282, %parallel_loop3A_323 : i32
        %parallel_loop3A_325 = arith.constant 16 : i32
        %parallel_loop3A_326 = arith.addi %parallel_loop3A_324, %parallel_loop3A_325 : i32
        %parallel_loop3A_327 = arith.index_cast %parallel_loop3A_326 : i32 to index
        %parallel_loop3A_328 = tpu.vector_load %arg18[%parallel_loop3A_327] {strides = array<i32>} : memref<8256xf32, #tpu.memory_space<vmem>>, vector<16xf32>,
        %parallel_loop3A_329 = arith.constant 128 : i32
        %parallel_loop3A_330 = arith.muli %parallel_loop3A_309, %parallel_loop3A_329 : i32
        %parallel_loop3A_331 = arith.constant 16 : i32
        %parallel_loop3A_332 = arith.addi %parallel_loop3A_330, %parallel_loop3A_331 : i32
        %parallel_loop3A_333 = arith.index_cast %parallel_loop3A_306 : i32 to index
        %parallel_loop3A_334 = arith.index_cast %parallel_loop3A_332 : i32 to index
        %parallel_loop3A_335 = tpu.vector_load %arg17[%parallel_loop3A_333, %parallel_loop3A_334] {strides = array<i32>} : memref<8x1024xf32, #tpu.memory_space<vmem>>, vector<16xf32>,
        tpu.vector_store %arg17[%parallel_loop3A_333, %parallel_loop3A_334], %parallel_loop3A_328 {strides = array<i32>} : memref<8x1024xf32, #tpu.memory_space<vmem>>, vector<16xf32>,
        %parallel_loop3A_336 = arith.constant 129 : i32
        %parallel_loop3A_337 = arith.muli %parallel_loop3A_282, %parallel_loop3A_336 : i32
        %parallel_loop3A_338 = arith.constant 32 : i32
        %parallel_loop3A_339 = arith.addi %parallel_loop3A_337, %parallel_loop3A_338 : i32
        %parallel_loop3A_340 = arith.index_cast %parallel_loop3A_339 : i32 to index
        %parallel_loop3A_341 = tpu.vector_load %arg18[%parallel_loop3A_340] {strides = array<i32>} : memref<8256xf32, #tpu.memory_space<vmem>>, vector<16xf32>,
        %parallel_loop3A_342 = arith.constant 128 : i32
        %parallel_loop3A_343 = arith.muli %parallel_loop3A_309, %parallel_loop3A_342 : i32
        %parallel_loop3A_344 = arith.constant 32 : i32
        %parallel_loop3A_345 = arith.addi %parallel_loop3A_343, %parallel_loop3A_344 : i32
        %parallel_loop3A_346 = arith.index_cast %parallel_loop3A_306 : i32 to index
        %parallel_loop3A_347 = arith.index_cast %parallel_loop3A_345 : i32 to index
        %parallel_loop3A_348 = tpu.vector_load %arg17[%parallel_loop3A_346, %parallel_loop3A_347] {strides = array<i32>} : memref<8x1024xf32, #tpu.memory_space<vmem>>, vector<16xf32>,
        tpu.vector_store %arg17[%parallel_loop3A_346, %parallel_loop3A_347], %parallel_loop3A_341 {strides = array<i32>} : memref<8x1024xf32, #tpu.memory_space<vmem>>, vector<16xf32>,
        %parallel_loop3A_349 = arith.constant 129 : i32
        %parallel_loop3A_350 = arith.muli %parallel_loop3A_282, %parallel_loop3A_349 : i32
        %parallel_loop3A_351 = arith.constant 48 : i32
        %parallel_loop3A_352 = arith.addi %parallel_loop3A_350, %parallel_loop3A_351 : i32
        %parallel_loop3A_353 = arith.index_cast %parallel_loop3A_352 : i32 to index
        %parallel_loop3A_354 = tpu.vector_load %arg18[%parallel_loop3A_353] {strides = array<i32>} : memref<8256xf32, #tpu.memory_space<vmem>>, vector<16xf32>,
        %parallel_loop3A_355 = arith.constant 128 : i32
        %parallel_loop3A_356 = arith.muli %parallel_loop3A_309, %parallel_loop3A_355 : i32
        %parallel_loop3A_357 = arith.constant 48 : i32
        %parallel_loop3A_358 = arith.addi %parallel_loop3A_356, %parallel_loop3A_357 : i32
        %parallel_loop3A_359 = arith.index_cast %parallel_loop3A_306 : i32 to index
        %parallel_loop3A_360 = arith.index_cast %parallel_loop3A_358 : i32 to index
        %parallel_loop3A_361 = tpu.vector_load %arg17[%parallel_loop3A_359, %parallel_loop3A_360] {strides = array<i32>} : memref<8x1024xf32, #tpu.memory_space<vmem>>, vector<16xf32>,
        tpu.vector_store %arg17[%parallel_loop3A_359, %parallel_loop3A_360], %parallel_loop3A_354 {strides = array<i32>} : memref<8x1024xf32, #tpu.memory_space<vmem>>, vector<16xf32>,
        %parallel_loop3A_362 = arith.constant 129 : i32
        %parallel_loop3A_363 = arith.muli %parallel_loop3A_282, %parallel_loop3A_362 : i32
        %parallel_loop3A_364 = arith.constant 64 : i32
        %parallel_loop3A_365 = arith.addi %parallel_loop3A_363, %parallel_loop3A_364 : i32
        %parallel_loop3A_366 = arith.index_cast %parallel_loop3A_365 : i32 to index
        %parallel_loop3A_367 = tpu.vector_load %arg18[%parallel_loop3A_366] {strides = array<i32>} : memref<8256xf32, #tpu.memory_space<vmem>>, vector<16xf32>,
        %parallel_loop3A_368 = arith.constant 128 : i32
        %parallel_loop3A_369 = arith.muli %parallel_loop3A_309, %parallel_loop3A_368 : i32
        %parallel_loop3A_370 = arith.constant 64 : i32
        %parallel_loop3A_371 = arith.addi %parallel_loop3A_369, %parallel_loop3A_370 : i32
        %parallel_loop3A_372 = arith.index_cast %parallel_loop3A_306 : i32 to index
        %parallel_loop3A_373 = arith.index_cast %parallel_loop3A_371 : i32 to index
        %parallel_loop3A_374 = tpu.vector_load %arg17[%parallel_loop3A_372, %parallel_loop3A_373] {strides = array<i32>} : memref<8x1024xf32, #tpu.memory_space<vmem>>, vector<16xf32>,
        tpu.vector_store %arg17[%parallel_loop3A_372, %parallel_loop3A_373], %parallel_loop3A_367 {strides = array<i32>} : memref<8x1024xf32, #tpu.memory_space<vmem>>, vector<16xf32>,
        %parallel_loop3A_375 = arith.constant 129 : i32
        %parallel_loop3A_376 = arith.muli %parallel_loop3A_282, %parallel_loop3A_375 : i32
        %parallel_loop3A_377 = arith.constant 80 : i32
        %parallel_loop3A_378 = arith.addi %parallel_loop3A_376, %parallel_loop3A_377 : i32
        %parallel_loop3A_379 = arith.index_cast %parallel_loop3A_378 : i32 to index
        %parallel_loop3A_380 = tpu.vector_load %arg18[%parallel_loop3A_379] {strides = array<i32>} : memref<8256xf32, #tpu.memory_space<vmem>>, vector<16xf32>,
        %parallel_loop3A_381 = arith.constant 128 : i32
        %parallel_loop3A_382 = arith.muli %parallel_loop3A_309, %parallel_loop3A_381 : i32
        %parallel_loop3A_383 = arith.constant 80 : i32
        %parallel_loop3A_384 = arith.addi %parallel_loop3A_382, %parallel_loop3A_383 : i32
        %parallel_loop3A_385 = arith.index_cast %parallel_loop3A_306 : i32 to index
        %parallel_loop3A_386 = arith.index_cast %parallel_loop3A_384 : i32 to index
        %parallel_loop3A_387 = tpu.vector_load %arg17[%parallel_loop3A_385, %parallel_loop3A_386] {strides = array<i32>} : memref<8x1024xf32, #tpu.memory_space<vmem>>, vector<16xf32>,
        tpu.vector_store %arg17[%parallel_loop3A_385, %parallel_loop3A_386], %parallel_loop3A_380 {strides = array<i32>} : memref<8x1024xf32, #tpu.memory_space<vmem>>, vector<16xf32>,
        %parallel_loop3A_388 = arith.constant 129 : i32
        %parallel_loop3A_389 = arith.muli %parallel_loop3A_282, %parallel_loop3A_388 : i32
        %parallel_loop3A_390 = arith.constant 96 : i32
        %parallel_loop3A_391 = arith.addi %parallel_loop3A_389, %parallel_loop3A_390 : i32
        %parallel_loop3A_392 = arith.index_cast %parallel_loop3A_391 : i32 to index
        %parallel_loop3A_393 = tpu.vector_load %arg18[%parallel_loop3A_392] {strides = array<i32>} : memref<8256xf32, #tpu.memory_space<vmem>>, vector<16xf32>,
        %parallel_loop3A_394 = arith.constant 128 : i32
        %parallel_loop3A_395 = arith.muli %parallel_loop3A_309, %parallel_loop3A_394 : i32
        %parallel_loop3A_396 = arith.constant 96 : i32
        %parallel_loop3A_397 = arith.addi %parallel_loop3A_395, %parallel_loop3A_396 : i32
        %parallel_loop3A_398 = arith.index_cast %parallel_loop3A_306 : i32 to index
        %parallel_loop3A_399 = arith.index_cast %parallel_loop3A_397 : i32 to index
        %parallel_loop3A_400 = tpu.vector_load %arg17[%parallel_loop3A_398, %parallel_loop3A_399] {strides = array<i32>} : memref<8x1024xf32, #tpu.memory_space<vmem>>, vector<16xf32>,
        tpu.vector_store %arg17[%parallel_loop3A_398, %parallel_loop3A_399], %parallel_loop3A_393 {strides = array<i32>} : memref<8x1024xf32, #tpu.memory_space<vmem>>, vector<16xf32>,
        %parallel_loop3A_401 = arith.constant 129 : i32
        %parallel_loop3A_402 = arith.muli %parallel_loop3A_282, %parallel_loop3A_401 : i32
        %parallel_loop3A_403 = arith.constant 112 : i32
        %parallel_loop3A_404 = arith.addi %parallel_loop3A_402, %parallel_loop3A_403 : i32
        %parallel_loop3A_405 = arith.index_cast %parallel_loop3A_404 : i32 to index
        %parallel_loop3A_406 = tpu.vector_load %arg18[%parallel_loop3A_405] {strides = array<i32>} : memref<8256xf32, #tpu.memory_space<vmem>>, vector<16xf32>,
        %parallel_loop3A_407 = arith.constant 128 : i32
        %parallel_loop3A_408 = arith.muli %parallel_loop3A_309, %parallel_loop3A_407 : i32
        %parallel_loop3A_409 = arith.constant 112 : i32
        %parallel_loop3A_410 = arith.addi %parallel_loop3A_408, %parallel_loop3A_409 : i32
        %parallel_loop3A_411 = arith.index_cast %parallel_loop3A_306 : i32 to index
        %parallel_loop3A_412 = arith.index_cast %parallel_loop3A_410 : i32 to index
        %parallel_loop3A_413 = tpu.vector_load %arg17[%parallel_loop3A_411, %parallel_loop3A_412] {strides = array<i32>} : memref<8x1024xf32, #tpu.memory_space<vmem>>, vector<16xf32>,
        tpu.vector_store %arg17[%parallel_loop3A_411, %parallel_loop3A_412], %parallel_loop3A_406 {strides = array<i32>} : memref<8x1024xf32, #tpu.memory_space<vmem>>, vector<16xf32>,
      } {sc.loop_unroll_factor = 8 : i64, sc.parallel_access}
      %dma_start3A_274 = arith.constant 0 : i32
      %dma_start3A_275 = arith.constant 0 : i32
      %dma_start3A_276 = tpu.memref_slice %arg5[%add3A_236, %dma_start3A_274, %add3A, %dma_start3A_275] : memref<200x8x32x1024xf32, #tpu.memory_space<hbm>> -> memref<1x8x1x1024xf32, #tpu.memory_space<hbm>>
      %dma_start3A_277 = tpu.memref_squeeze %dma_start3A_276 : memref<1x8x1x1024xf32, #tpu.memory_space<hbm>> -> memref<8x1024xf32, #tpu.memory_space<hbm>>
      %dma_start3A_278 = arith.constant 0 : i32
      %dma_start3A_279 = arith.constant 0 : i32
      %dma_start3A_280 = tpu.memref_slice %arg5[%add3A_236, %dma_start3A_278, %add3A, %dma_start3A_279] : memref<200x8x32x1024xf32, #tpu.memory_space<hbm>> -> memref<1x8x1x1024xf32, #tpu.memory_space<hbm>>
      %dma_start3A_281 = tpu.memref_squeeze %dma_start3A_280 : memref<1x8x1x1024xf32, #tpu.memory_space<hbm>> -> memref<8x1024xf32, #tpu.memory_space<hbm>>
      tpu.enqueue_dma source(%arg17 : memref<8x1024xf32, #tpu.memory_space<vmem>>) target(%dma_start3A_281 : memref<8x1024xf32, #tpu.memory_space<hbm>>) target_semaphore(%arg31 : memref<!tpu.dma_semaphore, #tpu.memory_space<semaphore_mem>>)
    }
    %scan3A_74 = arith.constant 50 : i32
    %dma_wait3A_75 = arith.constant 0 : i32
    %dma_wait3A_76 = arith.constant 0 : i32
    %dma_wait3A_77 = arith.constant 0 : i32
    %dma_wait3A_78 = arith.constant 0 : i32
    %dma_wait3A_79 = tpu.memref_slice %arg5[%dma_wait3A_75, %dma_wait3A_77, %dma_wait3A_76, %dma_wait3A_78] : memref<200x8x32x1024xf32, #tpu.memory_space<hbm>> -> memref<1x8x1x1024xf32, #tpu.memory_space<hbm>>
    %dma_wait3A_80 = tpu.memref_squeeze %dma_wait3A_79 : memref<1x8x1x1024xf32, #tpu.memory_space<hbm>> -> memref<8x1024xf32, #tpu.memory_space<hbm>>
    %dma_wait3A_81 = arith.constant 0 : i32
    %dma_wait3A_82 = arith.constant 0 : i32
    %dma_wait3A_83 = tpu.memref_slice %arg5[%dma_wait3A_75, %dma_wait3A_81, %dma_wait3A_76, %dma_wait3A_82] : memref<200x8x32x1024xf32, #tpu.memory_space<hbm>> -> memref<1x8x1x1024xf32, #tpu.memory_space<hbm>>
    %dma_wait3A_84 = tpu.memref_squeeze %dma_wait3A_83 : memref<1x8x1x1024xf32, #tpu.memory_space<hbm>> -> memref<8x1024xf32, #tpu.memory_space<hbm>>
    tpu.wait_dma2 semaphore(%arg30 : memref<!tpu.dma_semaphore, #tpu.memory_space<semaphore_mem>>) src(%arg16 : memref<8x1024xf32, #tpu.memory_space<vmem>>) dst(%dma_wait3A_84 : memref<8x1024xf32, #tpu.memory_space<hbm>>)
    %dma_wait3A_85 = arith.constant 0 : i32
    %dma_wait3A_86 = arith.constant 0 : i32
    %dma_wait3A_87 = arith.constant 0 : i32
    %dma_wait3A_88 = arith.constant 0 : i32
    %dma_wait3A_89 = tpu.memref_slice %arg5[%dma_wait3A_85, %dma_wait3A_87, %dma_wait3A_86, %dma_wait3A_88] : memref<200x8x32x1024xf32, #tpu.memory_space<hbm>> -> memref<1x8x1x1024xf32, #tpu.memory_space<hbm>>
    %dma_wait3A_90 = tpu.memref_squeeze %dma_wait3A_89 : memref<1x8x1x1024xf32, #tpu.memory_space<hbm>> -> memref<8x1024xf32, #tpu.memory_space<hbm>>
    %dma_wait3A_91 = arith.constant 0 : i32
    %dma_wait3A_92 = arith.constant 0 : i32
    %dma_wait3A_93 = tpu.memref_slice %arg5[%dma_wait3A_85, %dma_wait3A_91, %dma_wait3A_86, %dma_wait3A_92] : memref<200x8x32x1024xf32, #tpu.memory_space<hbm>> -> memref<1x8x1x1024xf32, #tpu.memory_space<hbm>>
    %dma_wait3A_94 = tpu.memref_squeeze %dma_wait3A_93 : memref<1x8x1x1024xf32, #tpu.memory_space<hbm>> -> memref<8x1024xf32, #tpu.memory_space<hbm>>
    tpu.wait_dma2 semaphore(%arg31 : memref<!tpu.dma_semaphore, #tpu.memory_space<semaphore_mem>>) src(%arg17 : memref<8x1024xf32, #tpu.memory_space<vmem>>) dst(%dma_wait3A_94 : memref<8x1024xf32, #tpu.memory_space<hbm>>)
    return
  }
}

</mosaic_0001>

<sc_bundles>
// kernel: kernel.3.cloned.1.call-start
scs
__scs_entry_jumppad:
0x0: {  	(pc) =	sbr.rel $0x88, $3  }
0x1: {  	(tag) =	ssettag $0x0;
	lr =	simm.s32 $0x1  }
0x2: {  	[smem:$0x3F9F] =	sst lr;
	_ =	strace $0xD0000000  }
0x3: {  	_ = 	snop  }
0x4: {  	_ = 	snop  }
0x5: {  	_ = 	snop  }
0x6: {  	_ = 	snop  }
0x7: {  	_ = 	snop  }
__scs_overlays_trampoline_lowered:
0x8: {  	[smem:$0x3FAE] =	sst s0  }
0x9: {  	[smem:$0x3FAF] =	sst s1  }
0xa: {  	[smem:$0x3FB0] =	sst s2  }
0xb: {  	[smem:$0x3FB1] =	sst s3  }
0xc: {  	[smem:$0x3FB2] =	sst s4  }
0xd: {  	[smem:$0x3FB3] =	sst s5  }
0xe: {  	[smem:$0x3FB4] =	sst s6  }
0xf: {  	[smem:$0x3FB5] =	sst s7  }
0x10: {  	[smem:$0x3FB6] =	sst s8  }
0x11: {  	[smem:$0x3FB7] =	sst s9;
	s0 =	simm.s32 @!p0 $0x0  }
0x12: {  	s1 =	sld [smem:$0x3F9D];
	s0 =	simm.s32 @p0 $0x1  }
0x13: {  	[smem:$0x3FB8] =	sst s0;
	s0 =	simm.s32 @!p1 $0x0  }
0x14: {  	s2 =	sld [smem:$0x3F9C];
	s0 =	simm.s32 @p1 $0x1  }
0x15: {  	[smem:$0x3FB9] =	sst s0;
	s0 =	simm.s32 @!p2 $0x0  }
0x16: {  	s3 =	sld [smem:$0x3FDB];
	s0 =	simm.s32 @p2 $0x1  }
0x17: {  	s4 =	simm.s32 $0x1BF5;
	[smem:$0x3FBB] =	sst s0  }
0x18: {  	s0 =	sld [smem:$0x3F9E];
	_ =	swait.ge [sflag:s4], $0x0  }
0x19: {  	s7 =	sld [smem:$0x3F9F]  }
0x1a: {  	s8 =	sadd.s32 $0xFFFFE003, lr  }
0x1b: {  	s9 =	sadd.s32 $0xFFFFFEF7, lr;
	s5 =	simm.s32 $0xFFFFFFFF;
	p2 =	slt.u32 s8, $0xFFFFF086  }
0x1c: {  	p1 =	slt.u32 s9, $0xF7A;
	s5 =	simm.s32 @!p2 $0x0  }
0x1d: {  	s5 =	simm.s32 @p1 $0x1;
	p0 =	seq.s32 s7, s2  }
0x1e: {  	s7 =	smul.u32 @!p0 $0xF7A, s2;
	p2 =	seq.s32 @!p0 s5, $0x0  }
0x1f: {  	s9 =	smul.u32 $0xF7A, s1;
	s8 =	simm.s32 @!p0 $0x1BF5;
	p2 =	por !p2, p0  }
0x20: {  	[sflag:s8] =	ssyncset.s32 @!p0 $0xFFFFF086;
	s6 =	sadd.s32 @!p0 s3, s7;
	s7 =	simm.s32 @!p0 $0x108  }
0x21: {  	s3 =	sadd.s32 s3, s9;
	s6 =	sadd.s32 @!p0 $0x88, s6;
	s7 =	simm.s32 @p2 $0x1082  }
0x22: {  	[simem:s7], [sflag:s8] =	dma.local @!p0 [hbm:s6], $0xF7A  }
0x23: {  	s9 =	sor.u32 $0xD0000000, s2;
	s6 =	simm.s32 $0x108;
	_ =	swait.ge @!p0 [sflag:s8], $0x0  }
0x24: {  	s3 =	sadd.s32 $0x88, s3;
	s6 =	simm.s32 @!p1 $0x1082;
	[sflag:s4] =	ssyncset.s32 $0xFFFFF086  }
0x25: {  	[simem:s6], [sflag:s4] =	dma.local [hbm:s3], $0xF7A  }
0x26: {  	[smem:$0x3F9F] =	sst s1;
	(tag) =	ssettag s2;
	_ =	strace s9  }
0x27: {  	s1 =	sld [smem:$0x3FAF]  }
0x28: {  	s2 =	sld [smem:$0x3FB0]  }
0x29: {  	s4 =	sld [smem:$0x3FB2]  }
0x2a: {  	p0 =	seq.s32 s5, $0x0;
	s5 =	sld [smem:$0x3FB3]  }
0x2b: {  	s6 =	sld [smem:$0x3FB4]  }
0x2c: {  	s7 =	sld [smem:$0x3FB5]  }
0x2d: {  	s3 =	simm.s32 $0x108;
	s8 =	sld [smem:$0x3FB6]  }
0x2e: {  	s3 =	simm.s32 @!p0 $0x1082;
	s9 =	sld [smem:$0x3FB7]  }
0x2f: {  	lr =	sadd.s32 s0, s3;
	s0 =	sld [smem:$0x3FAE]  }
0x30: {  	s3 =	sld [smem:$0x3FB1]  }
0x31: {  	[smem:$0x3FBA] =	sst s10  }
0x32: {  	s10 =	sld [smem:$0x3FB8];
	_ =	sdelay $0x3  }
0x33: {  	p0 =	seq.s32 s10, $0x1;
	s10 =	sld [smem:$0x3FBA];
	_ =	sdelay $0x3  }
0x34: {  	[smem:$0x3FBA] =	sst s10  }
0x35: {  	s10 =	sld [smem:$0x3FB9];
	_ =	sdelay $0x3  }
0x36: {  	p1 =	seq.s32 s10, $0x1;
	s10 =	sld [smem:$0x3FBA];
	_ =	sdelay $0x3  }
0x37: {  	[smem:$0x3FBA] =	sst s10  }
0x38: {  	s10 =	sld [smem:$0x3FBB]  }
0x39: {  	_ = 	snop;
	(pc) =	sbr.ind lr, $3  }
0x3a: {  	_ = 	snop  }
0x3b: {  	_ = 	snop  }
0x3c: {  	p2 =	seq.s32 s10, $0x1;
	s10 =	sld [smem:$0x3FBA]  }
0x3d: {  	_ =	shalt  }
0x3e: {  	_ =	shalt  }
0x3f: {  	_ =	shalt  }
0x40: {  	_ =	shalt  }
0x41: {  	_ =	shalt  }
0x42: {  	_ =	shalt  }
0x43: {  	_ =	shalt  }
0x44: {  	_ =	shalt  }
0x45: {  	_ =	shalt  }
0x46: {  	_ =	shalt  }
0x47: {  	_ =	shalt  }
0x48: {  	_ =	shalt  }
0x49: {  	_ =	shalt  }
0x4a: {  	_ =	shalt  }
0x4b: {  	_ =	shalt  }
0x4c: {  	_ =	shalt  }
0x4d: {  	_ =	shalt  }
0x4e: {  	_ =	shalt  }
0x4f: {  	_ =	shalt  }
0x50: {  	_ =	shalt  }
0x51: {  	_ =	shalt  }
0x52: {  	_ =	shalt  }
0x53: {  	_ =	shalt  }
0x54: {  	_ =	shalt  }
0x55: {  	_ =	shalt  }
0x56: {  	_ =	shalt  }
0x57: {  	_ =	shalt  }
0x58: {  	_ =	shalt  }
0x59: {  	_ =	shalt  }
0x5a: {  	_ =	shalt  }
0x5b: {  	_ =	shalt  }
0x5c: {  	_ =	shalt  }
0x5d: {  	_ =	shalt  }
0x5e: {  	_ =	shalt  }
0x5f: {  	_ =	shalt  }
0x60: {  	_ =	shalt  }
0x61: {  	_ =	shalt  }
0x62: {  	_ =	shalt  }
0x63: {  	_ =	shalt  }
0x64: {  	_ =	shalt  }
0x65: {  	_ =	shalt  }
0x66: {  	_ =	shalt  }
0x67: {  	_ =	shalt  }
0x68: {  	_ =	shalt  }
0x69: {  	_ =	shalt  }
0x6a: {  	_ =	shalt  }
0x6b: {  	_ =	shalt  }
0x6c: {  	_ =	shalt  }
0x6d: {  	_ =	shalt  }
0x6e: {  	_ =	shalt  }
0x6f: {  	_ =	shalt  }
0x70: {  	_ =	shalt  }
0x71: {  	_ =	shalt  }
0x72: {  	_ =	shalt  }
0x73: {  	_ =	shalt  }
0x74: {  	_ =	shalt  }
0x75: {  	_ =	shalt  }
0x76: {  	_ =	shalt  }
0x77: {  	_ =	shalt  }
0x78: {  	_ =	shalt  }
0x79: {  	_ =	shalt  }
0x7a: {  	_ =	shalt  }
0x7b: {  	_ =	shalt  }
0x7c: {  	_ =	shalt  }
0x7d: {  	_ =	shalt  }
0x7e: {  	_ =	shalt  }
0x7f: {  	_ =	shalt  }
0x80: {  	_ =	shalt  }
0x81: {  	_ =	shalt  }
0x82: {  	_ =	shalt  }
0x83: {  	_ =	shalt  }
0x84: {  	_ =	shalt  }
0x85: {  	_ =	shalt  }
0x86: {  	_ =	shalt  }
0x87: {  	_ =	shalt  }
.Lfunc_end0:
.L_simem_size_0:
called_computation_lowered:
.L_overlay_start_0:
0x88: {  	s2 =	sld [smem:$0x3FD9]  }
0x89: {  	s3 =	sld [smem:$0x3FFE];
	_ =	sdelay $0x1  }
0x8a: {  	s1 =	srdreg.scid  }
0x8b: {  	s0 =	sand.u32 $0x1, s1  }
0x8c: {  	s17 =	sshll.u32 s0, $0xA;
	s2 =	sadd.s32 s3, s2  }
0x8d: {  	s2 =	sadd.s32 s2, s17  }
0x8e: {  	[smem:$0x3FC6] =	sst s2  }
0x8f: {  	_ = 	snop  }
0x90: {  	s2 =	sld [smem:$0x3FC9]  }
0x91: {  	s18 =	sld [smem:$0x3FD0];
	(tm) =	ssettm $0x1  }
0x92: {  	s4 =	sld [smem:$0x3FFB];
	_ =	sdelay $0x3  }
0x93: {  	_ =	strace s4  }
0x94: {  	s4 =	sld [smem:$0x3FFC];
	_ =	sdelay $0x3  }
0x95: {  	_ =	strace s4  }
0x96: {  	s4 =	sld [smem:$0x3FFD];
	_ =	sdelay $0x3  }
0x97: {  	_ =	strace s4  }
0x98: {  	_ =	strace $0x8FFFFFFF  }
0x99: {  	s19 =	sld [smem:$0x3FDB];
	_ =	sdelay $0x1  }
0x9a: {  	s5 =	simm.s32 $_scs_section_size  }
0x9b: {  	s6 =	simm.s32 $_size__tile_overlayer_lowered;
	s7 =	simm.s32 $_tile_overlayer_lowered  }
0x9c: {  	s22 =	simm.s32 $0x1BFF;
	s21 =	sshll.u32 s7, $0x1;
	s4 =	sadd.s32 s5, s19  }
0x9d: {  	s8 =	simm.s32 $0x0;
	s20 =	sshll.u32 s6, $0x1;
	s6 =	sadd.s32 s21, s4  }
0x9e: {  	[timem:s8], [sflag:s22] =	dma.local [hbm:s6], s20  }
0x9f: {  	_ =	swait.ge [sflag:s22], s20  }
0xa0: {  	s5 =	ssub.s32 $0x0, s20;
	[sflag:s22] =	ssyncset.done $0x0  }
0xa1: {  	[sflag:s22] =	ssyncadd.s32 s5;
	_ =	sdelay $0x1  }
0xa2: {  	s23 =	simm.s32 $0x1B8B  }
0xa3: {  	_ =	swait.ge [sflag:s23], $0x1  }
0xa4: {  	[sflag:s23] =	ssyncset.done $0x0  }
0xa5: {  	s25 =	simm.s32 $0x1B8E;
	s24 =	sld [smem:$0x3FFE];
	[sflag:s23] =	ssyncadd.s32 $0xFFFFFFFF  }
0xa6: {  	s26 =	simm.s32 $execute0_lowered;
	[smem:$0x3FD2] =	sst s25  }
0xa7: {  	s6 =	sshll.u32 s26, $0x1;
	_ =	strace $0x80000046;
	[dreg:$0x1] =	wrdreg $0xFFFFFFFF  }
0xa8: {  	s28 =	simm.s32 $_size_execute0_lowered;
	s4 =	sadd.s32 s4, s6;
	[dreg:$0x0] =	wrdreg $0x0  }
0xa9: {  	s6 =	sshll.u32 s28, $0x1;
	[dreg:$0x2] =	wrdreg s4  }
0xaa: {  	[dreg:$0x3] =	wrdreg s6  }
0xab: {  	[dreg:$0x4] =	wrdreg $0xC0  }
0xac: {  	_ =	task [dreg:s8], $0x5FFFF  }
0xad: {  	[dreg:$0x1] =	wrdreg $0xFFFFFFFF  }
0xae: {  	[dreg:$0x0] =	wrdreg $0x60  }
0xaf: {  	[dreg:$0x2] =	wrdreg s2  }
0xb0: {  	[dreg:$0x3] =	wrdreg s24  }
0xb1: {  	[dreg:$0x4] =	wrdreg s18  }
0xb2: {  	[dreg:$0x5] =	wrdreg $0x9  }
0xb3: {  	_ =	task.clear_ibuf [dreg:s8], $0x6FFFF;
	_ =	strace $0x90000046  }
0xb4: {  	s29 =	simm.s32 $0x9;
	_ =	strace $0x80000048  }
0xb5: {  	_ =	swait.ge [sflag:s29], $0x1  }
0xb6: {  	[sflag:s29] =	ssyncadd.s32 $0xFFFFFFFF  }
0xb7: {  	_ =	strace $0x90000048  }
0xb8: {  	_ =	sfence  }
0xb9: {  	s30 =	sld [smem:$0x0];
	_ =	sdelay $0x2  }
0xba: {  	s31 =	sshll.u32 s1, $0xD;
	s1 =	sshrl.u32 s1, $0x2  }
0xbb: {  	s3 =	sand.u32 $0x4000, s31;
	s1 =	sadd.s32 s1, s30  }
0xbc: {  	s0 =	sor.u32 s3, s0;
	s1 =	sshll.u32 s1, $0x11  }
0xbd: {  	s0 =	sor.u32 s1, s0  }
0xbe: {  	s0 =	sadd.s32 $0x8F2B, s0  }
0xbf: {  	[sflag:s0] =	ssyncadd.remote.s32 $0x1  }
0xc0: {  	_ =	sfence.sel $0xFFFF  }
0xc1: {  	[dreg:$0x0] =	wrdreg $0xFFFFFFFF;
	(pc) =	sbr.abs _section_cstart, $3  }
0xc2: {  	[dreg:$0x1] =	wrdreg $0xFFFFFFFF  }
0xc3: {  	_ =	task.clear_ibuf [dreg:s8], $0x2FFFF;
	_ =	strace $0x9FFFFFFF  }
0xc4: {  	(tm) =	ssettm $0x7FFFFFFF  }
0xc5: {  	_ =	shalt  }
tec
execute0_lowered:
.L_overlay_start_1:
0x0: {  	(tag) =	ssettag $0x1  }
0x1: {  	s1 =	rddreg [dreg:$0x0]  }
0x2: {  	s0 =	rddreg [dreg:$0x1]  }
0x3: {  	s3 =	rddreg [dreg:$0x2];
	s2 =	srdreg.scid;
	s4 =	simm.s32 $0x0  }
0x4: {  	s5 =	stileid.u32;
	s14 =	simm.s32 $0x80;
	s20 =	simm.s32 $0x180  }
0x5: {  	s21 =	simm.s32 $0x3;
	s23 =	simm.s32 $0x5;
	s24 =	simm.s32 $0x10200  }
0x6: {  	s25 =	simm.s32 $0x400;
	s29 =	simm.s32 $0x4;
	s31 =	simm.s32 $0x6  }
0x7: {  	s12 =	simm.s32 $0x7;
	s2 =	sand.u32 $0x1, s2;
	[smem:$0x7FF] =	sst s4  }
0x8: {  	s5 =	sshll.u32 s5, $0xB;
	s6 =	sshll.u32 s2, $0xA;
	_ =	strace $0x80000047  }
0x9: {  	s2 =	ssub.s32 $0x2, s2;
	s5 =	sor.u32 s6, s5;
	s6 =	sadd.s32 $0xC00, s0  }
0xa: {  	s0 =	sadd.s32 $0x400, s0;
	s26 =	sshrl.u32 s2, $0x1;
	s7 =	sshrl.u32 s5, $0x3  }
0xb: {  	[dreg:$0x4] =	wrdreg s0;
	s0 =	ssub.s32 s2, s26;
	s7 =	sadd.s32 s1, s7  }
0xc: {  	v1 =	vlaneseq.u32;
	s19 =	simm.s32 $0xA;
	s0 =	smax.u32 s0, $0x1;
	[dreg:$0x5] =	wrdreg s7  }
0xd: {  	s9 =	simm.s32 $0x0;
	v0 =	vmul.u32 $0x81, v1;
	s28 =	sadd.s32 $0x10, s7;
	[dreg:$0x8] =	wrdreg s0  }
0xe: {  	v1 =	vand.u32 $0x7, v1;
	s26 =	simm.s32 $0x8000;
	s30 =	sadd.s32 $0x20, s7;
	[dreg:$0x6] =	wrdreg s28  }
0xf: {  	v2 =	vadd.s32 $0x810, v0;
	v3 =	vadd.s32 $0x1020, v0;
	v4 =	vadd.s32 $0x1830, v0;
	s2 =	simm.s32 $0x9;
	s7 =	simm.s32 $0x8;
	[dreg:$0x7] =	wrdreg s30  }
.LBB2_1:
0x10: {  	[dreg:$0x9] =	wrdreg s9  }
0x11: {  	s0 =	rddreg [dreg:$0x4];
	s8 =	simm.s32 $0x12240;
	s11 =	simm.s32 $0xD  }
0x12: {  	[tilespmem:s8], [sflag:$0xD] =	stream.linear.gather [hbm4b:s0+s4], $0x3200, $0x38;
	[tilespmem:$0x15440] =	vst v63  }
0x13: {  	_ =	swait.ge [sflag:s11], $0x3200  }
0x14: {  	[sflag:s11] =	ssyncset.done $0x0  }
0x15: {  	s13 =	rddreg [dreg:$0x5];
	[sflag:s11] =	ssyncadd.s32 $0xFFFFCE00  }
0x16: {  	[tilespmem:s4], [sflag:$0x1] =	stream.linear.gather [hbm4b:s13+s4], $0x80, $0x38;
	[tilespmem:$0x15440] =	vst v63  }
0x17: {  	s15 =	rddreg [dreg:$0x6]  }
0x18: {  	[tilespmem:s14], [sflag:$0x2] =	stream.linear.gather [hbm4b:s15+s4], $0x80, $0x38;
	[tilespmem:$0x15440] =	vst v63  }
0x19: {  	s17 =	simm.s32 $0x100;
	s18 =	simm.s32 $0x1;
	s16 =	rddreg [dreg:$0x7]  }
0x1a: {  	[tilespmem:s17], [sflag:$0x3] =	stream.linear.gather [hbm4b:s16+s4], $0x80, $0x38;
	[tilespmem:$0x15440] =	vst v63  }
0x1b: {  	_ =	swait.ge [sflag:s18], $0x80  }
0x1c: {  	[sflag:s18] =	ssyncset.done $0x0  }
0x1d: {  	s22 =	simm.s32 $0x200;
	s28 =	simm.s32 $0x2;
	[sflag:s18] =	ssyncadd.s32 $0xFFFFFF80  }
0x1e: {  	[tilespmem:s22], [sflag:$0x5] =	stream.indirect.gather [hbm4b:s6+s14], $0x40, s4, s14, $0xb8;
	[tilespmem:$0x15440] =	vst v63  }
0x1f: {  	_ =	swait.ge [sflag:s28], $0x80  }
0x20: {  	[sflag:s28] =	ssyncset.done $0x0  }
0x21: {  	s30 =	simm.s32 $0x2200;
	s13 =	simm.s32 $0x0;
	[sflag:s28] =	ssyncadd.s32 $0xFFFFFF80  }
0x22: {  	[tilespmem:s30], [sflag:$0x6] =	stream.indirect.gather [hbm4b:s6+s14], $0x40, s14, s14, $0xb8;
	[tilespmem:$0x15440] =	vst v63  }
.LBB2_2:
0x23: {  	s0 =	sshll.u32 s13, $0x9;
	s8 =	sshll.u32 s13, $0xE  }
0x24: {  	s0 =	sand.u32 $0x200, s0;
	s8 =	sand.u32 $0xF8000, s8  }
0x25: {  	s0 =	sor.u32 s8, s0  }
0x26: {  	s0 =	sor.u32 s5, s0  }
0x27: {  	s0 =	sshrl.u32 s0, $0x3  }
0x28: {  	s0 =	sadd.s32 s0, s1  }
0x29: {  	s0 =	sadd.s32 $0x30, s0  }
0x2a: {  	[tilespmem:s20], [sflag:$0x4] =	stream.linear.gather [hbm4b:s0+s4], $0x80, $0x38;
	[tilespmem:$0x15440] =	vst v63  }
0x2b: {  	_ =	swait.ge [sflag:s21], $0x80  }
0x2c: {  	s17 =	simm.s32 $0x100;
	p0 =	seq.s32 s13, $0x0;
	[sflag:s21] =	ssyncset.done $0x0  }
0x2d: {  	s18 =	simm.s32 $0x4200;
	s0 =	simm.s32 @!p0 $0xB;
	[sflag:s21] =	ssyncadd.s32 $0xFFFFFF80  }
0x2e: {  	[tilespmem:s18], [sflag:$0x7] =	stream.indirect.gather [hbm4b:s6+s14], $0x40, s17, s14, $0xb8;
	[tilespmem:$0x15440] =	vst v63  }
0x2f: {  	_ =	swait.ge @!p0 [sflag:s0], $0x2000  }
0x30: {  	[sflag:s0] =	ssyncset.done @!p0 $0x0  }
0x31: {  	[sflag:s0] =	ssyncadd.s32 @!p0 $0xFFFFE000  }
0x32: {  	_ =	swait.ge [sflag:s23], $0x2000  }
0x33: {  	s22 =	sshll.u32 s13, $0x8;
	[sflag:s23] =	ssyncset.done $0x0  }
0x34: {  	s0 =	sand.u32 $0x3FFFFF00, s22;
	[sflag:s23] =	ssyncadd.s32 $0xFFFFE000  }
0x35: {  	v8 =	vld [tilespmem:s0+$0x12240]  }
0x36: {  	v7 =	vld [tilespmem:s0+$0x12250]  }
0x37: {  	v6 =	vld [tilespmem:s0+$0x12260]  }
0x38: {  	s28 =	simm.s32 $0x300;
	v5 =	vld [tilespmem:s0+$0x12270]  }
0x39: {  	v9 =	vld [tilespmem:s28+$0xC0]  }
0x3a: {  	s17 =	simm.s32 $0x7;
	v10 =	vld [tilespmem:s28+$0xFFFFFF40]  }
0x3b: {  	s18 =	simm.s32 $0x1;
	v12 =	vadd.s32 s17, v0;
	v11 =	vld [tilespmem:s28+$0xFFFFFF80]  }
0x3c: {  	s15 =	simm.s32 $0x2;
	v13 =	vadd.s32 s18, v0;
	v14 =	vld [tilespmem:s28+$0xFFFFFFC0]  }
0x3d: {  	s10 =	simm.s32 $0x3;
	v15 =	vadd.s32 s15, v0;
	v16 =	vld [tilespmem:s28+$0x0]  }
0x3e: {  	s11 =	simm.s32 $0x4;
	v17 =	vadd.s32 s10, v0;
	v18 =	vld [tilespmem:s28+$0x40];
	v9 =	vadd.f32 v9, v8  }
0x3f: {  	s30 =	simm.s32 $0x0;
	s16 =	simm.s32 $0x5;
	v19 =	vadd.s32 s11, v0;
	v20 =	vld [tilespmem:s28+$0x80];
	v10 =	vadd.f32 v10, v8  }
0x40: {  	s9 =	simm.s32 $0x6;
	v22 =	vadd.s32 s30, v0;
	v23 =	vadd.s32 s16, v0;
	v21 =	vld [tilespmem:s28+$0xFFFFFF00];
	v11 =	vadd.f32 v11, v8;
	[tilespmem:v12+s24+$0x0] =	vst.idx.msk $0xffff, v9  }
0x41: {  	v9 =	vand.u32 $0xFF8, v22;
	[tilespmem:v13+s24+$0x0] =	vst.idx.msk $0xffff, v10;
	v10 =	vadd.f32 v14, v8;
	v12 =	vadd.s32 s9, v0;
	v13 =	vld [tilespmem:s28+$0xD0]  }
0x42: {  	[tilespmem:v15+s24+$0x0] =	vst.idx.msk $0xffff, v11;
	v11 =	vadd.f32 v16, v8;
	v9 =	vor.u32 v1, v9;
	v14 =	vld [tilespmem:s28+$0xFFFFFF50]  }
0x43: {  	v16 =	vadd.s32 s17, v2;
	v15 =	vld [tilespmem:s28+$0xFFFFFF90];
	[tilespmem:v17+s24+$0x0] =	vst.idx.msk $0xffff, v10;
	v10 =	vadd.f32 v18, v8  }
0x44: {  	v17 =	vadd.s32 s18, v2;
	[tilespmem:v19+s24+$0x0] =	vst.idx.msk $0xffff, v11;
	v11 =	vadd.f32 v20, v8;
	v18 =	vld [tilespmem:s28+$0xFFFFFFD0]  }
0x45: {  	v19 =	vadd.f32 v21, v8;
	v20 =	vadd.s32 s15, v2;
	v21 =	vld [tilespmem:s28+$0x10];
	[tilespmem:v23+s24+$0x0] =	vst.idx.msk $0xffff, v10  }
0x46: {  	v10 =	vadd.s32 s10, v2;
	v22 =	vld [tilespmem:s28+$0x50];
	[tilespmem:v12+s24+$0x0] =	vst.idx.msk $0xffff, v11;
	v11 =	vadd.f32 v13, v7  }
0x47: {  	v12 =	vadd.s32 s11, v2;
	[tilespmem:v9+s24+$0x0] =	vst.idx.msk $0xffff, v19;
	v9 =	vadd.f32 v14, v7;
	v13 =	vld [tilespmem:s28+$0x90]  }
0x48: {  	v23 =	vadd.s32 s16, v2;
	v19 =	vadd.s32 s30, v2;
	v15 =	vadd.f32 v15, v7;
	v14 =	vld [tilespmem:s28+$0xFFFFFF10];
	[tilespmem:v16+s24+$0x0] =	vst.idx.msk $0xffff, v11  }
0x49: {  	v11 =	vand.u32 $0x1FF8, v19;
	[tilespmem:v17+s24+$0x0] =	vst.idx.msk $0xffff, v9;
	v9 =	vadd.f32 v18, v7;
	v16 =	vadd.s32 s9, v2;
	v17 =	vld [tilespmem:s28+$0xE0]  }
0x4a: {  	[tilespmem:v20+s24+$0x0] =	vst.idx.msk $0xffff, v15;
	v15 =	vadd.f32 v21, v7;
	v11 =	vor.u32 v1, v11;
	v18 =	vld [tilespmem:s28+$0xFFFFFF60]  }
0x4b: {  	v19 =	vld [tilespmem:s28+$0xFFFFFFA0];
	[tilespmem:v10+s24+$0x0] =	vst.idx.msk $0xffff, v9;
	v9 =	vadd.f32 v22, v7;
	v10 =	vadd.s32 s17, v3  }
0x4c: {  	v20 =	vadd.s32 s18, v3;
	[tilespmem:v12+s24+$0x0] =	vst.idx.msk $0xffff, v15;
	v21 =	vld [tilespmem:s28+$0xFFFFFFE0];
	v12 =	vadd.f32 v13, v7  }
0x4d: {  	v15 =	vld [tilespmem:s28+$0x20];
	v13 =	vadd.f32 v14, v7;
	v14 =	vadd.s32 s15, v3;
	[tilespmem:v23+s24+$0x0] =	vst.idx.msk $0xffff, v9  }
0x4e: {  	v9 =	vadd.s32 s10, v3;
	v22 =	vld [tilespmem:s28+$0x60];
	[tilespmem:v16+s24+$0x0] =	vst.idx.msk $0xffff, v12;
	v12 =	vadd.f32 v17, v6  }
0x4f: {  	[tilespmem:v11+s24+$0x0] =	vst.idx.msk $0xffff, v13;
	v11 =	vadd.f32 v18, v6;
	v13 =	vadd.s32 s11, v3;
	v16 =	vld [tilespmem:s28+$0xA0]  }
0x50: {  	v23 =	vadd.s32 s16, v3;
	v18 =	vadd.s32 s30, v3;
	v19 =	vadd.f32 v19, v6;
	v17 =	vld [tilespmem:s28+$0xFFFFFF20];
	[tilespmem:v10+s24+$0x0] =	vst.idx.msk $0xffff, v12  }
0x51: {  	v10 =	vand.u32 $0x1FF8, v18;
	[tilespmem:v20+s24+$0x0] =	vst.idx.msk $0xffff, v11;
	v11 =	vadd.f32 v21, v6;
	v12 =	vadd.s32 s9, v3;
	v18 =	vld [tilespmem:s28+$0xF0]  }
0x52: {  	v20 =	vor.u32 v1, v10;
	v21 =	vld [tilespmem:s28+$0xFFFFFF70];
	[tilespmem:v14+s24+$0x0] =	vst.idx.msk $0xffff, v19;
	v10 =	vadd.f32 v15, v6  }
0x53: {  	v19 =	vld [tilespmem:s28+$0xFFFFFFB0];
	[tilespmem:v9+s24+$0x0] =	vst.idx.msk $0xffff, v11;
	v9 =	vadd.f32 v22, v6;
	v22 =	vadd.s32 s17, v4  }
0x54: {  	v24 =	vadd.s32 s18, v4;
	v25 =	vld [tilespmem:s28+$0xFFFFFFF0];
	[tilespmem:v13+s24+$0x0] =	vst.idx.msk $0xffff, v10;
	v11 =	vadd.f32 v16, v6  }
0x55: {  	v13 =	vadd.f32 v17, v6;
	v15 =	vld [tilespmem:s28+$0x30];
	[tilespmem:v23+s24+$0x0] =	vst.idx.msk $0xffff, v9;
	v17 =	vadd.s32 s15, v4  }
0x56: {  	v16 =	vadd.s32 s10, v4;
	v10 =	vld [tilespmem:s28+$0x70];
	[tilespmem:v12+s24+$0x0] =	vst.idx.msk $0xffff, v11;
	v12 =	vadd.f32 v18, v5  }
0x57: {  	[tilespmem:v20+s24+$0x0] =	vst.idx.msk $0xffff, v13;
	v18 =	vadd.f32 v21, v5;
	v13 =	vadd.s32 s11, v4;
	v14 =	vld [tilespmem:s28+$0xB0]  }
0x58: {  	s10 =	simm.s32 $0x500;
	v11 =	vadd.s32 s16, v4;
	v20 =	vadd.s32 s30, v4;
	v9 =	vld [tilespmem:s28+$0xFFFFFF30];
	v19 =	vadd.f32 v19, v5;
	[tilespmem:v22+s24+$0x0] =	vst.idx.msk $0xffff, v12  }
0x59: {  	s8 =	simm.s32 $0x10;
	s18 =	simm.s32 $0x8;
	s16 =	sshll.u32 s13, $0x2;
	v21 =	vand.u32 $0x3FF8, v20;
	v12 =	vld [tilespmem:s10+$0xC0];
	[tilespmem:v24+s24+$0x0] =	vst.idx.msk $0xffff, v18;
	v20 =	vadd.f32 v25, v5;
	v18 =	vadd.s32 s9, v4  }
.LBB2_3:
0x5a: {  	p1 =	slt.u32 s8, $0x78;
	v22 =	vld [tilespmem:s10+$0xFFFFFF40];
	s11 =	sadd.s32 $0x7, s18;
	v21 =	vor.u32 v1, v21;
	[tilespmem:v17+s24+$0x0] =	vst.idx.msk $0xffff, v19;
	v15 =	vadd.f32 v15, v5  }
0x5b: {  	s22 =	sadd.s32 $0x1, s18;
	v17 =	vld [tilespmem:s10+$0xFFFFFF80];
	v19 =	vadd.s32 s11, v0;
	[tilespmem:v16+s24+$0x0] =	vst.idx.msk $0xffff, v20;
	v10 =	vadd.f32 v10, v5  }
0x5c: {  	s28 =	sadd.s32 $0x2, s18;
	v16 =	vadd.s32 s22, v0;
	v20 =	vld [tilespmem:s10+$0xFFFFFFC0];
	[tilespmem:v13+s24+$0x0] =	vst.idx.msk $0xffff, v15;
	v13 =	vadd.f32 v14, v5  }
0x5d: {  	s0 =	sadd.s32 $0x3, s18;
	v14 =	vadd.s32 s28, v0;
	v15 =	vld [tilespmem:s10+$0x0];
	v9 =	vadd.f32 v9, v5;
	[tilespmem:v11+s24+$0x0] =	vst.idx.msk $0xffff, v10  }
0x5e: {  	s30 =	sadd.s32 $0x4, s18;
	v10 =	vadd.s32 s0, v0;
	v11 =	vld [tilespmem:s10+$0x40];
	v12 =	vadd.f32 v12, v8;
	[tilespmem:v18+s24+$0x0] =	vst.idx.msk $0xffff, v13  }
0x5f: {  	s17 =	sadd.s32 $0x5, s18;
	v18 =	vadd.s32 s30, v0;
	v13 =	vadd.f32 v22, v8;
	v22 =	vld [tilespmem:s10+$0x80];
	[tilespmem:v21+s24+$0x0] =	vst.idx.msk $0xffff, v9  }
0x60: {  	s9 =	sadd.s32 $0x6, s18;
	v23 =	vadd.s32 s17, v0;
	v21 =	vadd.s32 s18, v0;
	v9 =	vld [tilespmem:s10+$0xFFFFFF00];
	v17 =	vadd.f32 v17, v8;
	[tilespmem:v19+s24+$0x0] =	vst.idx.msk $0xffff, v12  }
0x61: {  	v12 =	vand.u32 $0xFF8, v21;
	[tilespmem:v16+s24+$0x0] =	vst.idx.msk $0xffff, v13;
	v13 =	vadd.f32 v20, v8;
	v16 =	vadd.s32 s9, v0;
	v19 =	vld [tilespmem:s10+$0xD0]  }
0x62: {  	v12 =	vor.u32 v1, v12;
	v20 =	vld [tilespmem:s10+$0xFFFFFF50];
	[tilespmem:v14+s24+$0x0] =	vst.idx.msk $0xffff, v17;
	v14 =	vadd.f32 v15, v8  }
0x63: {  	v15 =	vld [tilespmem:s10+$0xFFFFFF90];
	[tilespmem:v10+s24+$0x0] =	vst.idx.msk $0xffff, v13;
	v10 =	vadd.f32 v11, v8;
	v11 =	vadd.s32 s11, v2  }
0x64: {  	v13 =	vadd.s32 s22, v2;
	v17 =	vld [tilespmem:s10+$0xFFFFFFD0];
	[tilespmem:v18+s24+$0x0] =	vst.idx.msk $0xffff, v14;
	v14 =	vadd.f32 v22, v8  }
0x65: {  	v18 =	vadd.s32 s28, v2;
	v9 =	vadd.f32 v9, v8;
	v21 =	vld [tilespmem:s10+$0x10];
	[tilespmem:v23+s24+$0x0] =	vst.idx.msk $0xffff, v10  }
0x66: {  	v10 =	vadd.s32 s0, v2;
	v22 =	vld [tilespmem:s10+$0x50];
	[tilespmem:v16+s24+$0x0] =	vst.idx.msk $0xffff, v14;
	v14 =	vadd.f32 v19, v7  }
0x67: {  	[tilespmem:v12+s24+$0x0] =	vst.idx.msk $0xffff, v9;
	v9 =	vadd.f32 v20, v7;
	v12 =	vadd.s32 s30, v2;
	v16 =	vld [tilespmem:s10+$0x90]  }
0x68: {  	v23 =	vadd.s32 s17, v2;
	v20 =	vadd.s32 s18, v2;
	v19 =	vld [tilespmem:s10+$0xFFFFFF10];
	v15 =	vadd.f32 v15, v7;
	[tilespmem:v11+s24+$0x0] =	vst.idx.msk $0xffff, v14  }
0x69: {  	v11 =	vand.u32 $0x1FF8, v20;
	[tilespmem:v13+s24+$0x0] =	vst.idx.msk $0xffff, v9;
	v9 =	vadd.f32 v17, v7;
	v13 =	vadd.s32 s9, v2;
	v14 =	vld [tilespmem:s10+$0xE0]  }
0x6a: {  	v11 =	vor.u32 v1, v11;
	v17 =	vld [tilespmem:s10+$0xFFFFFF60];
	[tilespmem:v18+s24+$0x0] =	vst.idx.msk $0xffff, v15;
	v15 =	vadd.f32 v21, v7  }
0x6b: {  	v18 =	vld [tilespmem:s10+$0xFFFFFFA0];
	[tilespmem:v10+s24+$0x0] =	vst.idx.msk $0xffff, v9;
	v9 =	vadd.f32 v22, v7;
	v10 =	vadd.s32 s11, v3  }
0x6c: {  	v20 =	vadd.s32 s22, v3;
	v21 =	vld [tilespmem:s10+$0xFFFFFFE0];
	[tilespmem:v12+s24+$0x0] =	vst.idx.msk $0xffff, v15;
	v12 =	vadd.f32 v16, v7  }
0x6d: {  	v16 =	vadd.s32 s28, v3;
	v15 =	vadd.f32 v19, v7;
	v19 =	vld [tilespmem:s10+$0x20];
	[tilespmem:v23+s24+$0x0] =	vst.idx.msk $0xffff, v9  }
0x6e: {  	v9 =	vadd.s32 s0, v3;
	v22 =	vld [tilespmem:s10+$0x60];
	[tilespmem:v13+s24+$0x0] =	vst.idx.msk $0xffff, v12;
	v12 =	vadd.f32 v14, v6  }
0x6f: {  	v13 =	vadd.s32 s30, v3;
	[tilespmem:v11+s24+$0x0] =	vst.idx.msk $0xffff, v15;
	v11 =	vadd.f32 v17, v6;
	v14 =	vld [tilespmem:s10+$0xA0]  }
0x70: {  	v23 =	vadd.s32 s17, v3;
	v17 =	vadd.s32 s18, v3;
	v15 =	vld [tilespmem:s10+$0xFFFFFF20];
	v18 =	vadd.f32 v18, v6;
	[tilespmem:v10+s24+$0x0] =	vst.idx.msk $0xffff, v12  }
0x71: {  	v10 =	vand.u32 $0x1FF8, v17;
	v12 =	vadd.s32 s9, v3;
	[tilespmem:v20+s24+$0x0] =	vst.idx.msk $0xffff, v11;
	v11 =	vadd.f32 v21, v6;
	v20 =	vld [tilespmem:s10+$0xF0]  }
0x72: {  	v21 =	vor.u32 v1, v10;
	v24 =	vld [tilespmem:s10+$0xFFFFFF70];
	[tilespmem:v16+s24+$0x0] =	vst.idx.msk $0xffff, v18;
	v10 =	vadd.f32 v19, v6  }
0x73: {  	v18 =	vld [tilespmem:s10+$0xFFFFFFB0];
	[tilespmem:v9+s24+$0x0] =	vst.idx.msk $0xffff, v11;
	v9 =	vadd.f32 v22, v6;
	v22 =	vadd.s32 s11, v4  }
0x74: {  	v25 =	vadd.s32 s22, v4;
	v26 =	vld [tilespmem:s10+$0xFFFFFFF0];
	[tilespmem:v13+s24+$0x0] =	vst.idx.msk $0xffff, v10;
	v11 =	vadd.f32 v14, v6  }
.Ltmp0:
0x75: {  	v17 =	vadd.s32 s28, v4;
	v13 =	vadd.f32 v15, v6;
	v15 =	vld [tilespmem:s10+$0x30];
	[tilespmem:v23+s24+$0x0] =	vst.idx.msk $0xffff, v9;
	(pc) =	sbr.rel @p1 .LBB2_3-.Ltmp0, $4  }
0x76: {  	v16 =	vadd.s32 s0, v4;
	v10 =	vld [tilespmem:s10+$0x70];
	[tilespmem:v12+s24+$0x0] =	vst.idx.msk $0xffff, v11;
	v12 =	vadd.f32 v20, v5  }
0x77: {  	[tilespmem:v21+s24+$0x0] =	vst.idx.msk $0xffff, v13;
	v20 =	vadd.f32 v24, v5;
	v13 =	vadd.s32 s30, v4;
	v14 =	vld [tilespmem:s10+$0xB0]  }
0x78: {  	v11 =	vadd.s32 s17, v4;
	v21 =	vadd.s32 s18, v4;
	v9 =	vld [tilespmem:s10+$0xFFFFFF30];
	v19 =	vadd.f32 v18, v5;
	[tilespmem:v22+s24+$0x0] =	vst.idx.msk $0xffff, v12;
	s10 =	sadd.s32 $0x200, s10  }
0x79: {  	s18 =	smov.u32 s8;
	s8 =	sadd.s32 $0x8, s8;
	v21 =	vand.u32 $0x3FF8, v21;
	v18 =	vadd.s32 s9, v4;
	v12 =	vld [tilespmem:s10+$0xC0];
	[tilespmem:v25+s24+$0x0] =	vst.idx.msk $0xffff, v20;
	v20 =	vadd.f32 v26, v5  }
0x7a: {  	_ =	sdelay $0x3  }
0x7b: {  	v22 =	vld [tilespmem:s10+$0xFFFFFF40];
	s0 =	sadd.s32 $0x7, s18;
	v21 =	vor.u32 v1, v21;
	[tilespmem:v17+s24+$0x0] =	vst.idx.msk $0xffff, v19;
	v15 =	vadd.f32 v15, v5  }
0x7c: {  	s8 =	sadd.s32 $0x1, s18;
	v57 =	vld [tilespmem:s10+$0xFFFFFF80];
	v58 =	vadd.s32 s0, v0;
	[tilespmem:v16+s24+$0x0] =	vst.idx.msk $0xffff, v20;
	v10 =	vadd.f32 v10, v5  }
0x7d: {  	s9 =	sadd.s32 $0x2, s18;
	v60 =	vld [tilespmem:s10+$0xFFFFFFC0];
	v59 =	vadd.s32 s8, v0;
	[tilespmem:v13+s24+$0x0] =	vst.idx.msk $0xffff, v15;
	v61 =	vadd.f32 v14, v5  }
0x7e: {  	s15 =	sadd.s32 $0x3, s18;
	v63 =	vld [tilespmem:s10+$0x0];
	v62 =	vadd.s32 s9, v0;
	v9 =	vadd.f32 v9, v5;
	[tilespmem:v11+s24+$0x0] =	vst.idx.msk $0xffff, v10  }
0x7f: {  	s11 =	sadd.s32 $0x4, s18;
	v10 =	vadd.s32 s15, v0;
	v11 =	vld [tilespmem:s10+$0x40];
	v12 =	vadd.f32 v12, v8;
	[tilespmem:v18+s24+$0x0] =	vst.idx.msk $0xffff, v61  }
0x80: {  	s17 =	sadd.s32 $0x5, s18;
	v26 =	vld [tilespmem:s10+$0x80];
	v25 =	vadd.s32 s11, v0;
	v24 =	vadd.f32 v22, v8;
	[tilespmem:v21+s24+$0x0] =	vst.idx.msk $0xffff, v9  }
0x81: {  	v27 =	vadd.s32 s18, v0;
	s22 =	sadd.s32 $0x6, s18;
	v23 =	vadd.s32 s17, v0;
	v9 =	vld [tilespmem:s10+$0xFFFFFF00];
	v17 =	vadd.f32 v57, v8;
	[tilespmem:v58+s24+$0x0] =	vst.idx.msk $0xffff, v12  }
0x82: {  	v28 =	vand.u32 $0xFF8, v27;
	v30 =	vadd.s32 s22, v0;
	v29 =	vadd.f32 v60, v8;
	[tilespmem:v59+s24+$0x0] =	vst.idx.msk $0xffff, v24;
	v19 =	vld [tilespmem:s10+$0xD0]  }
0x83: {  	v32 =	vadd.f32 v63, v8;
	v12 =	vor.u32 v1, v28;
	[tilespmem:v62+s24+$0x0] =	vst.idx.msk $0xffff, v17;
	v31 =	vld [tilespmem:s10+$0xFFFFFF50]  }
0x84: {  	v33 =	vld [tilespmem:s10+$0xFFFFFF90];
	[tilespmem:v10+s24+$0x0] =	vst.idx.msk $0xffff, v29;
	v10 =	vadd.f32 v11, v8;
	v11 =	vadd.s32 s0, v2  }
0x85: {  	v34 =	vadd.s32 s8, v2;
	v36 =	vadd.f32 v26, v8;
	[tilespmem:v25+s24+$0x0] =	vst.idx.msk $0xffff, v32;
	v35 =	vld [tilespmem:s10+$0xFFFFFFD0]  }
0x86: {  	v18 =	vld [tilespmem:s10+$0x10];
	v8 =	vadd.f32 v9, v8;
	v9 =	vadd.s32 s9, v2;
	[tilespmem:v23+s24+$0x0] =	vst.idx.msk $0xffff, v10  }
0x87: {  	[tilespmem:v30+s24+$0x0] =	vst.idx.msk $0xffff, v36;
	v10 =	vadd.s32 s15, v2;
	v37 =	vld [tilespmem:s10+$0x50];
	v38 =	vadd.f32 v19, v7  }
0x88: {  	v39 =	vadd.s32 s11, v2;
	v16 =	vld [tilespmem:s10+$0x90];
	[tilespmem:v12+s24+$0x0] =	vst.idx.msk $0xffff, v8;
	v8 =	vadd.f32 v31, v7  }
0x89: {  	v41 =	vadd.s32 s18, v2;
	v42 =	vadd.s32 s17, v2;
	v40 =	vld [tilespmem:s10+$0xFFFFFF10];
	v15 =	vadd.f32 v33, v7;
	[tilespmem:v11+s24+$0x0] =	vst.idx.msk $0xffff, v38  }
0x8a: {  	v43 =	vadd.s32 s22, v2;
	v11 =	vand.u32 $0x1FF8, v41;
	[tilespmem:v34+s24+$0x0] =	vst.idx.msk $0xffff, v8;
	v8 =	vadd.f32 v35, v7;
	v14 =	vld [tilespmem:s10+$0xE0]  }
0x8b: {  	v11 =	vor.u32 v1, v11;
	[tilespmem:v9+s24+$0x0] =	vst.idx.msk $0xffff, v15;
	v9 =	vadd.f32 v18, v7;
	v44 =	vld [tilespmem:s10+$0xFFFFFF60]  }
0x8c: {  	v15 =	vld [tilespmem:s10+$0xFFFFFFA0];
	[tilespmem:v10+s24+$0x0] =	vst.idx.msk $0xffff, v8;
	v8 =	vadd.f32 v37, v7;
	v10 =	vadd.s32 s0, v3  }
0x8d: {  	v45 =	vadd.s32 s8, v3;
	[tilespmem:v39+s24+$0x0] =	vst.idx.msk $0xffff, v9;
	v9 =	vadd.f32 v16, v7;
	v46 =	vld [tilespmem:s10+$0xFFFFFFE0]  }
0x8e: {  	v47 =	vadd.s32 s9, v3;
	v7 =	vadd.f32 v40, v7;
	v48 =	vld [tilespmem:s10+$0x20];
	[tilespmem:v42+s24+$0x0] =	vst.idx.msk $0xffff, v8  }
0x8f: {  	v8 =	vadd.s32 s15, v3;
	[tilespmem:v43+s24+$0x0] =	vst.idx.msk $0xffff, v9;
	v49 =	vld [tilespmem:s10+$0x60];
	v9 =	vadd.f32 v14, v6  }
0x90: {  	[tilespmem:v11+s24+$0x0] =	vst.idx.msk $0xffff, v7;
	v11 =	vadd.s32 s11, v3;
	v13 =	vld [tilespmem:s10+$0xA0];
	v7 =	vadd.f32 v44, v6  }
0x91: {  	v51 =	vadd.s32 s18, v3;
	v52 =	vadd.s32 s17, v3;
	v50 =	vld [tilespmem:s10+$0xFFFFFF20];
	v15 =	vadd.f32 v15, v6;
	[tilespmem:v10+s24+$0x0] =	vst.idx.msk $0xffff, v9  }
0x92: {  	v9 =	vand.u32 $0x1FF8, v51;
	v10 =	vadd.s32 s22, v3;
	[tilespmem:v45+s24+$0x0] =	vst.idx.msk $0xffff, v7;
	v7 =	vadd.f32 v46, v6;
	v53 =	vld [tilespmem:s10+$0xF0]  }
0x93: {  	v9 =	vor.u32 v1, v9;
	[tilespmem:v47+s24+$0x0] =	vst.idx.msk $0xffff, v15;
	v54 =	vadd.f32 v48, v6;
	v18 =	vld [tilespmem:s10+$0xFFFFFF70]  }
0x94: {  	v15 =	vld [tilespmem:s10+$0xFFFFFFB0];
	[tilespmem:v8+s24+$0x0] =	vst.idx.msk $0xffff, v7;
	v7 =	vadd.f32 v49, v6;
	v8 =	vadd.s32 s0, v4  }
0x95: {  	v55 =	vadd.s32 s8, v4;
	[tilespmem:v11+s24+$0x0] =	vst.idx.msk $0xffff, v54;
	v11 =	vadd.f32 v13, v6;
	v56 =	vld [tilespmem:s10+$0xFFFFFFF0]  }
0x96: {  	v57 =	vadd.s32 s9, v4;
	v6 =	vadd.f32 v50, v6;
	v58 =	vld [tilespmem:s10+$0x30];
	[tilespmem:v52+s24+$0x0] =	vst.idx.msk $0xffff, v7  }
0x97: {  	v7 =	vadd.s32 s15, v4;
	[tilespmem:v10+s24+$0x0] =	vst.idx.msk $0xffff, v11;
	v59 =	vld [tilespmem:s10+$0x70];
	v10 =	vadd.f32 v53, v5  }
0x98: {  	[tilespmem:v9+s24+$0x0] =	vst.idx.msk $0xffff, v6;
	v9 =	vadd.s32 s11, v4;
	v11 =	vld [tilespmem:s10+$0xB0];
	v6 =	vadd.f32 v18, v5  }
0x99: {  	v61 =	vadd.s32 s18, v4;
	v62 =	vadd.s32 s17, v4;
	v60 =	vld [tilespmem:s10+$0xFFFFFF30];
	v15 =	vadd.f32 v15, v5;
	[tilespmem:v8+s24+$0x0] =	vst.idx.msk $0xffff, v10  }
0x9a: {  	v8 =	vand.u32 $0x3FF8, v61;
	v10 =	vadd.s32 s22, v4;
	[tilespmem:v55+s24+$0x0] =	vst.idx.msk $0xffff, v6;
	v6 =	vadd.f32 v56, v5  }
0x9b: {  	v8 =	vor.u32 v1, v8;
	[tilespmem:v57+s24+$0x0] =	vst.idx.msk $0xffff, v15;
	v63 =	vadd.f32 v58, v5  }
0x9c: {  	[tilespmem:v7+s24+$0x0] =	vst.idx.msk $0xffff, v6;
	v6 =	vadd.f32 v59, v5  }
0x9d: {  	[tilespmem:v9+s24+$0x0] =	vst.idx.msk $0xffff, v63;
	v7 =	vadd.f32 v11, v5  }
0x9e: {  	v5 =	vadd.f32 v60, v5;
	[tilespmem:v62+s24+$0x0] =	vst.idx.msk $0xffff, v6  }
0x9f: {  	[tilespmem:v10+s24+$0x0] =	vst.idx.msk $0xffff, v7  }
0xa0: {  	s30 =	simm.s32 $0x10404;
	[tilespmem:v8+s24+$0x0] =	vst.idx.msk $0xffff, v5  }
0xa1: {  	v5 =	vld [tilespmem:s30+$0x183]  }
0xa2: {  	v6 =	vld [tilespmem:s30+$0xFFFFFE7D]  }
0xa3: {  	v7 =	vld [tilespmem:s30+$0xFFFFFEFE]  }
0xa4: {  	v8 =	vld [tilespmem:s30+$0xFFFFFF7F]  }
0xa5: {  	s18 =	simm.s32 $0x8400;
	v9 =	vld [tilespmem:s30+$0x0]  }
0xa6: {  	v10 =	vld [tilespmem:s30+$0x81];
	[tilespmem:s18+$0x180] =	vst v5  }
0xa7: {  	[tilespmem:s18+$0xFFFFFE80] =	vst v6;
	v6 =	vld [tilespmem:s30+$0x102]  }
0xa8: {  	[tilespmem:s18+$0xFFFFFF00] =	vst v7;
	v7 =	vld [tilespmem:s30+$0xFFFFFDFC]  }
0xa9: {  	[tilespmem:s18+$0xFFFFFF80] =	vst v8;
	v5 =	vld [tilespmem:s30+$0x193]  }
0xaa: {  	[tilespmem:s18+$0x0] =	vst v9;
	v8 =	vld [tilespmem:s30+$0xFFFFFE8D]  }
0xab: {  	[tilespmem:s18+$0x80] =	vst v10;
	v9 =	vld [tilespmem:s30+$0xFFFFFF0E]  }
0xac: {  	v10 =	vld [tilespmem:s30+$0xFFFFFF8F];
	[tilespmem:s18+$0x100] =	vst v6  }
0xad: {  	[tilespmem:s18+$0xFFFFFE00] =	vst v7;
	v6 =	vld [tilespmem:s30+$0x10]  }
0xae: {  	[tilespmem:s18+$0x190] =	vst v5;
	v7 =	vld [tilespmem:s30+$0xFFFFFE0C]  }
0xaf: {  	[tilespmem:s18+$0xFFFFFE90] =	vst v8;
	v8 =	vld [tilespmem:s30+$0x91]  }
0xb0: {  	[tilespmem:s18+$0xFFFFFF10] =	vst v9;
	v5 =	vld [tilespmem:s30+$0x1A3]  }
0xb1: {  	[tilespmem:s18+$0xFFFFFF90] =	vst v10;
	v9 =	vld [tilespmem:s30+$0x112]  }
0xb2: {  	v10 =	vld [tilespmem:s30+$0xFFFFFE9D];
	[tilespmem:s18+$0x10] =	vst v6  }
0xb3: {  	v6 =	vld [tilespmem:s30+$0xFFFFFF1E];
	[tilespmem:s18+$0xFFFFFE10] =	vst v7  }
0xb4: {  	[tilespmem:s18+$0x90] =	vst v8;
	v8 =	vld [tilespmem:s30+$0xFFFFFF9F]  }
0xb5: {  	[tilespmem:s18+$0x1A0] =	vst v5;
	v7 =	vld [tilespmem:s30+$0xFFFFFE1C]  }
0xb6: {  	[tilespmem:s18+$0x110] =	vst v9;
	v5 =	vld [tilespmem:s30+$0x1B3]  }
0xb7: {  	v9 =	vld [tilespmem:s30+$0x20];
	[tilespmem:s18+$0xFFFFFEA0] =	vst v10  }
0xb8: {  	v10 =	vld [tilespmem:s30+$0xA1];
	[tilespmem:s18+$0xFFFFFF20] =	vst v6  }
0xb9: {  	v6 =	vld [tilespmem:s30+$0x122];
	[tilespmem:s18+$0xFFFFFFA0] =	vst v8  }
0xba: {  	v8 =	vld [tilespmem:s30+$0xFFFFFEAD];
	[tilespmem:s18+$0xFFFFFE20] =	vst v7  }
0xbb: {  	[tilespmem:s18+$0x1B0] =	vst v5;
	v7 =	vld [tilespmem:s30+$0xFFFFFE2C]  }
0xbc: {  	[tilespmem:s18+$0x20] =	vst v9;
	v5 =	vld [tilespmem:s30+$0x1C3]  }
0xbd: {  	v9 =	vld [tilespmem:s30+$0xFFFFFF2E];
	[tilespmem:s18+$0xA0] =	vst v10  }
0xbe: {  	v10 =	vld [tilespmem:s30+$0xFFFFFFAF];
	[tilespmem:s18+$0x120] =	vst v6  }
0xbf: {  	v6 =	vld [tilespmem:s30+$0x30];
	[tilespmem:s18+$0xFFFFFEB0] =	vst v8  }
0xc0: {  	v8 =	vld [tilespmem:s30+$0x132];
	[tilespmem:s18+$0xFFFFFE30] =	vst v7  }
0xc1: {  	v7 =	vld [tilespmem:s30+$0xB1];
	[tilespmem:s18+$0x1C0] =	vst v5  }
0xc2: {  	[tilespmem:s18+$0xFFFFFF30] =	vst v9;
	v5 =	vld [tilespmem:s30+$0x1D3]  }
0xc3: {  	[tilespmem:s18+$0xFFFFFFB0] =	vst v10;
	v10 =	vld [tilespmem:s30+$0xFFFFFEBD]  }
0xc4: {  	v9 =	vld [tilespmem:s30+$0xFFFFFE3C];
	[tilespmem:s18+$0x30] =	vst v6  }
0xc5: {  	v6 =	vld [tilespmem:s30+$0xFFFFFF3E];
	[tilespmem:s18+$0x130] =	vst v8  }
0xc6: {  	v8 =	vld [tilespmem:s30+$0x40];
	[tilespmem:s18+$0xB0] =	vst v7  }
0xc7: {  	v7 =	vld [tilespmem:s30+$0xFFFFFFBF];
	[tilespmem:s18+$0x1D0] =	vst v5  }
0xc8: {  	[tilespmem:s18+$0xFFFFFEC0] =	vst v10;
	v5 =	vld [tilespmem:s30+$0x1E3]  }
0xc9: {  	v10 =	vld [tilespmem:s30+$0x142];
	[tilespmem:s18+$0xFFFFFE40] =	vst v9  }
0xca: {  	v9 =	vld [tilespmem:s30+$0xC1];
	[tilespmem:s18+$0xFFFFFF40] =	vst v6  }
0xcb: {  	v6 =	vld [tilespmem:s30+$0xFFFFFE4C];
	[tilespmem:s18+$0x40] =	vst v8  }
0xcc: {  	[tilespmem:s18+$0xFFFFFFC0] =	vst v7;
	v7 =	vld [tilespmem:s30+$0xFFFFFECD]  }
0xcd: {  	v8 =	vld [tilespmem:s30+$0xFFFFFF4E];
	[tilespmem:s18+$0x1E0] =	vst v5  }
0xce: {  	[tilespmem:s18+$0x140] =	vst v10;
	v5 =	vld [tilespmem:s30+$0x1F3]  }
0xcf: {  	v10 =	vld [tilespmem:s30+$0x50];
	[tilespmem:s18+$0xC0] =	vst v9  }
0xd0: {  	v9 =	vld [tilespmem:s30+$0xFFFFFFCF];
	[tilespmem:s18+$0xFFFFFE50] =	vst v6  }
0xd1: {  	v6 =	vld [tilespmem:s30+$0x152];
	[tilespmem:s18+$0xFFFFFED0] =	vst v7  }
0xd2: {  	[tilespmem:s18+$0xFFFFFF50] =	vst v8;
	v8 =	vld [tilespmem:s30+$0xFFFFFEDD]  }
0xd3: {  	[tilespmem:s18+$0x1F0] =	vst v5;
	v5 =	vld [tilespmem:s30+$0xD1]  }
0xd4: {  	[tilespmem:s18+$0x50] =	vst v10;
	v7 =	vld [tilespmem:s30+$0xFFFFFE5C]  }
0xd5: {  	v11 =	vld [tilespmem:s30+$0x60];
	[tilespmem:s18+$0xFFFFFFD0] =	vst v9  }
0xd6: {  	v9 =	vld [tilespmem:s30+$0xFFFFFF5E];
	[tilespmem:s18+$0x150] =	vst v6  }
0xd7: {  	v10 =	vld [tilespmem:s30+$0xFFFFFFDF];
	[tilespmem:s18+$0xFFFFFEE0] =	vst v8  }
0xd8: {  	v8 =	vld [tilespmem:s30+$0x162];
	[tilespmem:s18+$0xD0] =	vst v5  }
0xd9: {  	[tilespmem:s18+$0xFFFFFE60] =	vst v7;
	v7 =	vld [tilespmem:s30+$0xE1]  }
0xda: {  	[tilespmem:s18+$0x60] =	vst v11;
	v12 =	vld [tilespmem:s30+$0xFFFFFE6C]  }
0xdb: {  	p1 =	por $0x1, $0x1;
	[tilespmem:s18+$0xFFFFFF60] =	vst v9;
	v9 =	vld [tilespmem:s30+$0xFFFFFEED]  }
.Ltmp1:
0xdc: {  	[tilespmem:s18+$0xFFFFFFE0] =	vst v10;
	v5 =	vld [tilespmem:s30+$0xFFFFFF6E];
	(pc) =	sbr.rel @!p1 .LBB2_6-.Ltmp1, $4  }
0xdd: {  	v6 =	vld [tilespmem:s30+$0xFFFFFFEF];
	[tilespmem:s18+$0x160] =	vst v8  }
0xde: {  	[tilespmem:s18+$0xE0] =	vst v7;
	v7 =	vld [tilespmem:s30+$0x70]  }
0xdf: {  	[tilespmem:s18+$0xFFFFFE70] =	vst v12;
	v8 =	vld [tilespmem:s30+$0xF1]  }
0xe0: {  	s11 =	simm.s32 $0x1080C;
	s10 =	simm.s32 $0x0;
	[tilespmem:s18+$0xFFFFFEF0] =	vst v9;
	v9 =	vld [tilespmem:s30+$0x172]  }
.LBB2_5:
0xe1: {  	v10 =	vld [tilespmem:s11+$0x183];
	s10 =	sadd.s32 $0x8, s10;
	[tilespmem:s18+$0xFFFFFF70] =	vst v5  }
0xe2: {  	v5 =	vld [tilespmem:s11+$0xFFFFFE7D];
	p1 =	slt.u32 s10, $0x38;
	[tilespmem:s18+$0xFFFFFFF0] =	vst v6  }
0xe3: {  	v6 =	vld [tilespmem:s11+$0xFFFFFEFE];
	[tilespmem:s18+$0x70] =	vst v7  }
0xe4: {  	v7 =	vld [tilespmem:s11+$0xFFFFFF7F];
	[tilespmem:s18+$0xF0] =	vst v8  }
0xe5: {  	v8 =	vld [tilespmem:s11+$0x0];
	[tilespmem:s18+$0x170] =	vst v9;
	s18 =	sadd.s32 $0x400, s18  }
0xe6: {  	v9 =	vld [tilespmem:s11+$0x81];
	[tilespmem:s18+$0x180] =	vst v10  }
0xe7: {  	[tilespmem:s18+$0xFFFFFE80] =	vst v5;
	v5 =	vld [tilespmem:s11+$0x193]  }
0xe8: {  	[tilespmem:s18+$0xFFFFFF00] =	vst v6;
	v6 =	vld [tilespmem:s11+$0x102]  }
0xe9: {  	v10 =	vld [tilespmem:s11+$0xFFFFFDFC];
	[tilespmem:s18+$0xFFFFFF80] =	vst v7  }
0xea: {  	v7 =	vld [tilespmem:s11+$0xFFFFFE8D];
	[tilespmem:s18+$0x0] =	vst v8  }
0xeb: {  	v8 =	vld [tilespmem:s11+$0xFFFFFF0E];
	[tilespmem:s18+$0x80] =	vst v9  }
0xec: {  	v9 =	vld [tilespmem:s11+$0xFFFFFF8F];
	[tilespmem:s18+$0x190] =	vst v5  }
0xed: {  	[tilespmem:s18+$0x100] =	vst v6;
	v5 =	vld [tilespmem:s11+$0x1A3]  }
0xee: {  	[tilespmem:s18+$0xFFFFFE00] =	vst v10;
	v6 =	vld [tilespmem:s11+$0x10]  }
0xef: {  	v10 =	vld [tilespmem:s11+$0xFFFFFE0C];
	[tilespmem:s18+$0xFFFFFE90] =	vst v7  }
0xf0: {  	[tilespmem:s18+$0xFFFFFF10] =	vst v8;
	v7 =	vld [tilespmem:s11+$0x91]  }
0xf1: {  	[tilespmem:s18+$0xFFFFFF90] =	vst v9;
	v8 =	vld [tilespmem:s11+$0x112]  }
0xf2: {  	v9 =	vld [tilespmem:s11+$0xFFFFFE9D];
	[tilespmem:s18+$0x1A0] =	vst v5  }
0xf3: {  	[tilespmem:s18+$0x10] =	vst v6;
	v5 =	vld [tilespmem:s11+$0x1B3]  }
0xf4: {  	[tilespmem:s18+$0xFFFFFE10] =	vst v10;
	v6 =	vld [tilespmem:s11+$0xFFFFFF1E]  }
0xf5: {  	v10 =	vld [tilespmem:s11+$0xFFFFFE1C];
	[tilespmem:s18+$0x90] =	vst v7  }
0xf6: {  	v7 =	vld [tilespmem:s11+$0xFFFFFF9F];
	[tilespmem:s18+$0x110] =	vst v8  }
0xf7: {  	[tilespmem:s18+$0xFFFFFEA0] =	vst v9;
	v8 =	vld [tilespmem:s11+$0x20]  }
0xf8: {  	v9 =	vld [tilespmem:s11+$0xA1];
	[tilespmem:s18+$0x1B0] =	vst v5  }
0xf9: {  	[tilespmem:s18+$0xFFFFFF20] =	vst v6;
	v5 =	vld [tilespmem:s11+$0x1C3]  }
0xfa: {  	[tilespmem:s18+$0xFFFFFE20] =	vst v10;
	v6 =	vld [tilespmem:s11+$0x122]  }
0xfb: {  	v10 =	vld [tilespmem:s11+$0xFFFFFE2C];
	[tilespmem:s18+$0xFFFFFFA0] =	vst v7  }
0xfc: {  	v7 =	vld [tilespmem:s11+$0xFFFFFEAD];
	[tilespmem:s18+$0x20] =	vst v8  }
0xfd: {  	v8 =	vld [tilespmem:s11+$0xFFFFFF2E];
	[tilespmem:s18+$0xA0] =	vst v9  }
0xfe: {  	v9 =	vld [tilespmem:s11+$0xFFFFFFAF];
	[tilespmem:s18+$0x1C0] =	vst v5  }
0xff: {  	[tilespmem:s18+$0x120] =	vst v6;
	v5 =	vld [tilespmem:s11+$0x1D3]  }
0x100: {  	[tilespmem:s18+$0xFFFFFE30] =	vst v10;
	v6 =	vld [tilespmem:s11+$0x30]  }
0x101: {  	[tilespmem:s18+$0xFFFFFEB0] =	vst v7;
	v7 =	vld [tilespmem:s11+$0xB1]  }
0x102: {  	[tilespmem:s18+$0xFFFFFF30] =	vst v8;
	v8 =	vld [tilespmem:s11+$0x132]  }
0x103: {  	v10 =	vld [tilespmem:s11+$0xFFFFFE3C];
	[tilespmem:s18+$0xFFFFFFB0] =	vst v9  }
0x104: {  	v9 =	vld [tilespmem:s11+$0xFFFFFEBD];
	[tilespmem:s18+$0x1D0] =	vst v5  }
0x105: {  	[tilespmem:s18+$0x30] =	vst v6;
	v5 =	vld [tilespmem:s11+$0x1E3]  }
0x106: {  	v6 =	vld [tilespmem:s11+$0xFFFFFF3E];
	[tilespmem:s18+$0xB0] =	vst v7  }
0x107: {  	v7 =	vld [tilespmem:s11+$0xFFFFFFBF];
	[tilespmem:s18+$0x130] =	vst v8  }
0x108: {  	[tilespmem:s18+$0xFFFFFE40] =	vst v10;
	v8 =	vld [tilespmem:s11+$0x40]  }
0x109: {  	[tilespmem:s18+$0xFFFFFEC0] =	vst v9;
	v9 =	vld [tilespmem:s11+$0xC1]  }
0x10a: {  	v10 =	vld [tilespmem:s11+$0x142];
	[tilespmem:s18+$0x1E0] =	vst v5  }
0x10b: {  	[tilespmem:s18+$0xFFFFFF40] =	vst v6;
	v5 =	vld [tilespmem:s11+$0x1F3]  }
0x10c: {  	v6 =	vld [tilespmem:s11+$0xFFFFFE4C];
	[tilespmem:s18+$0xFFFFFFC0] =	vst v7  }
0x10d: {  	v7 =	vld [tilespmem:s11+$0xFFFFFECD];
	[tilespmem:s18+$0x40] =	vst v8  }
0x10e: {  	v8 =	vld [tilespmem:s11+$0xFFFFFF4E];
	[tilespmem:s18+$0xC0] =	vst v9  }
0x10f: {  	v9 =	vld [tilespmem:s11+$0xFFFFFFCF];
	[tilespmem:s18+$0x140] =	vst v10  }
0x110: {  	v10 =	vld [tilespmem:s11+$0x50];
	[tilespmem:s18+$0x1F0] =	vst v5  }
0x111: {  	[tilespmem:s18+$0xFFFFFE50] =	vst v6;
	v5 =	vld [tilespmem:s11+$0xD1]  }
0x112: {  	[tilespmem:s18+$0xFFFFFED0] =	vst v7;
	v6 =	vld [tilespmem:s11+$0x152]  }
0x113: {  	v7 =	vld [tilespmem:s11+$0xFFFFFE5C];
	[tilespmem:s18+$0xFFFFFF50] =	vst v8  }
0x114: {  	v8 =	vld [tilespmem:s11+$0xFFFFFEDD];
	[tilespmem:s18+$0xFFFFFFD0] =	vst v9  }
0x115: {  	v9 =	vld [tilespmem:s11+$0xFFFFFF5E];
	[tilespmem:s18+$0x50] =	vst v10  }
0x116: {  	v10 =	vld [tilespmem:s11+$0xFFFFFFDF];
	[tilespmem:s18+$0xD0] =	vst v5  }
0x117: {  	v11 =	vld [tilespmem:s11+$0x60];
	[tilespmem:s18+$0x150] =	vst v6  }
0x118: {  	[tilespmem:s18+$0xFFFFFE60] =	vst v7;
	v7 =	vld [tilespmem:s11+$0xE1]  }
0x119: {  	[tilespmem:s18+$0xFFFFFEE0] =	vst v8;
	v8 =	vld [tilespmem:s11+$0x162]  }
0x11a: {  	v12 =	vld [tilespmem:s11+$0xFFFFFE6C];
	[tilespmem:s18+$0xFFFFFF60] =	vst v9  }
0x11b: {  	v9 =	vld [tilespmem:s11+$0xFFFFFEED];
	[tilespmem:s18+$0xFFFFFFE0] =	vst v10  }
.Ltmp2:
0x11c: {  	v5 =	vld [tilespmem:s11+$0xFFFFFF6E];
	[tilespmem:s18+$0x60] =	vst v11;
	(pc) =	sbr.rel @p1 .LBB2_5-.Ltmp2, $4  }
0x11d: {  	v6 =	vld [tilespmem:s11+$0xFFFFFFEF];
	[tilespmem:s18+$0xE0] =	vst v7  }
0x11e: {  	v7 =	vld [tilespmem:s11+$0x70];
	[tilespmem:s18+$0x160] =	vst v8  }
0x11f: {  	[tilespmem:s18+$0xFFFFFE70] =	vst v12;
	v8 =	vld [tilespmem:s11+$0xF1]  }
0x120: {  	[tilespmem:s18+$0xFFFFFEF0] =	vst v9;
	v9 =	vld [tilespmem:s11+$0x172];
	s11 =	sadd.s32 $0x408, s11  }
.LBB2_6:
0x121: {  	[tilespmem:s18+$0xFFFFFF70] =	vst v5  }
0x122: {  	s0 =	sshll.u32 s13, $0x14;
	[tilespmem:s18+$0xFFFFFFF0] =	vst v6  }
0x123: {  	s0 =	sor.u32 s5, s0;
	[tilespmem:s18+$0x70] =	vst v7  }
0x124: {  	s0 =	sshrl.u32 s0, $0x3;
	[tilespmem:s18+$0xF0] =	vst v8  }
0x125: {  	s8 =	simm.s32 $0x8200;
	s0 =	sadd.s32 s3, s0;
	[tilespmem:s18+$0x170] =	vst v9;
	s18 =	sor.u32 $0x1, s16  }
0x126: {  	[hbm4b:s0+s25] =	stream.strided.scatter [tilespmem:s8], [sflag:$0x9], $0x2000, s26, s25, $0x38;
	[tilespmem:$0x15440] =	vst v63  }
0x127: {  	p1 =	sgt.u32 s18, $0xC4  }
0x128: {  	s0 =	sadd.s32 @!p1 $0x4, s16  }
0x129: {  	s8 =	sshll.u32 @!p1 s0, $0x7;
	s0 =	sshll.u32 @!p1 s0, $0xC  }
0x12a: {  	s8 =	sand.u32 @!p1 $0x200, s8;
	s0 =	sand.u32 @!p1 $0x1F8000, s0  }
0x12b: {  	s0 =	sor.u32 @!p1 s0, s8  }
0x12c: {  	s0 =	sor.u32 @!p1 s5, s0  }
0x12d: {  	s0 =	sshrl.u32 @!p1 s0, $0x3  }
0x12e: {  	s8 =	simm.s32 @!p1 $0x0;
	s0 =	sadd.s32 @!p1 s1, s0  }
0x12f: {  	[tilespmem:s8], [sflag:$0x1] =	stream.linear.gather @!p1 [hbm4b:s0+s8], $0x80, $0x38;
	[tilespmem:$0x15440] =	vst v63  }
0x130: {  	_ =	swait.ge [sflag:s29], $0x80  }
0x131: {  	[sflag:s29] =	ssyncset.done $0x0  }
0x132: {  	s28 =	simm.s32 $0x6200;
	s0 =	simm.s32 @!p0 $0xC;
	[sflag:s29] =	ssyncadd.s32 $0xFFFFFF80  }
0x133: {  	[tilespmem:s28], [sflag:$0x8] =	stream.indirect.gather [hbm4b:s6+s14], $0x40, s20, s14, $0xb8;
	[tilespmem:$0x15440] =	vst v63  }
0x134: {  	_ =	swait.ge @!p0 [sflag:s0], $0x2000  }
0x135: {  	[sflag:s0] =	ssyncset.done @!p0 $0x0  }
0x136: {  	[sflag:s0] =	ssyncadd.s32 @!p0 $0xFFFFE000  }
0x137: {  	_ =	swait.ge [sflag:s31], $0x2000  }
0x138: {  	s30 =	sshll.u32 s18, $0x6;
	[sflag:s31] =	ssyncset.done $0x0  }
0x139: {  	s0 =	sand.u32 $0x3FFFFFC0, s30;
	[sflag:s31] =	ssyncadd.s32 $0xFFFFE000  }
0x13a: {  	v8 =	vld [tilespmem:s0+$0x12240]  }
0x13b: {  	v7 =	vld [tilespmem:s0+$0x12250]  }
0x13c: {  	v6 =	vld [tilespmem:s0+$0x12260]  }
0x13d: {  	s8 =	simm.s32 $0x2300;
	v5 =	vld [tilespmem:s0+$0x12270]  }
0x13e: {  	v9 =	vld [tilespmem:s8+$0xC0]  }
0x13f: {  	s22 =	simm.s32 $0x7;
	v10 =	vld [tilespmem:s8+$0xFFFFFF40]  }
0x140: {  	v12 =	vadd.s32 s22, v0;
	s28 =	simm.s32 $0x1;
	v11 =	vld [tilespmem:s8+$0xFFFFFF80]  }
0x141: {  	s15 =	simm.s32 $0x2;
	v13 =	vadd.s32 s28, v0;
	v14 =	vld [tilespmem:s8+$0xFFFFFFC0]  }
0x142: {  	s10 =	simm.s32 $0x3;
	v15 =	vadd.s32 s15, v0;
	v16 =	vld [tilespmem:s8+$0x0]  }
0x143: {  	s11 =	simm.s32 $0x4;
	v17 =	vadd.s32 s10, v0;
	v18 =	vld [tilespmem:s8+$0x40];
	v9 =	vadd.f32 v9, v8  }
0x144: {  	s17 =	simm.s32 $0x5;
	v19 =	vadd.s32 s11, v0;
	s30 =	simm.s32 $0x0;
	v20 =	vld [tilespmem:s8+$0x80];
	v10 =	vadd.f32 v10, v8  }
0x145: {  	s9 =	simm.s32 $0x6;
	v23 =	vadd.s32 s17, v0;
	v22 =	vadd.s32 s30, v0;
	v21 =	vld [tilespmem:s8+$0xFFFFFF00];
	v11 =	vadd.f32 v11, v8;
	[tilespmem:v12+s24+$0x0] =	vst.idx.msk $0xffff, v9  }
0x146: {  	v9 =	vand.u32 $0xFF8, v22;
	[tilespmem:v13+s24+$0x0] =	vst.idx.msk $0xffff, v10;
	v10 =	vadd.f32 v14, v8;
	v12 =	vadd.s32 s9, v0;
	v13 =	vld [tilespmem:s8+$0xD0]  }
0x147: {  	[tilespmem:v15+s24+$0x0] =	vst.idx.msk $0xffff, v11;
	v11 =	vadd.f32 v16, v8;
	v9 =	vor.u32 v1, v9;
	v14 =	vld [tilespmem:s8+$0xFFFFFF50]  }
0x148: {  	v16 =	vadd.s32 s22, v2;
	v15 =	vld [tilespmem:s8+$0xFFFFFF90];
	[tilespmem:v17+s24+$0x0] =	vst.idx.msk $0xffff, v10;
	v10 =	vadd.f32 v18, v8  }
0x149: {  	v17 =	vadd.s32 s28, v2;
	[tilespmem:v19+s24+$0x0] =	vst.idx.msk $0xffff, v11;
	v11 =	vadd.f32 v20, v8;
	v18 =	vld [tilespmem:s8+$0xFFFFFFD0]  }
0x14a: {  	v19 =	vadd.f32 v21, v8;
	v20 =	vadd.s32 s15, v2;
	v21 =	vld [tilespmem:s8+$0x10];
	[tilespmem:v23+s24+$0x0] =	vst.idx.msk $0xffff, v10  }
0x14b: {  	v10 =	vadd.s32 s10, v2;
	v22 =	vld [tilespmem:s8+$0x50];
	[tilespmem:v12+s24+$0x0] =	vst.idx.msk $0xffff, v11;
	v11 =	vadd.f32 v13, v7  }
0x14c: {  	v12 =	vadd.s32 s11, v2;
	[tilespmem:v9+s24+$0x0] =	vst.idx.msk $0xffff, v19;
	v9 =	vadd.f32 v14, v7;
	v13 =	vld [tilespmem:s8+$0x90]  }
0x14d: {  	v23 =	vadd.s32 s17, v2;
	v19 =	vadd.s32 s30, v2;
	v15 =	vadd.f32 v15, v7;
	v14 =	vld [tilespmem:s8+$0xFFFFFF10];
	[tilespmem:v16+s24+$0x0] =	vst.idx.msk $0xffff, v11  }
0x14e: {  	v11 =	vand.u32 $0x1FF8, v19;
	[tilespmem:v17+s24+$0x0] =	vst.idx.msk $0xffff, v9;
	v9 =	vadd.f32 v18, v7;
	v16 =	vadd.s32 s9, v2;
	v17 =	vld [tilespmem:s8+$0xE0]  }
0x14f: {  	[tilespmem:v20+s24+$0x0] =	vst.idx.msk $0xffff, v15;
	v15 =	vadd.f32 v21, v7;
	v11 =	vor.u32 v1, v11;
	v18 =	vld [tilespmem:s8+$0xFFFFFF60]  }
0x150: {  	v19 =	vld [tilespmem:s8+$0xFFFFFFA0];
	[tilespmem:v10+s24+$0x0] =	vst.idx.msk $0xffff, v9;
	v9 =	vadd.f32 v22, v7;
	v10 =	vadd.s32 s22, v3  }
0x151: {  	v20 =	vadd.s32 s28, v3;
	[tilespmem:v12+s24+$0x0] =	vst.idx.msk $0xffff, v15;
	v21 =	vld [tilespmem:s8+$0xFFFFFFE0];
	v12 =	vadd.f32 v13, v7  }
0x152: {  	v15 =	vld [tilespmem:s8+$0x20];
	v13 =	vadd.f32 v14, v7;
	v14 =	vadd.s32 s15, v3;
	[tilespmem:v23+s24+$0x0] =	vst.idx.msk $0xffff, v9  }
0x153: {  	v9 =	vadd.s32 s10, v3;
	v22 =	vld [tilespmem:s8+$0x60];
	[tilespmem:v16+s24+$0x0] =	vst.idx.msk $0xffff, v12;
	v12 =	vadd.f32 v17, v6  }
0x154: {  	[tilespmem:v11+s24+$0x0] =	vst.idx.msk $0xffff, v13;
	v11 =	vadd.f32 v18, v6;
	v13 =	vadd.s32 s11, v3;
	v16 =	vld [tilespmem:s8+$0xA0]  }
0x155: {  	v23 =	vadd.s32 s17, v3;
	v18 =	vadd.s32 s30, v3;
	v19 =	vadd.f32 v19, v6;
	v17 =	vld [tilespmem:s8+$0xFFFFFF20];
	[tilespmem:v10+s24+$0x0] =	vst.idx.msk $0xffff, v12  }
0x156: {  	v10 =	vand.u32 $0x1FF8, v18;
	[tilespmem:v20+s24+$0x0] =	vst.idx.msk $0xffff, v11;
	v11 =	vadd.f32 v21, v6;
	v12 =	vadd.s32 s9, v3;
	v18 =	vld [tilespmem:s8+$0xF0]  }
0x157: {  	v20 =	vor.u32 v1, v10;
	v21 =	vld [tilespmem:s8+$0xFFFFFF70];
	[tilespmem:v14+s24+$0x0] =	vst.idx.msk $0xffff, v19;
	v10 =	vadd.f32 v15, v6  }
0x158: {  	v19 =	vld [tilespmem:s8+$0xFFFFFFB0];
	[tilespmem:v9+s24+$0x0] =	vst.idx.msk $0xffff, v11;
	v9 =	vadd.f32 v22, v6;
	v11 =	vadd.s32 s22, v4  }
0x159: {  	v22 =	vadd.s32 s28, v4;
	v24 =	vld [tilespmem:s8+$0xFFFFFFF0];
	[tilespmem:v13+s24+$0x0] =	vst.idx.msk $0xffff, v10;
	v13 =	vadd.f32 v16, v6  }
0x15a: {  	v14 =	vadd.f32 v17, v6;
	v15 =	vld [tilespmem:s8+$0x30];
	[tilespmem:v23+s24+$0x0] =	vst.idx.msk $0xffff, v9;
	v17 =	vadd.s32 s15, v4  }
0x15b: {  	v16 =	vadd.s32 s10, v4;
	v10 =	vld [tilespmem:s8+$0x70];
	[tilespmem:v12+s24+$0x0] =	vst.idx.msk $0xffff, v13;
	v18 =	vadd.f32 v18, v5  }
0x15c: {  	v13 =	vadd.s32 s11, v4;
	[tilespmem:v20+s24+$0x0] =	vst.idx.msk $0xffff, v14;
	v20 =	vadd.f32 v21, v5;
	v14 =	vld [tilespmem:s8+$0xB0]  }
0x15d: {  	s10 =	simm.s32 $0x2500;
	v12 =	vadd.s32 s17, v4;
	v21 =	vadd.s32 s30, v4;
	v9 =	vld [tilespmem:s8+$0xFFFFFF30];
	v19 =	vadd.f32 v19, v5;
	[tilespmem:v11+s24+$0x0] =	vst.idx.msk $0xffff, v18  }
0x15e: {  	s11 =	simm.s32 $0x8;
	s8 =	simm.s32 $0x10;
	v21 =	vand.u32 $0x3FF8, v21;
	v11 =	vld [tilespmem:s10+$0xC0];
	[tilespmem:v22+s24+$0x0] =	vst.idx.msk $0xffff, v20;
	v20 =	vadd.f32 v24, v5;
	v18 =	vadd.s32 s9, v4  }
.LBB2_7:
0x15f: {  	p0 =	slt.u32 s8, $0x78;
	v22 =	vld [tilespmem:s10+$0xFFFFFF40];
	s22 =	sadd.s32 $0x7, s11;
	v21 =	vor.u32 v1, v21;
	[tilespmem:v17+s24+$0x0] =	vst.idx.msk $0xffff, v19;
	v15 =	vadd.f32 v15, v5  }
0x160: {  	s28 =	sadd.s32 $0x1, s11;
	v17 =	vld [tilespmem:s10+$0xFFFFFF80];
	v19 =	vadd.s32 s22, v0;
	[tilespmem:v16+s24+$0x0] =	vst.idx.msk $0xffff, v20;
	v10 =	vadd.f32 v10, v5  }
0x161: {  	s30 =	sadd.s32 $0x2, s11;
	v16 =	vadd.s32 s28, v0;
	v20 =	vld [tilespmem:s10+$0xFFFFFFC0];
	[tilespmem:v13+s24+$0x0] =	vst.idx.msk $0xffff, v15;
	v13 =	vadd.f32 v14, v5  }
0x162: {  	s9 =	sadd.s32 $0x3, s11;
	v14 =	vadd.s32 s30, v0;
	v15 =	vld [tilespmem:s10+$0x0];
	v9 =	vadd.f32 v9, v5;
	[tilespmem:v12+s24+$0x0] =	vst.idx.msk $0xffff, v10  }
0x163: {  	s0 =	sadd.s32 $0x4, s11;
	v10 =	vadd.s32 s9, v0;
	v12 =	vld [tilespmem:s10+$0x40];
	v11 =	vadd.f32 v11, v8;
	[tilespmem:v18+s24+$0x0] =	vst.idx.msk $0xffff, v13  }
0x164: {  	s17 =	sadd.s32 $0x5, s11;
	v18 =	vadd.s32 s0, v0;
	v13 =	vadd.f32 v22, v8;
	v22 =	vld [tilespmem:s10+$0x80];
	[tilespmem:v21+s24+$0x0] =	vst.idx.msk $0xffff, v9  }
0x165: {  	s15 =	sadd.s32 $0x6, s11;
	v23 =	vadd.s32 s17, v0;
	v21 =	vadd.s32 s11, v0;
	v9 =	vld [tilespmem:s10+$0xFFFFFF00];
	v17 =	vadd.f32 v17, v8;
	[tilespmem:v19+s24+$0x0] =	vst.idx.msk $0xffff, v11  }
0x166: {  	v11 =	vand.u32 $0xFF8, v21;
	[tilespmem:v16+s24+$0x0] =	vst.idx.msk $0xffff, v13;
	v13 =	vadd.f32 v20, v8;
	v16 =	vadd.s32 s15, v0;
	v19 =	vld [tilespmem:s10+$0xD0]  }
0x167: {  	v11 =	vor.u32 v1, v11;
	v20 =	vld [tilespmem:s10+$0xFFFFFF50];
	[tilespmem:v14+s24+$0x0] =	vst.idx.msk $0xffff, v17;
	v14 =	vadd.f32 v15, v8  }
0x168: {  	v15 =	vld [tilespmem:s10+$0xFFFFFF90];
	[tilespmem:v10+s24+$0x0] =	vst.idx.msk $0xffff, v13;
	v10 =	vadd.f32 v12, v8;
	v12 =	vadd.s32 s22, v2  }
0x169: {  	v13 =	vadd.s32 s28, v2;
	v17 =	vld [tilespmem:s10+$0xFFFFFFD0];
	[tilespmem:v18+s24+$0x0] =	vst.idx.msk $0xffff, v14;
	v14 =	vadd.f32 v22, v8  }
0x16a: {  	v18 =	vadd.s32 s30, v2;
	v9 =	vadd.f32 v9, v8;
	v21 =	vld [tilespmem:s10+$0x10];
	[tilespmem:v23+s24+$0x0] =	vst.idx.msk $0xffff, v10  }
0x16b: {  	v10 =	vadd.s32 s9, v2;
	v22 =	vld [tilespmem:s10+$0x50];
	[tilespmem:v16+s24+$0x0] =	vst.idx.msk $0xffff, v14;
	v14 =	vadd.f32 v19, v7  }
0x16c: {  	[tilespmem:v11+s24+$0x0] =	vst.idx.msk $0xffff, v9;
	v9 =	vadd.f32 v20, v7;
	v11 =	vadd.s32 s0, v2;
	v16 =	vld [tilespmem:s10+$0x90]  }
0x16d: {  	v23 =	vadd.s32 s17, v2;
	v20 =	vadd.s32 s11, v2;
	v19 =	vld [tilespmem:s10+$0xFFFFFF10];
	v15 =	vadd.f32 v15, v7;
	[tilespmem:v12+s24+$0x0] =	vst.idx.msk $0xffff, v14  }
0x16e: {  	v12 =	vand.u32 $0x1FF8, v20;
	[tilespmem:v13+s24+$0x0] =	vst.idx.msk $0xffff, v9;
	v9 =	vadd.f32 v17, v7;
	v13 =	vadd.s32 s15, v2;
	v14 =	vld [tilespmem:s10+$0xE0]  }
0x16f: {  	v12 =	vor.u32 v1, v12;
	v17 =	vld [tilespmem:s10+$0xFFFFFF60];
	[tilespmem:v18+s24+$0x0] =	vst.idx.msk $0xffff, v15;
	v15 =	vadd.f32 v21, v7  }
0x170: {  	v18 =	vld [tilespmem:s10+$0xFFFFFFA0];
	[tilespmem:v10+s24+$0x0] =	vst.idx.msk $0xffff, v9;
	v9 =	vadd.f32 v22, v7;
	v10 =	vadd.s32 s22, v3  }
0x171: {  	v20 =	vadd.s32 s28, v3;
	v21 =	vld [tilespmem:s10+$0xFFFFFFE0];
	[tilespmem:v11+s24+$0x0] =	vst.idx.msk $0xffff, v15;
	v11 =	vadd.f32 v16, v7  }
0x172: {  	v16 =	vadd.s32 s30, v3;
	v15 =	vadd.f32 v19, v7;
	v19 =	vld [tilespmem:s10+$0x20];
	[tilespmem:v23+s24+$0x0] =	vst.idx.msk $0xffff, v9  }
0x173: {  	v9 =	vadd.s32 s9, v3;
	v22 =	vld [tilespmem:s10+$0x60];
	[tilespmem:v13+s24+$0x0] =	vst.idx.msk $0xffff, v11;
	v11 =	vadd.f32 v14, v6  }
0x174: {  	v13 =	vadd.s32 s0, v3;
	[tilespmem:v12+s24+$0x0] =	vst.idx.msk $0xffff, v15;
	v12 =	vadd.f32 v17, v6;
	v14 =	vld [tilespmem:s10+$0xA0]  }
0x175: {  	v23 =	vadd.s32 s17, v3;
	v17 =	vadd.s32 s11, v3;
	v15 =	vld [tilespmem:s10+$0xFFFFFF20];
	v18 =	vadd.f32 v18, v6;
	[tilespmem:v10+s24+$0x0] =	vst.idx.msk $0xffff, v11  }
0x176: {  	v10 =	vand.u32 $0x1FF8, v17;
	[tilespmem:v20+s24+$0x0] =	vst.idx.msk $0xffff, v12;
	v11 =	vadd.f32 v21, v6;
	v12 =	vadd.s32 s15, v3;
	v20 =	vld [tilespmem:s10+$0xF0]  }
0x177: {  	v21 =	vor.u32 v1, v10;
	v24 =	vld [tilespmem:s10+$0xFFFFFF70];
	[tilespmem:v16+s24+$0x0] =	vst.idx.msk $0xffff, v18;
	v10 =	vadd.f32 v19, v6  }
0x178: {  	v18 =	vld [tilespmem:s10+$0xFFFFFFB0];
	[tilespmem:v9+s24+$0x0] =	vst.idx.msk $0xffff, v11;
	v9 =	vadd.f32 v22, v6;
	v11 =	vadd.s32 s22, v4  }
0x179: {  	v22 =	vadd.s32 s28, v4;
	v25 =	vld [tilespmem:s10+$0xFFFFFFF0];
	[tilespmem:v13+s24+$0x0] =	vst.idx.msk $0xffff, v10;
	v13 =	vadd.f32 v14, v6  }
.Ltmp3:
0x17a: {  	v17 =	vadd.s32 s30, v4;
	v14 =	vadd.f32 v15, v6;
	v15 =	vld [tilespmem:s10+$0x30];
	[tilespmem:v23+s24+$0x0] =	vst.idx.msk $0xffff, v9;
	(pc) =	sbr.rel @p0 .LBB2_7-.Ltmp3, $4  }
0x17b: {  	v16 =	vadd.s32 s9, v4;
	v10 =	vld [tilespmem:s10+$0x70];
	[tilespmem:v12+s24+$0x0] =	vst.idx.msk $0xffff, v13;
	v20 =	vadd.f32 v20, v5  }
0x17c: {  	v13 =	vadd.s32 s0, v4;
	[tilespmem:v21+s24+$0x0] =	vst.idx.msk $0xffff, v14;
	v23 =	vadd.f32 v24, v5;
	v14 =	vld [tilespmem:s10+$0xB0]  }
0x17d: {  	v12 =	vadd.s32 s17, v4;
	v21 =	vadd.s32 s11, v4;
	v9 =	vld [tilespmem:s10+$0xFFFFFF30];
	v19 =	vadd.f32 v18, v5;
	[tilespmem:v11+s24+$0x0] =	vst.idx.msk $0xffff, v20;
	s10 =	sadd.s32 $0x200, s10  }
0x17e: {  	s11 =	smov.u32 s8;
	s8 =	sadd.s32 $0x8, s8;
	v21 =	vand.u32 $0x3FF8, v21;
	v18 =	vadd.s32 s15, v4;
	v11 =	vld [tilespmem:s10+$0xC0];
	[tilespmem:v22+s24+$0x0] =	vst.idx.msk $0xffff, v23;
	v20 =	vadd.f32 v25, v5  }
0x17f: {  	_ =	sdelay $0x3  }
0x180: {  	v22 =	vld [tilespmem:s10+$0xFFFFFF40];
	s0 =	sadd.s32 $0x7, s11;
	v21 =	vor.u32 v1, v21;
	[tilespmem:v17+s24+$0x0] =	vst.idx.msk $0xffff, v19;
	v15 =	vadd.f32 v15, v5  }
0x181: {  	s8 =	sadd.s32 $0x1, s11;
	v57 =	vld [tilespmem:s10+$0xFFFFFF80];
	v58 =	vadd.s32 s0, v0;
	[tilespmem:v16+s24+$0x0] =	vst.idx.msk $0xffff, v20;
	v10 =	vadd.f32 v10, v5  }
0x182: {  	s9 =	sadd.s32 $0x2, s11;
	v60 =	vld [tilespmem:s10+$0xFFFFFFC0];
	v59 =	vadd.s32 s8, v0;
	[tilespmem:v13+s24+$0x0] =	vst.idx.msk $0xffff, v15;
	v61 =	vadd.f32 v14, v5  }
0x183: {  	s17 =	sadd.s32 $0x3, s11;
	v63 =	vld [tilespmem:s10+$0x0];
	v62 =	vadd.s32 s9, v0;
	v9 =	vadd.f32 v9, v5;
	[tilespmem:v12+s24+$0x0] =	vst.idx.msk $0xffff, v10  }
0x184: {  	s15 =	sadd.s32 $0x4, s11;
	v24 =	vld [tilespmem:s10+$0x40];
	v10 =	vadd.s32 s17, v0;
	v11 =	vadd.f32 v11, v8;
	[tilespmem:v18+s24+$0x0] =	vst.idx.msk $0xffff, v61  }
0x185: {  	s22 =	sadd.s32 $0x5, s11;
	v27 =	vld [tilespmem:s10+$0x80];
	v26 =	vadd.s32 s15, v0;
	v25 =	vadd.f32 v22, v8;
	[tilespmem:v21+s24+$0x0] =	vst.idx.msk $0xffff, v9  }
0x186: {  	v28 =	vadd.s32 s11, v0;
	s28 =	sadd.s32 $0x6, s11;
	v23 =	vadd.s32 s22, v0;
	v9 =	vld [tilespmem:s10+$0xFFFFFF00];
	v17 =	vadd.f32 v57, v8;
	[tilespmem:v58+s24+$0x0] =	vst.idx.msk $0xffff, v11  }
0x187: {  	v30 =	vadd.s32 s28, v0;
	v29 =	vadd.f32 v60, v8;
	v11 =	vand.u32 $0xFF8, v28;
	[tilespmem:v59+s24+$0x0] =	vst.idx.msk $0xffff, v25;
	v19 =	vld [tilespmem:s10+$0xD0]  }
0x188: {  	v32 =	vadd.f32 v63, v8;
	v11 =	vor.u32 v1, v11;
	[tilespmem:v62+s24+$0x0] =	vst.idx.msk $0xffff, v17;
	v31 =	vld [tilespmem:s10+$0xFFFFFF50]  }
0x189: {  	v34 =	vadd.s32 s0, v2;
	v33 =	vld [tilespmem:s10+$0xFFFFFF90];
	[tilespmem:v10+s24+$0x0] =	vst.idx.msk $0xffff, v29;
	v10 =	vadd.f32 v24, v8  }
0x18a: {  	v35 =	vadd.s32 s8, v2;
	v37 =	vadd.f32 v27, v8;
	[tilespmem:v26+s24+$0x0] =	vst.idx.msk $0xffff, v32;
	v36 =	vld [tilespmem:s10+$0xFFFFFFD0]  }
0x18b: {  	v18 =	vld [tilespmem:s10+$0x10];
	v8 =	vadd.f32 v9, v8;
	v9 =	vadd.s32 s9, v2;
	[tilespmem:v23+s24+$0x0] =	vst.idx.msk $0xffff, v10  }
0x18c: {  	[tilespmem:v30+s24+$0x0] =	vst.idx.msk $0xffff, v37;
	v10 =	vadd.s32 s17, v2;
	v38 =	vld [tilespmem:s10+$0x50];
	v39 =	vadd.f32 v19, v7  }
0x18d: {  	v16 =	vld [tilespmem:s10+$0x90];
	[tilespmem:v11+s24+$0x0] =	vst.idx.msk $0xffff, v8;
	v11 =	vadd.s32 s15, v2;
	v8 =	vadd.f32 v31, v7  }
0x18e: {  	v41 =	vadd.s32 s11, v2;
	v42 =	vadd.s32 s22, v2;
	v40 =	vld [tilespmem:s10+$0xFFFFFF10];
	v15 =	vadd.f32 v33, v7;
	[tilespmem:v34+s24+$0x0] =	vst.idx.msk $0xffff, v39  }
0x18f: {  	v43 =	vand.u32 $0x1FF8, v41;
	v44 =	vadd.s32 s28, v2;
	[tilespmem:v35+s24+$0x0] =	vst.idx.msk $0xffff, v8;
	v8 =	vadd.f32 v36, v7;
	v14 =	vld [tilespmem:s10+$0xE0]  }
0x190: {  	v12 =	vor.u32 v1, v43;
	[tilespmem:v9+s24+$0x0] =	vst.idx.msk $0xffff, v15;
	v9 =	vadd.f32 v18, v7;
	v45 =	vld [tilespmem:s10+$0xFFFFFF60]  }
0x191: {  	v15 =	vld [tilespmem:s10+$0xFFFFFFA0];
	[tilespmem:v10+s24+$0x0] =	vst.idx.msk $0xffff, v8;
	v8 =	vadd.f32 v38, v7;
	v10 =	vadd.s32 s0, v3  }
0x192: {  	v46 =	vadd.s32 s8, v3;
	[tilespmem:v11+s24+$0x0] =	vst.idx.msk $0xffff, v9;
	v9 =	vadd.f32 v16, v7;
	v47 =	vld [tilespmem:s10+$0xFFFFFFE0]  }
0x193: {  	v11 =	vadd.s32 s9, v3;
	v7 =	vadd.f32 v40, v7;
	v48 =	vld [tilespmem:s10+$0x20];
	[tilespmem:v42+s24+$0x0] =	vst.idx.msk $0xffff, v8  }
0x194: {  	v8 =	vadd.s32 s17, v3;
	[tilespmem:v44+s24+$0x0] =	vst.idx.msk $0xffff, v9;
	v49 =	vld [tilespmem:s10+$0x60];
	v9 =	vadd.f32 v14, v6  }
0x195: {  	v50 =	vadd.s32 s15, v3;
	[tilespmem:v12+s24+$0x0] =	vst.idx.msk $0xffff, v7;
	v13 =	vld [tilespmem:s10+$0xA0];
	v7 =	vadd.f32 v45, v6  }
0x196: {  	v52 =	vadd.s32 s11, v3;
	v53 =	vadd.s32 s22, v3;
	v51 =	vld [tilespmem:s10+$0xFFFFFF20];
	v15 =	vadd.f32 v15, v6;
	[tilespmem:v10+s24+$0x0] =	vst.idx.msk $0xffff, v9  }
0x197: {  	v9 =	vand.u32 $0x1FF8, v52;
	v10 =	vadd.s32 s28, v3;
	[tilespmem:v46+s24+$0x0] =	vst.idx.msk $0xffff, v7;
	v7 =	vadd.f32 v47, v6;
	v54 =	vld [tilespmem:s10+$0xF0]  }
0x198: {  	v9 =	vor.u32 v1, v9;
	[tilespmem:v11+s24+$0x0] =	vst.idx.msk $0xffff, v15;
	v11 =	vadd.f32 v48, v6;
	v18 =	vld [tilespmem:s10+$0xFFFFFF70]  }
0x199: {  	v15 =	vld [tilespmem:s10+$0xFFFFFFB0];
	[tilespmem:v8+s24+$0x0] =	vst.idx.msk $0xffff, v7;
	v7 =	vadd.f32 v49, v6;
	v8 =	vadd.s32 s0, v4  }
0x19a: {  	v55 =	vadd.s32 s8, v4;
	[tilespmem:v50+s24+$0x0] =	vst.idx.msk $0xffff, v11;
	v11 =	vadd.f32 v13, v6;
	v56 =	vld [tilespmem:s10+$0xFFFFFFF0]  }
0x19b: {  	v57 =	vadd.s32 s9, v4;
	v6 =	vadd.f32 v51, v6;
	v58 =	vld [tilespmem:s10+$0x30];
	[tilespmem:v53+s24+$0x0] =	vst.idx.msk $0xffff, v7  }
0x19c: {  	v7 =	vadd.s32 s17, v4;
	[tilespmem:v10+s24+$0x0] =	vst.idx.msk $0xffff, v11;
	v59 =	vld [tilespmem:s10+$0x70];
	v10 =	vadd.f32 v54, v5  }
0x19d: {  	[tilespmem:v9+s24+$0x0] =	vst.idx.msk $0xffff, v6;
	v9 =	vadd.s32 s15, v4;
	v11 =	vld [tilespmem:s10+$0xB0];
	v6 =	vadd.f32 v18, v5  }
0x19e: {  	v61 =	vadd.s32 s11, v4;
	v62 =	vadd.s32 s22, v4;
	v60 =	vld [tilespmem:s10+$0xFFFFFF30];
	v15 =	vadd.f32 v15, v5;
	[tilespmem:v8+s24+$0x0] =	vst.idx.msk $0xffff, v10  }
0x19f: {  	v8 =	vand.u32 $0x3FF8, v61;
	v10 =	vadd.s32 s28, v4;
	[tilespmem:v55+s24+$0x0] =	vst.idx.msk $0xffff, v6;
	v6 =	vadd.f32 v56, v5  }
0x1a0: {  	v8 =	vor.u32 v1, v8;
	[tilespmem:v57+s24+$0x0] =	vst.idx.msk $0xffff, v15;
	v63 =	vadd.f32 v58, v5  }
0x1a1: {  	[tilespmem:v7+s24+$0x0] =	vst.idx.msk $0xffff, v6;
	v6 =	vadd.f32 v59, v5  }
0x1a2: {  	[tilespmem:v9+s24+$0x0] =	vst.idx.msk $0xffff, v63;
	v7 =	vadd.f32 v11, v5  }
0x1a3: {  	v5 =	vadd.f32 v60, v5;
	[tilespmem:v62+s24+$0x0] =	vst.idx.msk $0xffff, v6  }
0x1a4: {  	[tilespmem:v10+s24+$0x0] =	vst.idx.msk $0xffff, v7  }
0x1a5: {  	s30 =	simm.s32 $0x10404;
	[tilespmem:v8+s24+$0x0] =	vst.idx.msk $0xffff, v5  }
0x1a6: {  	v5 =	vld [tilespmem:s30+$0x183]  }
0x1a7: {  	v6 =	vld [tilespmem:s30+$0xFFFFFE7D]  }
0x1a8: {  	v7 =	vld [tilespmem:s30+$0xFFFFFEFE]  }
0x1a9: {  	v8 =	vld [tilespmem:s30+$0xFFFFFF7F]  }
0x1aa: {  	s10 =	simm.s32 $0xA400;
	v9 =	vld [tilespmem:s30+$0x0]  }
0x1ab: {  	v10 =	vld [tilespmem:s30+$0x81];
	[tilespmem:s10+$0x180] =	vst v5  }
0x1ac: {  	[tilespmem:s10+$0xFFFFFE80] =	vst v6;
	v6 =	vld [tilespmem:s30+$0x102]  }
0x1ad: {  	[tilespmem:s10+$0xFFFFFF00] =	vst v7;
	v7 =	vld [tilespmem:s30+$0xFFFFFDFC]  }
0x1ae: {  	[tilespmem:s10+$0xFFFFFF80] =	vst v8;
	v5 =	vld [tilespmem:s30+$0x193]  }
0x1af: {  	[tilespmem:s10+$0x0] =	vst v9;
	v8 =	vld [tilespmem:s30+$0xFFFFFE8D]  }
0x1b0: {  	[tilespmem:s10+$0x80] =	vst v10;
	v9 =	vld [tilespmem:s30+$0xFFFFFF0E]  }
0x1b1: {  	v10 =	vld [tilespmem:s30+$0xFFFFFF8F];
	[tilespmem:s10+$0x100] =	vst v6  }
0x1b2: {  	[tilespmem:s10+$0xFFFFFE00] =	vst v7;
	v6 =	vld [tilespmem:s30+$0x10]  }
0x1b3: {  	[tilespmem:s10+$0x190] =	vst v5;
	v7 =	vld [tilespmem:s30+$0xFFFFFE0C]  }
0x1b4: {  	[tilespmem:s10+$0xFFFFFE90] =	vst v8;
	v8 =	vld [tilespmem:s30+$0x91]  }
0x1b5: {  	[tilespmem:s10+$0xFFFFFF10] =	vst v9;
	v5 =	vld [tilespmem:s30+$0x1A3]  }
0x1b6: {  	[tilespmem:s10+$0xFFFFFF90] =	vst v10;
	v9 =	vld [tilespmem:s30+$0x112]  }
0x1b7: {  	v10 =	vld [tilespmem:s30+$0xFFFFFE9D];
	[tilespmem:s10+$0x10] =	vst v6  }
0x1b8: {  	v6 =	vld [tilespmem:s30+$0xFFFFFF1E];
	[tilespmem:s10+$0xFFFFFE10] =	vst v7  }
0x1b9: {  	[tilespmem:s10+$0x90] =	vst v8;
	v8 =	vld [tilespmem:s30+$0xFFFFFF9F]  }
0x1ba: {  	[tilespmem:s10+$0x1A0] =	vst v5;
	v7 =	vld [tilespmem:s30+$0xFFFFFE1C]  }
0x1bb: {  	[tilespmem:s10+$0x110] =	vst v9;
	v5 =	vld [tilespmem:s30+$0x1B3]  }
0x1bc: {  	v9 =	vld [tilespmem:s30+$0x20];
	[tilespmem:s10+$0xFFFFFEA0] =	vst v10  }
0x1bd: {  	v10 =	vld [tilespmem:s30+$0xA1];
	[tilespmem:s10+$0xFFFFFF20] =	vst v6  }
0x1be: {  	v6 =	vld [tilespmem:s30+$0x122];
	[tilespmem:s10+$0xFFFFFFA0] =	vst v8  }
0x1bf: {  	v8 =	vld [tilespmem:s30+$0xFFFFFEAD];
	[tilespmem:s10+$0xFFFFFE20] =	vst v7  }
0x1c0: {  	[tilespmem:s10+$0x1B0] =	vst v5;
	v7 =	vld [tilespmem:s30+$0xFFFFFE2C]  }
0x1c1: {  	[tilespmem:s10+$0x20] =	vst v9;
	v5 =	vld [tilespmem:s30+$0x1C3]  }
0x1c2: {  	v9 =	vld [tilespmem:s30+$0xFFFFFF2E];
	[tilespmem:s10+$0xA0] =	vst v10  }
0x1c3: {  	v10 =	vld [tilespmem:s30+$0xFFFFFFAF];
	[tilespmem:s10+$0x120] =	vst v6  }
0x1c4: {  	v6 =	vld [tilespmem:s30+$0x30];
	[tilespmem:s10+$0xFFFFFEB0] =	vst v8  }
0x1c5: {  	v8 =	vld [tilespmem:s30+$0x132];
	[tilespmem:s10+$0xFFFFFE30] =	vst v7  }
0x1c6: {  	v7 =	vld [tilespmem:s30+$0xB1];
	[tilespmem:s10+$0x1C0] =	vst v5  }
0x1c7: {  	[tilespmem:s10+$0xFFFFFF30] =	vst v9;
	v5 =	vld [tilespmem:s30+$0x1D3]  }
0x1c8: {  	[tilespmem:s10+$0xFFFFFFB0] =	vst v10;
	v10 =	vld [tilespmem:s30+$0xFFFFFEBD]  }
0x1c9: {  	v9 =	vld [tilespmem:s30+$0xFFFFFE3C];
	[tilespmem:s10+$0x30] =	vst v6  }
0x1ca: {  	v6 =	vld [tilespmem:s30+$0xFFFFFF3E];
	[tilespmem:s10+$0x130] =	vst v8  }
0x1cb: {  	v8 =	vld [tilespmem:s30+$0x40];
	[tilespmem:s10+$0xB0] =	vst v7  }
0x1cc: {  	v7 =	vld [tilespmem:s30+$0xFFFFFFBF];
	[tilespmem:s10+$0x1D0] =	vst v5  }
0x1cd: {  	[tilespmem:s10+$0xFFFFFEC0] =	vst v10;
	v5 =	vld [tilespmem:s30+$0x1E3]  }
0x1ce: {  	v10 =	vld [tilespmem:s30+$0x142];
	[tilespmem:s10+$0xFFFFFE40] =	vst v9  }
0x1cf: {  	v9 =	vld [tilespmem:s30+$0xC1];
	[tilespmem:s10+$0xFFFFFF40] =	vst v6  }
0x1d0: {  	v6 =	vld [tilespmem:s30+$0xFFFFFE4C];
	[tilespmem:s10+$0x40] =	vst v8  }
0x1d1: {  	[tilespmem:s10+$0xFFFFFFC0] =	vst v7;
	v7 =	vld [tilespmem:s30+$0xFFFFFECD]  }
0x1d2: {  	v8 =	vld [tilespmem:s30+$0xFFFFFF4E];
	[tilespmem:s10+$0x1E0] =	vst v5  }
0x1d3: {  	[tilespmem:s10+$0x140] =	vst v10;
	v5 =	vld [tilespmem:s30+$0x1F3]  }
0x1d4: {  	v10 =	vld [tilespmem:s30+$0x50];
	[tilespmem:s10+$0xC0] =	vst v9  }
0x1d5: {  	v9 =	vld [tilespmem:s30+$0xFFFFFFCF];
	[tilespmem:s10+$0xFFFFFE50] =	vst v6  }
0x1d6: {  	v6 =	vld [tilespmem:s30+$0x152];
	[tilespmem:s10+$0xFFFFFED0] =	vst v7  }
0x1d7: {  	[tilespmem:s10+$0xFFFFFF50] =	vst v8;
	v8 =	vld [tilespmem:s30+$0xFFFFFEDD]  }
0x1d8: {  	[tilespmem:s10+$0x1F0] =	vst v5;
	v5 =	vld [tilespmem:s30+$0xD1]  }
0x1d9: {  	[tilespmem:s10+$0x50] =	vst v10;
	v7 =	vld [tilespmem:s30+$0xFFFFFE5C]  }
0x1da: {  	v11 =	vld [tilespmem:s30+$0x60];
	[tilespmem:s10+$0xFFFFFFD0] =	vst v9  }
0x1db: {  	v9 =	vld [tilespmem:s30+$0xFFFFFF5E];
	[tilespmem:s10+$0x150] =	vst v6  }
0x1dc: {  	v10 =	vld [tilespmem:s30+$0xFFFFFFDF];
	[tilespmem:s10+$0xFFFFFEE0] =	vst v8  }
0x1dd: {  	v8 =	vld [tilespmem:s30+$0x162];
	[tilespmem:s10+$0xD0] =	vst v5  }
0x1de: {  	[tilespmem:s10+$0xFFFFFE60] =	vst v7;
	v7 =	vld [tilespmem:s30+$0xE1]  }
0x1df: {  	[tilespmem:s10+$0x60] =	vst v11;
	v12 =	vld [tilespmem:s30+$0xFFFFFE6C]  }
0x1e0: {  	p0 =	por $0x1, $0x1;
	[tilespmem:s10+$0xFFFFFF60] =	vst v9;
	v9 =	vld [tilespmem:s30+$0xFFFFFEED]  }
.Ltmp4:
0x1e1: {  	[tilespmem:s10+$0xFFFFFFE0] =	vst v10;
	v5 =	vld [tilespmem:s30+$0xFFFFFF6E];
	(pc) =	sbr.rel @!p0 .LBB2_10-.Ltmp4, $4  }
0x1e2: {  	v6 =	vld [tilespmem:s30+$0xFFFFFFEF];
	[tilespmem:s10+$0x160] =	vst v8  }
0x1e3: {  	[tilespmem:s10+$0xE0] =	vst v7;
	v7 =	vld [tilespmem:s30+$0x70]  }
0x1e4: {  	[tilespmem:s10+$0xFFFFFE70] =	vst v12;
	v8 =	vld [tilespmem:s30+$0xF1]  }
0x1e5: {  	s8 =	simm.s32 $0x1080C;
	s11 =	simm.s32 $0x0;
	[tilespmem:s10+$0xFFFFFEF0] =	vst v9;
	v9 =	vld [tilespmem:s30+$0x172]  }
.LBB2_9:
0x1e6: {  	v10 =	vld [tilespmem:s8+$0x183];
	s11 =	sadd.s32 $0x8, s11;
	[tilespmem:s10+$0xFFFFFF70] =	vst v5  }
0x1e7: {  	v5 =	vld [tilespmem:s8+$0xFFFFFE7D];
	p0 =	slt.u32 s11, $0x38;
	[tilespmem:s10+$0xFFFFFFF0] =	vst v6  }
0x1e8: {  	v6 =	vld [tilespmem:s8+$0xFFFFFEFE];
	[tilespmem:s10+$0x70] =	vst v7  }
0x1e9: {  	v7 =	vld [tilespmem:s8+$0xFFFFFF7F];
	[tilespmem:s10+$0xF0] =	vst v8  }
0x1ea: {  	v8 =	vld [tilespmem:s8+$0x0];
	[tilespmem:s10+$0x170] =	vst v9;
	s10 =	sadd.s32 $0x400, s10  }
0x1eb: {  	v9 =	vld [tilespmem:s8+$0x81];
	[tilespmem:s10+$0x180] =	vst v10  }
0x1ec: {  	[tilespmem:s10+$0xFFFFFE80] =	vst v5;
	v5 =	vld [tilespmem:s8+$0x193]  }
0x1ed: {  	[tilespmem:s10+$0xFFFFFF00] =	vst v6;
	v6 =	vld [tilespmem:s8+$0x102]  }
0x1ee: {  	v10 =	vld [tilespmem:s8+$0xFFFFFDFC];
	[tilespmem:s10+$0xFFFFFF80] =	vst v7  }
0x1ef: {  	v7 =	vld [tilespmem:s8+$0xFFFFFE8D];
	[tilespmem:s10+$0x0] =	vst v8  }
0x1f0: {  	v8 =	vld [tilespmem:s8+$0xFFFFFF0E];
	[tilespmem:s10+$0x80] =	vst v9  }
0x1f1: {  	v9 =	vld [tilespmem:s8+$0xFFFFFF8F];
	[tilespmem:s10+$0x190] =	vst v5  }
0x1f2: {  	[tilespmem:s10+$0x100] =	vst v6;
	v5 =	vld [tilespmem:s8+$0x1A3]  }
0x1f3: {  	[tilespmem:s10+$0xFFFFFE00] =	vst v10;
	v6 =	vld [tilespmem:s8+$0x10]  }
0x1f4: {  	v10 =	vld [tilespmem:s8+$0xFFFFFE0C];
	[tilespmem:s10+$0xFFFFFE90] =	vst v7  }
0x1f5: {  	[tilespmem:s10+$0xFFFFFF10] =	vst v8;
	v7 =	vld [tilespmem:s8+$0x91]  }
0x1f6: {  	[tilespmem:s10+$0xFFFFFF90] =	vst v9;
	v8 =	vld [tilespmem:s8+$0x112]  }
0x1f7: {  	v9 =	vld [tilespmem:s8+$0xFFFFFE9D];
	[tilespmem:s10+$0x1A0] =	vst v5  }
0x1f8: {  	[tilespmem:s10+$0x10] =	vst v6;
	v5 =	vld [tilespmem:s8+$0x1B3]  }
0x1f9: {  	[tilespmem:s10+$0xFFFFFE10] =	vst v10;
	v6 =	vld [tilespmem:s8+$0xFFFFFF1E]  }
0x1fa: {  	v10 =	vld [tilespmem:s8+$0xFFFFFE1C];
	[tilespmem:s10+$0x90] =	vst v7  }
0x1fb: {  	v7 =	vld [tilespmem:s8+$0xFFFFFF9F];
	[tilespmem:s10+$0x110] =	vst v8  }
0x1fc: {  	[tilespmem:s10+$0xFFFFFEA0] =	vst v9;
	v8 =	vld [tilespmem:s8+$0x20]  }
0x1fd: {  	v9 =	vld [tilespmem:s8+$0xA1];
	[tilespmem:s10+$0x1B0] =	vst v5  }
0x1fe: {  	[tilespmem:s10+$0xFFFFFF20] =	vst v6;
	v5 =	vld [tilespmem:s8+$0x1C3]  }
0x1ff: {  	[tilespmem:s10+$0xFFFFFE20] =	vst v10;
	v6 =	vld [tilespmem:s8+$0x122]  }
0x200: {  	v10 =	vld [tilespmem:s8+$0xFFFFFE2C];
	[tilespmem:s10+$0xFFFFFFA0] =	vst v7  }
0x201: {  	v7 =	vld [tilespmem:s8+$0xFFFFFEAD];
	[tilespmem:s10+$0x20] =	vst v8  }
0x202: {  	v8 =	vld [tilespmem:s8+$0xFFFFFF2E];
	[tilespmem:s10+$0xA0] =	vst v9  }
0x203: {  	v9 =	vld [tilespmem:s8+$0xFFFFFFAF];
	[tilespmem:s10+$0x1C0] =	vst v5  }
0x204: {  	[tilespmem:s10+$0x120] =	vst v6;
	v5 =	vld [tilespmem:s8+$0x1D3]  }
0x205: {  	[tilespmem:s10+$0xFFFFFE30] =	vst v10;
	v6 =	vld [tilespmem:s8+$0x30]  }
0x206: {  	[tilespmem:s10+$0xFFFFFEB0] =	vst v7;
	v7 =	vld [tilespmem:s8+$0xB1]  }
0x207: {  	[tilespmem:s10+$0xFFFFFF30] =	vst v8;
	v8 =	vld [tilespmem:s8+$0x132]  }
0x208: {  	v10 =	vld [tilespmem:s8+$0xFFFFFE3C];
	[tilespmem:s10+$0xFFFFFFB0] =	vst v9  }
0x209: {  	v9 =	vld [tilespmem:s8+$0xFFFFFEBD];
	[tilespmem:s10+$0x1D0] =	vst v5  }
0x20a: {  	[tilespmem:s10+$0x30] =	vst v6;
	v5 =	vld [tilespmem:s8+$0x1E3]  }
0x20b: {  	v6 =	vld [tilespmem:s8+$0xFFFFFF3E];
	[tilespmem:s10+$0xB0] =	vst v7  }
0x20c: {  	v7 =	vld [tilespmem:s8+$0xFFFFFFBF];
	[tilespmem:s10+$0x130] =	vst v8  }
0x20d: {  	[tilespmem:s10+$0xFFFFFE40] =	vst v10;
	v8 =	vld [tilespmem:s8+$0x40]  }
0x20e: {  	[tilespmem:s10+$0xFFFFFEC0] =	vst v9;
	v9 =	vld [tilespmem:s8+$0xC1]  }
0x20f: {  	v10 =	vld [tilespmem:s8+$0x142];
	[tilespmem:s10+$0x1E0] =	vst v5  }
0x210: {  	[tilespmem:s10+$0xFFFFFF40] =	vst v6;
	v5 =	vld [tilespmem:s8+$0x1F3]  }
0x211: {  	v6 =	vld [tilespmem:s8+$0xFFFFFE4C];
	[tilespmem:s10+$0xFFFFFFC0] =	vst v7  }
0x212: {  	v7 =	vld [tilespmem:s8+$0xFFFFFECD];
	[tilespmem:s10+$0x40] =	vst v8  }
0x213: {  	v8 =	vld [tilespmem:s8+$0xFFFFFF4E];
	[tilespmem:s10+$0xC0] =	vst v9  }
0x214: {  	v9 =	vld [tilespmem:s8+$0xFFFFFFCF];
	[tilespmem:s10+$0x140] =	vst v10  }
0x215: {  	v10 =	vld [tilespmem:s8+$0x50];
	[tilespmem:s10+$0x1F0] =	vst v5  }
0x216: {  	[tilespmem:s10+$0xFFFFFE50] =	vst v6;
	v5 =	vld [tilespmem:s8+$0xD1]  }
0x217: {  	[tilespmem:s10+$0xFFFFFED0] =	vst v7;
	v6 =	vld [tilespmem:s8+$0x152]  }
0x218: {  	v7 =	vld [tilespmem:s8+$0xFFFFFE5C];
	[tilespmem:s10+$0xFFFFFF50] =	vst v8  }
0x219: {  	v8 =	vld [tilespmem:s8+$0xFFFFFEDD];
	[tilespmem:s10+$0xFFFFFFD0] =	vst v9  }
0x21a: {  	v9 =	vld [tilespmem:s8+$0xFFFFFF5E];
	[tilespmem:s10+$0x50] =	vst v10  }
0x21b: {  	v10 =	vld [tilespmem:s8+$0xFFFFFFDF];
	[tilespmem:s10+$0xD0] =	vst v5  }
0x21c: {  	v11 =	vld [tilespmem:s8+$0x60];
	[tilespmem:s10+$0x150] =	vst v6  }
0x21d: {  	[tilespmem:s10+$0xFFFFFE60] =	vst v7;
	v7 =	vld [tilespmem:s8+$0xE1]  }
0x21e: {  	[tilespmem:s10+$0xFFFFFEE0] =	vst v8;
	v8 =	vld [tilespmem:s8+$0x162]  }
0x21f: {  	v12 =	vld [tilespmem:s8+$0xFFFFFE6C];
	[tilespmem:s10+$0xFFFFFF60] =	vst v9  }
0x220: {  	v9 =	vld [tilespmem:s8+$0xFFFFFEED];
	[tilespmem:s10+$0xFFFFFFE0] =	vst v10  }
.Ltmp5:
0x221: {  	v5 =	vld [tilespmem:s8+$0xFFFFFF6E];
	[tilespmem:s10+$0x60] =	vst v11;
	(pc) =	sbr.rel @p0 .LBB2_9-.Ltmp5, $4  }
0x222: {  	v6 =	vld [tilespmem:s8+$0xFFFFFFEF];
	[tilespmem:s10+$0xE0] =	vst v7  }
0x223: {  	v7 =	vld [tilespmem:s8+$0x70];
	[tilespmem:s10+$0x160] =	vst v8  }
0x224: {  	[tilespmem:s10+$0xFFFFFE70] =	vst v12;
	v8 =	vld [tilespmem:s8+$0xF1]  }
0x225: {  	[tilespmem:s10+$0xFFFFFEF0] =	vst v9;
	v9 =	vld [tilespmem:s8+$0x172];
	s8 =	sadd.s32 $0x408, s8  }
.LBB2_10:
0x226: {  	[tilespmem:s10+$0xFFFFFF70] =	vst v5  }
0x227: {  	s0 =	sshll.u32 s18, $0x12;
	[tilespmem:s10+$0xFFFFFFF0] =	vst v6  }
0x228: {  	s0 =	sor.u32 s5, s0;
	[tilespmem:s10+$0x70] =	vst v7  }
0x229: {  	s18 =	sor.u32 $0x2, s16;
	s0 =	sshrl.u32 s0, $0x3;
	[tilespmem:s10+$0xF0] =	vst v8  }
0x22a: {  	s8 =	simm.s32 $0xA200;
	p0 =	sgt.u32 s18, $0xC4;
	s0 =	sadd.s32 s3, s0;
	[tilespmem:s10+$0x170] =	vst v9  }
0x22b: {  	[hbm4b:s0+s25] =	stream.strided.scatter [tilespmem:s8], [sflag:$0xA], $0x2000, s26, s25, $0x38;
	[tilespmem:$0x15440] =	vst v63  }
0x22c: {  	s0 =	sadd.s32 @!p0 $0x5, s16  }
0x22d: {  	s8 =	sshll.u32 @!p0 s0, $0x7;
	s0 =	sshll.u32 @!p0 s0, $0xC  }
0x22e: {  	s8 =	sand.u32 @!p0 $0x280, s8;
	s0 =	sand.u32 @!p0 $0x1F8000, s0  }
0x22f: {  	s0 =	sor.u32 @!p0 s0, s8  }
0x230: {  	s0 =	sor.u32 @!p0 s5, s0  }
0x231: {  	s0 =	sshrl.u32 @!p0 s0, $0x3  }
0x232: {  	s9 =	simm.s32 @!p0 $0x80;
	s8 =	simm.s32 @!p0 $0x0;
	s0 =	sadd.s32 @!p0 s1, s0  }
0x233: {  	[tilespmem:s9], [sflag:$0x2] =	stream.linear.gather @!p0 [hbm4b:s0+s8], $0x80, $0x38;
	[tilespmem:$0x15440] =	vst v63  }
0x234: {  	s0 =	simm.s32 @!p0 $0x1  }
0x235: {  	_ =	swait.ge @!p0 [sflag:s0], $0x80  }
0x236: {  	[sflag:s0] =	ssyncset.done @!p0 $0x0  }
0x237: {  	[sflag:s0] =	ssyncadd.s32 @!p0 $0xFFFFFF80;
	s0 =	simm.s32 @!p0 $0x200  }
0x238: {  	[tilespmem:s0], [sflag:$0x5] =	stream.indirect.gather @!p0 [hbm4b:s6+s9], $0x40, s8, s9, $0xb8;
	[tilespmem:$0x15440] =	vst v63  }
0x239: {  	_ =	swait.ge [sflag:s2], $0x2000  }
0x23a: {  	[sflag:s2] =	ssyncset.done $0x0  }
0x23b: {  	[sflag:s2] =	ssyncadd.s32 $0xFFFFE000  }
0x23c: {  	_ =	swait.ge [sflag:s12], $0x2000  }
0x23d: {  	s30 =	sshll.u32 s18, $0x6;
	[sflag:s12] =	ssyncset.done $0x0  }
0x23e: {  	s0 =	sand.u32 $0x3FFFFFC0, s30;
	[sflag:s12] =	ssyncadd.s32 $0xFFFFE000  }
0x23f: {  	v8 =	vld [tilespmem:s0+$0x12240]  }
0x240: {  	v7 =	vld [tilespmem:s0+$0x12250]  }
0x241: {  	v6 =	vld [tilespmem:s0+$0x12260]  }
0x242: {  	v5 =	vld [tilespmem:s0+$0x12270];
	s0 =	simm.s32 $0x4300  }
0x243: {  	v9 =	vld [tilespmem:s0+$0xC0]  }
0x244: {  	s22 =	simm.s32 $0x7;
	v10 =	vld [tilespmem:s0+$0xFFFFFF40]  }
0x245: {  	s28 =	simm.s32 $0x1;
	v12 =	vadd.s32 s22, v0;
	v11 =	vld [tilespmem:s0+$0xFFFFFF80]  }
0x246: {  	s15 =	simm.s32 $0x2;
	v13 =	vadd.s32 s28, v0;
	v14 =	vld [tilespmem:s0+$0xFFFFFFC0]  }
0x247: {  	v15 =	vadd.s32 s15, v0;
	s8 =	simm.s32 $0x3;
	v16 =	vld [tilespmem:s0+$0x0]  }
0x248: {  	s11 =	simm.s32 $0x4;
	v17 =	vadd.s32 s8, v0;
	v18 =	vld [tilespmem:s0+$0x40];
	v9 =	vadd.f32 v9, v8  }
0x249: {  	s17 =	simm.s32 $0x5;
	v19 =	vadd.s32 s11, v0;
	s9 =	simm.s32 $0x0;
	v20 =	vld [tilespmem:s0+$0x80];
	v10 =	vadd.f32 v10, v8  }
0x24a: {  	v23 =	vadd.s32 s17, v0;
	s30 =	simm.s32 $0x6;
	v22 =	vadd.s32 s9, v0;
	v21 =	vld [tilespmem:s0+$0xFFFFFF00];
	v11 =	vadd.f32 v11, v8;
	[tilespmem:v12+s24+$0x0] =	vst.idx.msk $0xffff, v9  }
0x24b: {  	v9 =	vand.u32 $0xFF8, v22;
	[tilespmem:v13+s24+$0x0] =	vst.idx.msk $0xffff, v10;
	v10 =	vadd.f32 v14, v8;
	v12 =	vadd.s32 s30, v0;
	v13 =	vld [tilespmem:s0+$0xD0]  }
0x24c: {  	[tilespmem:v15+s24+$0x0] =	vst.idx.msk $0xffff, v11;
	v11 =	vadd.f32 v16, v8;
	v9 =	vor.u32 v1, v9;
	v14 =	vld [tilespmem:s0+$0xFFFFFF50]  }
0x24d: {  	v16 =	vadd.s32 s22, v2;
	v15 =	vld [tilespmem:s0+$0xFFFFFF90];
	[tilespmem:v17+s24+$0x0] =	vst.idx.msk $0xffff, v10;
	v10 =	vadd.f32 v18, v8  }
0x24e: {  	v17 =	vadd.s32 s28, v2;
	[tilespmem:v19+s24+$0x0] =	vst.idx.msk $0xffff, v11;
	v11 =	vadd.f32 v20, v8;
	v18 =	vld [tilespmem:s0+$0xFFFFFFD0]  }
0x24f: {  	v19 =	vadd.f32 v21, v8;
	v20 =	vadd.s32 s15, v2;
	v21 =	vld [tilespmem:s0+$0x10];
	[tilespmem:v23+s24+$0x0] =	vst.idx.msk $0xffff, v10  }
0x250: {  	v10 =	vadd.s32 s8, v2;
	v22 =	vld [tilespmem:s0+$0x50];
	[tilespmem:v12+s24+$0x0] =	vst.idx.msk $0xffff, v11;
	v11 =	vadd.f32 v13, v7  }
0x251: {  	v12 =	vadd.s32 s11, v2;
	[tilespmem:v9+s24+$0x0] =	vst.idx.msk $0xffff, v19;
	v9 =	vadd.f32 v14, v7;
	v13 =	vld [tilespmem:s0+$0x90]  }
0x252: {  	v23 =	vadd.s32 s17, v2;
	v19 =	vadd.s32 s9, v2;
	v15 =	vadd.f32 v15, v7;
	v14 =	vld [tilespmem:s0+$0xFFFFFF10];
	[tilespmem:v16+s24+$0x0] =	vst.idx.msk $0xffff, v11  }
0x253: {  	v11 =	vand.u32 $0x1FF8, v19;
	[tilespmem:v17+s24+$0x0] =	vst.idx.msk $0xffff, v9;
	v9 =	vadd.f32 v18, v7;
	v16 =	vadd.s32 s30, v2;
	v17 =	vld [tilespmem:s0+$0xE0]  }
0x254: {  	[tilespmem:v20+s24+$0x0] =	vst.idx.msk $0xffff, v15;
	v15 =	vadd.f32 v21, v7;
	v11 =	vor.u32 v1, v11;
	v18 =	vld [tilespmem:s0+$0xFFFFFF60]  }
0x255: {  	v19 =	vld [tilespmem:s0+$0xFFFFFFA0];
	[tilespmem:v10+s24+$0x0] =	vst.idx.msk $0xffff, v9;
	v9 =	vadd.f32 v22, v7;
	v10 =	vadd.s32 s22, v3  }
0x256: {  	v20 =	vadd.s32 s28, v3;
	[tilespmem:v12+s24+$0x0] =	vst.idx.msk $0xffff, v15;
	v21 =	vld [tilespmem:s0+$0xFFFFFFE0];
	v12 =	vadd.f32 v13, v7  }
0x257: {  	v15 =	vld [tilespmem:s0+$0x20];
	v13 =	vadd.f32 v14, v7;
	v14 =	vadd.s32 s15, v3;
	[tilespmem:v23+s24+$0x0] =	vst.idx.msk $0xffff, v9  }
0x258: {  	v9 =	vadd.s32 s8, v3;
	v22 =	vld [tilespmem:s0+$0x60];
	[tilespmem:v16+s24+$0x0] =	vst.idx.msk $0xffff, v12;
	v12 =	vadd.f32 v17, v6  }
0x259: {  	[tilespmem:v11+s24+$0x0] =	vst.idx.msk $0xffff, v13;
	v11 =	vadd.f32 v18, v6;
	v13 =	vadd.s32 s11, v3;
	v16 =	vld [tilespmem:s0+$0xA0]  }
0x25a: {  	v23 =	vadd.s32 s17, v3;
	v18 =	vadd.s32 s9, v3;
	v19 =	vadd.f32 v19, v6;
	v17 =	vld [tilespmem:s0+$0xFFFFFF20];
	[tilespmem:v10+s24+$0x0] =	vst.idx.msk $0xffff, v12  }
0x25b: {  	v10 =	vand.u32 $0x1FF8, v18;
	[tilespmem:v20+s24+$0x0] =	vst.idx.msk $0xffff, v11;
	v11 =	vadd.f32 v21, v6;
	v12 =	vadd.s32 s30, v3;
	v18 =	vld [tilespmem:s0+$0xF0]  }
0x25c: {  	v20 =	vor.u32 v1, v10;
	v21 =	vld [tilespmem:s0+$0xFFFFFF70];
	[tilespmem:v14+s24+$0x0] =	vst.idx.msk $0xffff, v19;
	v10 =	vadd.f32 v15, v6  }
0x25d: {  	v19 =	vld [tilespmem:s0+$0xFFFFFFB0];
	[tilespmem:v9+s24+$0x0] =	vst.idx.msk $0xffff, v11;
	v9 =	vadd.f32 v22, v6;
	v11 =	vadd.s32 s22, v4  }
0x25e: {  	v22 =	vadd.s32 s28, v4;
	v24 =	vld [tilespmem:s0+$0xFFFFFFF0];
	[tilespmem:v13+s24+$0x0] =	vst.idx.msk $0xffff, v10;
	v13 =	vadd.f32 v16, v6  }
0x25f: {  	v14 =	vadd.f32 v17, v6;
	v15 =	vld [tilespmem:s0+$0x30];
	[tilespmem:v23+s24+$0x0] =	vst.idx.msk $0xffff, v9;
	v17 =	vadd.s32 s15, v4  }
0x260: {  	v16 =	vadd.s32 s8, v4;
	v10 =	vld [tilespmem:s0+$0x70];
	[tilespmem:v12+s24+$0x0] =	vst.idx.msk $0xffff, v13;
	v18 =	vadd.f32 v18, v5  }
0x261: {  	v13 =	vadd.s32 s11, v4;
	[tilespmem:v20+s24+$0x0] =	vst.idx.msk $0xffff, v14;
	v20 =	vadd.f32 v21, v5;
	v14 =	vld [tilespmem:s0+$0xB0]  }
0x262: {  	s10 =	simm.s32 $0x4500;
	v12 =	vadd.s32 s17, v4;
	v21 =	vadd.s32 s9, v4;
	v9 =	vld [tilespmem:s0+$0xFFFFFF30];
	v19 =	vadd.f32 v19, v5;
	[tilespmem:v11+s24+$0x0] =	vst.idx.msk $0xffff, v18  }
0x263: {  	s8 =	simm.s32 $0x10;
	s11 =	simm.s32 $0x8;
	v21 =	vand.u32 $0x3FF8, v21;
	v11 =	vld [tilespmem:s10+$0xC0];
	[tilespmem:v22+s24+$0x0] =	vst.idx.msk $0xffff, v20;
	v20 =	vadd.f32 v24, v5;
	v18 =	vadd.s32 s30, v4  }
.LBB2_11:
0x264: {  	p0 =	slt.u32 s8, $0x78;
	v22 =	vld [tilespmem:s10+$0xFFFFFF40];
	s22 =	sadd.s32 $0x7, s11;
	v21 =	vor.u32 v1, v21;
	[tilespmem:v17+s24+$0x0] =	vst.idx.msk $0xffff, v19;
	v15 =	vadd.f32 v15, v5  }
0x265: {  	s28 =	sadd.s32 $0x1, s11;
	v17 =	vld [tilespmem:s10+$0xFFFFFF80];
	v19 =	vadd.s32 s22, v0;
	[tilespmem:v16+s24+$0x0] =	vst.idx.msk $0xffff, v20;
	v10 =	vadd.f32 v10, v5  }
0x266: {  	s30 =	sadd.s32 $0x2, s11;
	v16 =	vadd.s32 s28, v0;
	v20 =	vld [tilespmem:s10+$0xFFFFFFC0];
	[tilespmem:v13+s24+$0x0] =	vst.idx.msk $0xffff, v15;
	v13 =	vadd.f32 v14, v5  }
0x267: {  	s9 =	sadd.s32 $0x3, s11;
	v14 =	vadd.s32 s30, v0;
	v15 =	vld [tilespmem:s10+$0x0];
	v9 =	vadd.f32 v9, v5;
	[tilespmem:v12+s24+$0x0] =	vst.idx.msk $0xffff, v10  }
0x268: {  	s0 =	sadd.s32 $0x4, s11;
	v10 =	vadd.s32 s9, v0;
	v12 =	vld [tilespmem:s10+$0x40];
	v11 =	vadd.f32 v11, v8;
	[tilespmem:v18+s24+$0x0] =	vst.idx.msk $0xffff, v13  }
0x269: {  	s15 =	sadd.s32 $0x5, s11;
	v18 =	vadd.s32 s0, v0;
	v13 =	vadd.f32 v22, v8;
	v22 =	vld [tilespmem:s10+$0x80];
	[tilespmem:v21+s24+$0x0] =	vst.idx.msk $0xffff, v9  }
0x26a: {  	s17 =	sadd.s32 $0x6, s11;
	v23 =	vadd.s32 s15, v0;
	v21 =	vadd.s32 s11, v0;
	v9 =	vld [tilespmem:s10+$0xFFFFFF00];
	v17 =	vadd.f32 v17, v8;
	[tilespmem:v19+s24+$0x0] =	vst.idx.msk $0xffff, v11  }
0x26b: {  	v11 =	vand.u32 $0xFF8, v21;
	[tilespmem:v16+s24+$0x0] =	vst.idx.msk $0xffff, v13;
	v13 =	vadd.f32 v20, v8;
	v16 =	vadd.s32 s17, v0;
	v19 =	vld [tilespmem:s10+$0xD0]  }
0x26c: {  	v11 =	vor.u32 v1, v11;
	v20 =	vld [tilespmem:s10+$0xFFFFFF50];
	[tilespmem:v14+s24+$0x0] =	vst.idx.msk $0xffff, v17;
	v14 =	vadd.f32 v15, v8  }
0x26d: {  	v15 =	vld [tilespmem:s10+$0xFFFFFF90];
	[tilespmem:v10+s24+$0x0] =	vst.idx.msk $0xffff, v13;
	v10 =	vadd.f32 v12, v8;
	v12 =	vadd.s32 s22, v2  }
0x26e: {  	v13 =	vadd.s32 s28, v2;
	v17 =	vld [tilespmem:s10+$0xFFFFFFD0];
	[tilespmem:v18+s24+$0x0] =	vst.idx.msk $0xffff, v14;
	v14 =	vadd.f32 v22, v8  }
0x26f: {  	v18 =	vadd.s32 s30, v2;
	v9 =	vadd.f32 v9, v8;
	v21 =	vld [tilespmem:s10+$0x10];
	[tilespmem:v23+s24+$0x0] =	vst.idx.msk $0xffff, v10  }
0x270: {  	v10 =	vadd.s32 s9, v2;
	v22 =	vld [tilespmem:s10+$0x50];
	[tilespmem:v16+s24+$0x0] =	vst.idx.msk $0xffff, v14;
	v14 =	vadd.f32 v19, v7  }
0x271: {  	[tilespmem:v11+s24+$0x0] =	vst.idx.msk $0xffff, v9;
	v9 =	vadd.f32 v20, v7;
	v11 =	vadd.s32 s0, v2;
	v16 =	vld [tilespmem:s10+$0x90]  }
0x272: {  	v23 =	vadd.s32 s15, v2;
	v20 =	vadd.s32 s11, v2;
	v19 =	vld [tilespmem:s10+$0xFFFFFF10];
	v15 =	vadd.f32 v15, v7;
	[tilespmem:v12+s24+$0x0] =	vst.idx.msk $0xffff, v14  }
0x273: {  	v12 =	vand.u32 $0x1FF8, v20;
	[tilespmem:v13+s24+$0x0] =	vst.idx.msk $0xffff, v9;
	v9 =	vadd.f32 v17, v7;
	v13 =	vadd.s32 s17, v2;
	v14 =	vld [tilespmem:s10+$0xE0]  }
0x274: {  	v12 =	vor.u32 v1, v12;
	v17 =	vld [tilespmem:s10+$0xFFFFFF60];
	[tilespmem:v18+s24+$0x0] =	vst.idx.msk $0xffff, v15;
	v15 =	vadd.f32 v21, v7  }
0x275: {  	v18 =	vld [tilespmem:s10+$0xFFFFFFA0];
	[tilespmem:v10+s24+$0x0] =	vst.idx.msk $0xffff, v9;
	v9 =	vadd.f32 v22, v7;
	v10 =	vadd.s32 s22, v3  }
0x276: {  	v20 =	vadd.s32 s28, v3;
	v21 =	vld [tilespmem:s10+$0xFFFFFFE0];
	[tilespmem:v11+s24+$0x0] =	vst.idx.msk $0xffff, v15;
	v11 =	vadd.f32 v16, v7  }
0x277: {  	v16 =	vadd.s32 s30, v3;
	v15 =	vadd.f32 v19, v7;
	v19 =	vld [tilespmem:s10+$0x20];
	[tilespmem:v23+s24+$0x0] =	vst.idx.msk $0xffff, v9  }
0x278: {  	v9 =	vadd.s32 s9, v3;
	v22 =	vld [tilespmem:s10+$0x60];
	[tilespmem:v13+s24+$0x0] =	vst.idx.msk $0xffff, v11;
	v11 =	vadd.f32 v14, v6  }
0x279: {  	v13 =	vadd.s32 s0, v3;
	[tilespmem:v12+s24+$0x0] =	vst.idx.msk $0xffff, v15;
	v12 =	vadd.f32 v17, v6;
	v14 =	vld [tilespmem:s10+$0xA0]  }
0x27a: {  	v23 =	vadd.s32 s15, v3;
	v17 =	vadd.s32 s11, v3;
	v15 =	vld [tilespmem:s10+$0xFFFFFF20];
	v18 =	vadd.f32 v18, v6;
	[tilespmem:v10+s24+$0x0] =	vst.idx.msk $0xffff, v11  }
0x27b: {  	v10 =	vand.u32 $0x1FF8, v17;
	[tilespmem:v20+s24+$0x0] =	vst.idx.msk $0xffff, v12;
	v11 =	vadd.f32 v21, v6;
	v12 =	vadd.s32 s17, v3;
	v20 =	vld [tilespmem:s10+$0xF0]  }
0x27c: {  	v21 =	vor.u32 v1, v10;
	v24 =	vld [tilespmem:s10+$0xFFFFFF70];
	[tilespmem:v16+s24+$0x0] =	vst.idx.msk $0xffff, v18;
	v10 =	vadd.f32 v19, v6  }
0x27d: {  	v18 =	vld [tilespmem:s10+$0xFFFFFFB0];
	[tilespmem:v9+s24+$0x0] =	vst.idx.msk $0xffff, v11;
	v9 =	vadd.f32 v22, v6;
	v11 =	vadd.s32 s22, v4  }
0x27e: {  	v22 =	vadd.s32 s28, v4;
	v25 =	vld [tilespmem:s10+$0xFFFFFFF0];
	[tilespmem:v13+s24+$0x0] =	vst.idx.msk $0xffff, v10;
	v13 =	vadd.f32 v14, v6  }
.Ltmp6:
0x27f: {  	v17 =	vadd.s32 s30, v4;
	v14 =	vadd.f32 v15, v6;
	v15 =	vld [tilespmem:s10+$0x30];
	[tilespmem:v23+s24+$0x0] =	vst.idx.msk $0xffff, v9;
	(pc) =	sbr.rel @p0 .LBB2_11-.Ltmp6, $4  }
0x280: {  	v16 =	vadd.s32 s9, v4;
	v10 =	vld [tilespmem:s10+$0x70];
	[tilespmem:v12+s24+$0x0] =	vst.idx.msk $0xffff, v13;
	v20 =	vadd.f32 v20, v5  }
0x281: {  	v13 =	vadd.s32 s0, v4;
	[tilespmem:v21+s24+$0x0] =	vst.idx.msk $0xffff, v14;
	v23 =	vadd.f32 v24, v5;
	v14 =	vld [tilespmem:s10+$0xB0]  }
0x282: {  	v12 =	vadd.s32 s15, v4;
	v21 =	vadd.s32 s11, v4;
	v9 =	vld [tilespmem:s10+$0xFFFFFF30];
	v19 =	vadd.f32 v18, v5;
	[tilespmem:v11+s24+$0x0] =	vst.idx.msk $0xffff, v20;
	s10 =	sadd.s32 $0x200, s10  }
0x283: {  	s11 =	smov.u32 s8;
	s8 =	sadd.s32 $0x8, s8;
	v21 =	vand.u32 $0x3FF8, v21;
	v18 =	vadd.s32 s17, v4;
	v11 =	vld [tilespmem:s10+$0xC0];
	[tilespmem:v22+s24+$0x0] =	vst.idx.msk $0xffff, v23;
	v20 =	vadd.f32 v25, v5  }
0x284: {  	_ =	sdelay $0x3  }
0x285: {  	v22 =	vld [tilespmem:s10+$0xFFFFFF40];
	s0 =	sadd.s32 $0x7, s11;
	v21 =	vor.u32 v1, v21;
	[tilespmem:v17+s24+$0x0] =	vst.idx.msk $0xffff, v19;
	v15 =	vadd.f32 v15, v5  }
0x286: {  	s8 =	sadd.s32 $0x1, s11;
	v57 =	vld [tilespmem:s10+$0xFFFFFF80];
	v58 =	vadd.s32 s0, v0;
	[tilespmem:v16+s24+$0x0] =	vst.idx.msk $0xffff, v20;
	v10 =	vadd.f32 v10, v5  }
0x287: {  	s9 =	sadd.s32 $0x2, s11;
	v60 =	vld [tilespmem:s10+$0xFFFFFFC0];
	v59 =	vadd.s32 s8, v0;
	[tilespmem:v13+s24+$0x0] =	vst.idx.msk $0xffff, v15;
	v61 =	vadd.f32 v14, v5  }
0x288: {  	s17 =	sadd.s32 $0x3, s11;
	v63 =	vld [tilespmem:s10+$0x0];
	v62 =	vadd.s32 s9, v0;
	v9 =	vadd.f32 v9, v5;
	[tilespmem:v12+s24+$0x0] =	vst.idx.msk $0xffff, v10  }
0x289: {  	s15 =	sadd.s32 $0x4, s11;
	v24 =	vld [tilespmem:s10+$0x40];
	v10 =	vadd.s32 s17, v0;
	v11 =	vadd.f32 v11, v8;
	[tilespmem:v18+s24+$0x0] =	vst.idx.msk $0xffff, v61  }
0x28a: {  	s22 =	sadd.s32 $0x5, s11;
	v27 =	vld [tilespmem:s10+$0x80];
	v26 =	vadd.s32 s15, v0;
	v25 =	vadd.f32 v22, v8;
	[tilespmem:v21+s24+$0x0] =	vst.idx.msk $0xffff, v9  }
0x28b: {  	v28 =	vadd.s32 s11, v0;
	s28 =	sadd.s32 $0x6, s11;
	v23 =	vadd.s32 s22, v0;
	v9 =	vld [tilespmem:s10+$0xFFFFFF00];
	v17 =	vadd.f32 v57, v8;
	[tilespmem:v58+s24+$0x0] =	vst.idx.msk $0xffff, v11  }
0x28c: {  	v30 =	vadd.s32 s28, v0;
	v29 =	vadd.f32 v60, v8;
	v11 =	vand.u32 $0xFF8, v28;
	[tilespmem:v59+s24+$0x0] =	vst.idx.msk $0xffff, v25;
	v19 =	vld [tilespmem:s10+$0xD0]  }
0x28d: {  	v32 =	vadd.f32 v63, v8;
	v11 =	vor.u32 v1, v11;
	[tilespmem:v62+s24+$0x0] =	vst.idx.msk $0xffff, v17;
	v31 =	vld [tilespmem:s10+$0xFFFFFF50]  }
0x28e: {  	v34 =	vadd.s32 s0, v2;
	v33 =	vld [tilespmem:s10+$0xFFFFFF90];
	[tilespmem:v10+s24+$0x0] =	vst.idx.msk $0xffff, v29;
	v10 =	vadd.f32 v24, v8  }
0x28f: {  	v35 =	vadd.s32 s8, v2;
	v37 =	vadd.f32 v27, v8;
	[tilespmem:v26+s24+$0x0] =	vst.idx.msk $0xffff, v32;
	v36 =	vld [tilespmem:s10+$0xFFFFFFD0]  }
0x290: {  	v18 =	vld [tilespmem:s10+$0x10];
	v8 =	vadd.f32 v9, v8;
	v9 =	vadd.s32 s9, v2;
	[tilespmem:v23+s24+$0x0] =	vst.idx.msk $0xffff, v10  }
0x291: {  	[tilespmem:v30+s24+$0x0] =	vst.idx.msk $0xffff, v37;
	v10 =	vadd.s32 s17, v2;
	v38 =	vld [tilespmem:s10+$0x50];
	v39 =	vadd.f32 v19, v7  }
0x292: {  	v16 =	vld [tilespmem:s10+$0x90];
	[tilespmem:v11+s24+$0x0] =	vst.idx.msk $0xffff, v8;
	v11 =	vadd.s32 s15, v2;
	v8 =	vadd.f32 v31, v7  }
0x293: {  	v41 =	vadd.s32 s11, v2;
	v42 =	vadd.s32 s22, v2;
	v40 =	vld [tilespmem:s10+$0xFFFFFF10];
	v15 =	vadd.f32 v33, v7;
	[tilespmem:v34+s24+$0x0] =	vst.idx.msk $0xffff, v39  }
0x294: {  	v43 =	vand.u32 $0x1FF8, v41;
	v44 =	vadd.s32 s28, v2;
	[tilespmem:v35+s24+$0x0] =	vst.idx.msk $0xffff, v8;
	v8 =	vadd.f32 v36, v7;
	v14 =	vld [tilespmem:s10+$0xE0]  }
0x295: {  	v12 =	vor.u32 v1, v43;
	[tilespmem:v9+s24+$0x0] =	vst.idx.msk $0xffff, v15;
	v9 =	vadd.f32 v18, v7;
	v45 =	vld [tilespmem:s10+$0xFFFFFF60]  }
0x296: {  	v15 =	vld [tilespmem:s10+$0xFFFFFFA0];
	[tilespmem:v10+s24+$0x0] =	vst.idx.msk $0xffff, v8;
	v8 =	vadd.f32 v38, v7;
	v10 =	vadd.s32 s0, v3  }
0x297: {  	v46 =	vadd.s32 s8, v3;
	[tilespmem:v11+s24+$0x0] =	vst.idx.msk $0xffff, v9;
	v9 =	vadd.f32 v16, v7;
	v47 =	vld [tilespmem:s10+$0xFFFFFFE0]  }
0x298: {  	v11 =	vadd.s32 s9, v3;
	v7 =	vadd.f32 v40, v7;
	v48 =	vld [tilespmem:s10+$0x20];
	[tilespmem:v42+s24+$0x0] =	vst.idx.msk $0xffff, v8  }
0x299: {  	v8 =	vadd.s32 s17, v3;
	[tilespmem:v44+s24+$0x0] =	vst.idx.msk $0xffff, v9;
	v49 =	vld [tilespmem:s10+$0x60];
	v9 =	vadd.f32 v14, v6  }
0x29a: {  	v50 =	vadd.s32 s15, v3;
	[tilespmem:v12+s24+$0x0] =	vst.idx.msk $0xffff, v7;
	v13 =	vld [tilespmem:s10+$0xA0];
	v7 =	vadd.f32 v45, v6  }
0x29b: {  	v52 =	vadd.s32 s11, v3;
	v53 =	vadd.s32 s22, v3;
	v51 =	vld [tilespmem:s10+$0xFFFFFF20];
	v15 =	vadd.f32 v15, v6;
	[tilespmem:v10+s24+$0x0] =	vst.idx.msk $0xffff, v9  }
0x29c: {  	v9 =	vand.u32 $0x1FF8, v52;
	v10 =	vadd.s32 s28, v3;
	[tilespmem:v46+s24+$0x0] =	vst.idx.msk $0xffff, v7;
	v7 =	vadd.f32 v47, v6;
	v54 =	vld [tilespmem:s10+$0xF0]  }
0x29d: {  	v9 =	vor.u32 v1, v9;
	[tilespmem:v11+s24+$0x0] =	vst.idx.msk $0xffff, v15;
	v11 =	vadd.f32 v48, v6;
	v18 =	vld [tilespmem:s10+$0xFFFFFF70]  }
0x29e: {  	v15 =	vld [tilespmem:s10+$0xFFFFFFB0];
	[tilespmem:v8+s24+$0x0] =	vst.idx.msk $0xffff, v7;
	v7 =	vadd.f32 v49, v6;
	v8 =	vadd.s32 s0, v4  }
0x29f: {  	v55 =	vadd.s32 s8, v4;
	[tilespmem:v50+s24+$0x0] =	vst.idx.msk $0xffff, v11;
	v11 =	vadd.f32 v13, v6;
	v56 =	vld [tilespmem:s10+$0xFFFFFFF0]  }
0x2a0: {  	v57 =	vadd.s32 s9, v4;
	v6 =	vadd.f32 v51, v6;
	v58 =	vld [tilespmem:s10+$0x30];
	[tilespmem:v53+s24+$0x0] =	vst.idx.msk $0xffff, v7  }
0x2a1: {  	v7 =	vadd.s32 s17, v4;
	[tilespmem:v10+s24+$0x0] =	vst.idx.msk $0xffff, v11;
	v59 =	vld [tilespmem:s10+$0x70];
	v10 =	vadd.f32 v54, v5  }
0x2a2: {  	[tilespmem:v9+s24+$0x0] =	vst.idx.msk $0xffff, v6;
	v9 =	vadd.s32 s15, v4;
	v11 =	vld [tilespmem:s10+$0xB0];
	v6 =	vadd.f32 v18, v5  }
0x2a3: {  	v61 =	vadd.s32 s11, v4;
	v62 =	vadd.s32 s22, v4;
	v60 =	vld [tilespmem:s10+$0xFFFFFF30];
	v15 =	vadd.f32 v15, v5;
	[tilespmem:v8+s24+$0x0] =	vst.idx.msk $0xffff, v10  }
0x2a4: {  	v8 =	vand.u32 $0x3FF8, v61;
	v10 =	vadd.s32 s28, v4;
	[tilespmem:v55+s24+$0x0] =	vst.idx.msk $0xffff, v6;
	v6 =	vadd.f32 v56, v5  }
0x2a5: {  	v8 =	vor.u32 v1, v8;
	[tilespmem:v57+s24+$0x0] =	vst.idx.msk $0xffff, v15;
	v63 =	vadd.f32 v58, v5  }
0x2a6: {  	[tilespmem:v7+s24+$0x0] =	vst.idx.msk $0xffff, v6;
	v6 =	vadd.f32 v59, v5  }
0x2a7: {  	[tilespmem:v9+s24+$0x0] =	vst.idx.msk $0xffff, v63;
	v7 =	vadd.f32 v11, v5  }
0x2a8: {  	v5 =	vadd.f32 v60, v5;
	[tilespmem:v62+s24+$0x0] =	vst.idx.msk $0xffff, v6  }
0x2a9: {  	[tilespmem:v10+s24+$0x0] =	vst.idx.msk $0xffff, v7  }
0x2aa: {  	s30 =	simm.s32 $0x10404;
	[tilespmem:v8+s24+$0x0] =	vst.idx.msk $0xffff, v5  }
0x2ab: {  	v5 =	vld [tilespmem:s30+$0x183]  }
0x2ac: {  	v6 =	vld [tilespmem:s30+$0xFFFFFE7D]  }
0x2ad: {  	v7 =	vld [tilespmem:s30+$0xFFFFFEFE]  }
0x2ae: {  	v8 =	vld [tilespmem:s30+$0xFFFFFF7F]  }
0x2af: {  	s10 =	simm.s32 $0xC400;
	v9 =	vld [tilespmem:s30+$0x0]  }
0x2b0: {  	v10 =	vld [tilespmem:s30+$0x81];
	[tilespmem:s10+$0x180] =	vst v5  }
0x2b1: {  	[tilespmem:s10+$0xFFFFFE80] =	vst v6;
	v6 =	vld [tilespmem:s30+$0x102]  }
0x2b2: {  	[tilespmem:s10+$0xFFFFFF00] =	vst v7;
	v7 =	vld [tilespmem:s30+$0xFFFFFDFC]  }
0x2b3: {  	[tilespmem:s10+$0xFFFFFF80] =	vst v8;
	v5 =	vld [tilespmem:s30+$0x193]  }
0x2b4: {  	[tilespmem:s10+$0x0] =	vst v9;
	v8 =	vld [tilespmem:s30+$0xFFFFFE8D]  }
0x2b5: {  	[tilespmem:s10+$0x80] =	vst v10;
	v9 =	vld [tilespmem:s30+$0xFFFFFF0E]  }
0x2b6: {  	v10 =	vld [tilespmem:s30+$0xFFFFFF8F];
	[tilespmem:s10+$0x100] =	vst v6  }
0x2b7: {  	[tilespmem:s10+$0xFFFFFE00] =	vst v7;
	v6 =	vld [tilespmem:s30+$0x10]  }
0x2b8: {  	[tilespmem:s10+$0x190] =	vst v5;
	v7 =	vld [tilespmem:s30+$0xFFFFFE0C]  }
0x2b9: {  	[tilespmem:s10+$0xFFFFFE90] =	vst v8;
	v8 =	vld [tilespmem:s30+$0x91]  }
0x2ba: {  	[tilespmem:s10+$0xFFFFFF10] =	vst v9;
	v5 =	vld [tilespmem:s30+$0x1A3]  }
0x2bb: {  	[tilespmem:s10+$0xFFFFFF90] =	vst v10;
	v9 =	vld [tilespmem:s30+$0x112]  }
0x2bc: {  	v10 =	vld [tilespmem:s30+$0xFFFFFE9D];
	[tilespmem:s10+$0x10] =	vst v6  }
0x2bd: {  	v6 =	vld [tilespmem:s30+$0xFFFFFF1E];
	[tilespmem:s10+$0xFFFFFE10] =	vst v7  }
0x2be: {  	[tilespmem:s10+$0x90] =	vst v8;
	v8 =	vld [tilespmem:s30+$0xFFFFFF9F]  }
0x2bf: {  	[tilespmem:s10+$0x1A0] =	vst v5;
	v7 =	vld [tilespmem:s30+$0xFFFFFE1C]  }
0x2c0: {  	[tilespmem:s10+$0x110] =	vst v9;
	v5 =	vld [tilespmem:s30+$0x1B3]  }
0x2c1: {  	v9 =	vld [tilespmem:s30+$0x20];
	[tilespmem:s10+$0xFFFFFEA0] =	vst v10  }
0x2c2: {  	v10 =	vld [tilespmem:s30+$0xA1];
	[tilespmem:s10+$0xFFFFFF20] =	vst v6  }
0x2c3: {  	v6 =	vld [tilespmem:s30+$0x122];
	[tilespmem:s10+$0xFFFFFFA0] =	vst v8  }
0x2c4: {  	v8 =	vld [tilespmem:s30+$0xFFFFFEAD];
	[tilespmem:s10+$0xFFFFFE20] =	vst v7  }
0x2c5: {  	[tilespmem:s10+$0x1B0] =	vst v5;
	v7 =	vld [tilespmem:s30+$0xFFFFFE2C]  }
0x2c6: {  	[tilespmem:s10+$0x20] =	vst v9;
	v5 =	vld [tilespmem:s30+$0x1C3]  }
0x2c7: {  	v9 =	vld [tilespmem:s30+$0xFFFFFF2E];
	[tilespmem:s10+$0xA0] =	vst v10  }
0x2c8: {  	v10 =	vld [tilespmem:s30+$0xFFFFFFAF];
	[tilespmem:s10+$0x120] =	vst v6  }
0x2c9: {  	v6 =	vld [tilespmem:s30+$0x30];
	[tilespmem:s10+$0xFFFFFEB0] =	vst v8  }
0x2ca: {  	v8 =	vld [tilespmem:s30+$0x132];
	[tilespmem:s10+$0xFFFFFE30] =	vst v7  }
0x2cb: {  	v7 =	vld [tilespmem:s30+$0xB1];
	[tilespmem:s10+$0x1C0] =	vst v5  }
0x2cc: {  	[tilespmem:s10+$0xFFFFFF30] =	vst v9;
	v5 =	vld [tilespmem:s30+$0x1D3]  }
0x2cd: {  	[tilespmem:s10+$0xFFFFFFB0] =	vst v10;
	v10 =	vld [tilespmem:s30+$0xFFFFFEBD]  }
0x2ce: {  	v9 =	vld [tilespmem:s30+$0xFFFFFE3C];
	[tilespmem:s10+$0x30] =	vst v6  }
0x2cf: {  	v6 =	vld [tilespmem:s30+$0xFFFFFF3E];
	[tilespmem:s10+$0x130] =	vst v8  }
0x2d0: {  	v8 =	vld [tilespmem:s30+$0x40];
	[tilespmem:s10+$0xB0] =	vst v7  }
0x2d1: {  	v7 =	vld [tilespmem:s30+$0xFFFFFFBF];
	[tilespmem:s10+$0x1D0] =	vst v5  }
0x2d2: {  	[tilespmem:s10+$0xFFFFFEC0] =	vst v10;
	v5 =	vld [tilespmem:s30+$0x1E3]  }
0x2d3: {  	v10 =	vld [tilespmem:s30+$0x142];
	[tilespmem:s10+$0xFFFFFE40] =	vst v9  }
0x2d4: {  	v9 =	vld [tilespmem:s30+$0xC1];
	[tilespmem:s10+$0xFFFFFF40] =	vst v6  }
0x2d5: {  	v6 =	vld [tilespmem:s30+$0xFFFFFE4C];
	[tilespmem:s10+$0x40] =	vst v8  }
0x2d6: {  	[tilespmem:s10+$0xFFFFFFC0] =	vst v7;
	v7 =	vld [tilespmem:s30+$0xFFFFFECD]  }
0x2d7: {  	v8 =	vld [tilespmem:s30+$0xFFFFFF4E];
	[tilespmem:s10+$0x1E0] =	vst v5  }
0x2d8: {  	[tilespmem:s10+$0x140] =	vst v10;
	v5 =	vld [tilespmem:s30+$0x1F3]  }
0x2d9: {  	v10 =	vld [tilespmem:s30+$0x50];
	[tilespmem:s10+$0xC0] =	vst v9  }
0x2da: {  	v9 =	vld [tilespmem:s30+$0xFFFFFFCF];
	[tilespmem:s10+$0xFFFFFE50] =	vst v6  }
0x2db: {  	v6 =	vld [tilespmem:s30+$0x152];
	[tilespmem:s10+$0xFFFFFED0] =	vst v7  }
0x2dc: {  	[tilespmem:s10+$0xFFFFFF50] =	vst v8;
	v8 =	vld [tilespmem:s30+$0xFFFFFEDD]  }
0x2dd: {  	[tilespmem:s10+$0x1F0] =	vst v5;
	v5 =	vld [tilespmem:s30+$0xD1]  }
0x2de: {  	[tilespmem:s10+$0x50] =	vst v10;
	v7 =	vld [tilespmem:s30+$0xFFFFFE5C]  }
0x2df: {  	v11 =	vld [tilespmem:s30+$0x60];
	[tilespmem:s10+$0xFFFFFFD0] =	vst v9  }
0x2e0: {  	v9 =	vld [tilespmem:s30+$0xFFFFFF5E];
	[tilespmem:s10+$0x150] =	vst v6  }
0x2e1: {  	v10 =	vld [tilespmem:s30+$0xFFFFFFDF];
	[tilespmem:s10+$0xFFFFFEE0] =	vst v8  }
0x2e2: {  	v8 =	vld [tilespmem:s30+$0x162];
	[tilespmem:s10+$0xD0] =	vst v5  }
0x2e3: {  	[tilespmem:s10+$0xFFFFFE60] =	vst v7;
	v7 =	vld [tilespmem:s30+$0xE1]  }
0x2e4: {  	[tilespmem:s10+$0x60] =	vst v11;
	v12 =	vld [tilespmem:s30+$0xFFFFFE6C]  }
0x2e5: {  	p0 =	por $0x1, $0x1;
	[tilespmem:s10+$0xFFFFFF60] =	vst v9;
	v9 =	vld [tilespmem:s30+$0xFFFFFEED]  }
.Ltmp7:
0x2e6: {  	[tilespmem:s10+$0xFFFFFFE0] =	vst v10;
	v5 =	vld [tilespmem:s30+$0xFFFFFF6E];
	(pc) =	sbr.rel @!p0 .LBB2_14-.Ltmp7, $4  }
0x2e7: {  	v6 =	vld [tilespmem:s30+$0xFFFFFFEF];
	[tilespmem:s10+$0x160] =	vst v8  }
0x2e8: {  	[tilespmem:s10+$0xE0] =	vst v7;
	v7 =	vld [tilespmem:s30+$0x70]  }
0x2e9: {  	[tilespmem:s10+$0xFFFFFE70] =	vst v12;
	v8 =	vld [tilespmem:s30+$0xF1]  }
0x2ea: {  	s8 =	simm.s32 $0x1080C;
	s11 =	simm.s32 $0x0;
	[tilespmem:s10+$0xFFFFFEF0] =	vst v9;
	v9 =	vld [tilespmem:s30+$0x172]  }
.LBB2_13:
0x2eb: {  	v10 =	vld [tilespmem:s8+$0x183];
	s11 =	sadd.s32 $0x8, s11;
	[tilespmem:s10+$0xFFFFFF70] =	vst v5  }
0x2ec: {  	v5 =	vld [tilespmem:s8+$0xFFFFFE7D];
	p0 =	slt.u32 s11, $0x38;
	[tilespmem:s10+$0xFFFFFFF0] =	vst v6  }
0x2ed: {  	v6 =	vld [tilespmem:s8+$0xFFFFFEFE];
	[tilespmem:s10+$0x70] =	vst v7  }
0x2ee: {  	v7 =	vld [tilespmem:s8+$0xFFFFFF7F];
	[tilespmem:s10+$0xF0] =	vst v8  }
0x2ef: {  	v8 =	vld [tilespmem:s8+$0x0];
	[tilespmem:s10+$0x170] =	vst v9;
	s10 =	sadd.s32 $0x400, s10  }
0x2f0: {  	v9 =	vld [tilespmem:s8+$0x81];
	[tilespmem:s10+$0x180] =	vst v10  }
0x2f1: {  	[tilespmem:s10+$0xFFFFFE80] =	vst v5;
	v5 =	vld [tilespmem:s8+$0x193]  }
0x2f2: {  	[tilespmem:s10+$0xFFFFFF00] =	vst v6;
	v6 =	vld [tilespmem:s8+$0x102]  }
0x2f3: {  	v10 =	vld [tilespmem:s8+$0xFFFFFDFC];
	[tilespmem:s10+$0xFFFFFF80] =	vst v7  }
0x2f4: {  	v7 =	vld [tilespmem:s8+$0xFFFFFE8D];
	[tilespmem:s10+$0x0] =	vst v8  }
0x2f5: {  	v8 =	vld [tilespmem:s8+$0xFFFFFF0E];
	[tilespmem:s10+$0x80] =	vst v9  }
0x2f6: {  	v9 =	vld [tilespmem:s8+$0xFFFFFF8F];
	[tilespmem:s10+$0x190] =	vst v5  }
0x2f7: {  	[tilespmem:s10+$0x100] =	vst v6;
	v5 =	vld [tilespmem:s8+$0x1A3]  }
0x2f8: {  	[tilespmem:s10+$0xFFFFFE00] =	vst v10;
	v6 =	vld [tilespmem:s8+$0x10]  }
0x2f9: {  	v10 =	vld [tilespmem:s8+$0xFFFFFE0C];
	[tilespmem:s10+$0xFFFFFE90] =	vst v7  }
0x2fa: {  	[tilespmem:s10+$0xFFFFFF10] =	vst v8;
	v7 =	vld [tilespmem:s8+$0x91]  }
0x2fb: {  	[tilespmem:s10+$0xFFFFFF90] =	vst v9;
	v8 =	vld [tilespmem:s8+$0x112]  }
0x2fc: {  	v9 =	vld [tilespmem:s8+$0xFFFFFE9D];
	[tilespmem:s10+$0x1A0] =	vst v5  }
0x2fd: {  	[tilespmem:s10+$0x10] =	vst v6;
	v5 =	vld [tilespmem:s8+$0x1B3]  }
0x2fe: {  	[tilespmem:s10+$0xFFFFFE10] =	vst v10;
	v6 =	vld [tilespmem:s8+$0xFFFFFF1E]  }
0x2ff: {  	v10 =	vld [tilespmem:s8+$0xFFFFFE1C];
	[tilespmem:s10+$0x90] =	vst v7  }
0x300: {  	v7 =	vld [tilespmem:s8+$0xFFFFFF9F];
	[tilespmem:s10+$0x110] =	vst v8  }
0x301: {  	[tilespmem:s10+$0xFFFFFEA0] =	vst v9;
	v8 =	vld [tilespmem:s8+$0x20]  }
0x302: {  	v9 =	vld [tilespmem:s8+$0xA1];
	[tilespmem:s10+$0x1B0] =	vst v5  }
0x303: {  	[tilespmem:s10+$0xFFFFFF20] =	vst v6;
	v5 =	vld [tilespmem:s8+$0x1C3]  }
0x304: {  	[tilespmem:s10+$0xFFFFFE20] =	vst v10;
	v6 =	vld [tilespmem:s8+$0x122]  }
0x305: {  	v10 =	vld [tilespmem:s8+$0xFFFFFE2C];
	[tilespmem:s10+$0xFFFFFFA0] =	vst v7  }
0x306: {  	v7 =	vld [tilespmem:s8+$0xFFFFFEAD];
	[tilespmem:s10+$0x20] =	vst v8  }
0x307: {  	v8 =	vld [tilespmem:s8+$0xFFFFFF2E];
	[tilespmem:s10+$0xA0] =	vst v9  }
0x308: {  	v9 =	vld [tilespmem:s8+$0xFFFFFFAF];
	[tilespmem:s10+$0x1C0] =	vst v5  }
0x309: {  	[tilespmem:s10+$0x120] =	vst v6;
	v5 =	vld [tilespmem:s8+$0x1D3]  }
0x30a: {  	[tilespmem:s10+$0xFFFFFE30] =	vst v10;
	v6 =	vld [tilespmem:s8+$0x30]  }
0x30b: {  	[tilespmem:s10+$0xFFFFFEB0] =	vst v7;
	v7 =	vld [tilespmem:s8+$0xB1]  }
0x30c: {  	[tilespmem:s10+$0xFFFFFF30] =	vst v8;
	v8 =	vld [tilespmem:s8+$0x132]  }
0x30d: {  	v10 =	vld [tilespmem:s8+$0xFFFFFE3C];
	[tilespmem:s10+$0xFFFFFFB0] =	vst v9  }
0x30e: {  	v9 =	vld [tilespmem:s8+$0xFFFFFEBD];
	[tilespmem:s10+$0x1D0] =	vst v5  }
0x30f: {  	[tilespmem:s10+$0x30] =	vst v6;
	v5 =	vld [tilespmem:s8+$0x1E3]  }
0x310: {  	v6 =	vld [tilespmem:s8+$0xFFFFFF3E];
	[tilespmem:s10+$0xB0] =	vst v7  }
0x311: {  	v7 =	vld [tilespmem:s8+$0xFFFFFFBF];
	[tilespmem:s10+$0x130] =	vst v8  }
0x312: {  	[tilespmem:s10+$0xFFFFFE40] =	vst v10;
	v8 =	vld [tilespmem:s8+$0x40]  }
0x313: {  	[tilespmem:s10+$0xFFFFFEC0] =	vst v9;
	v9 =	vld [tilespmem:s8+$0xC1]  }
0x314: {  	v10 =	vld [tilespmem:s8+$0x142];
	[tilespmem:s10+$0x1E0] =	vst v5  }
0x315: {  	[tilespmem:s10+$0xFFFFFF40] =	vst v6;
	v5 =	vld [tilespmem:s8+$0x1F3]  }
0x316: {  	v6 =	vld [tilespmem:s8+$0xFFFFFE4C];
	[tilespmem:s10+$0xFFFFFFC0] =	vst v7  }
0x317: {  	v7 =	vld [tilespmem:s8+$0xFFFFFECD];
	[tilespmem:s10+$0x40] =	vst v8  }
0x318: {  	v8 =	vld [tilespmem:s8+$0xFFFFFF4E];
	[tilespmem:s10+$0xC0] =	vst v9  }
0x319: {  	v9 =	vld [tilespmem:s8+$0xFFFFFFCF];
	[tilespmem:s10+$0x140] =	vst v10  }
0x31a: {  	v10 =	vld [tilespmem:s8+$0x50];
	[tilespmem:s10+$0x1F0] =	vst v5  }
0x31b: {  	[tilespmem:s10+$0xFFFFFE50] =	vst v6;
	v5 =	vld [tilespmem:s8+$0xD1]  }
0x31c: {  	[tilespmem:s10+$0xFFFFFED0] =	vst v7;
	v6 =	vld [tilespmem:s8+$0x152]  }
0x31d: {  	v7 =	vld [tilespmem:s8+$0xFFFFFE5C];
	[tilespmem:s10+$0xFFFFFF50] =	vst v8  }
0x31e: {  	v8 =	vld [tilespmem:s8+$0xFFFFFEDD];
	[tilespmem:s10+$0xFFFFFFD0] =	vst v9  }
0x31f: {  	v9 =	vld [tilespmem:s8+$0xFFFFFF5E];
	[tilespmem:s10+$0x50] =	vst v10  }
0x320: {  	v10 =	vld [tilespmem:s8+$0xFFFFFFDF];
	[tilespmem:s10+$0xD0] =	vst v5  }
0x321: {  	v11 =	vld [tilespmem:s8+$0x60];
	[tilespmem:s10+$0x150] =	vst v6  }
0x322: {  	[tilespmem:s10+$0xFFFFFE60] =	vst v7;
	v7 =	vld [tilespmem:s8+$0xE1]  }
0x323: {  	[tilespmem:s10+$0xFFFFFEE0] =	vst v8;
	v8 =	vld [tilespmem:s8+$0x162]  }
0x324: {  	v12 =	vld [tilespmem:s8+$0xFFFFFE6C];
	[tilespmem:s10+$0xFFFFFF60] =	vst v9  }
0x325: {  	v9 =	vld [tilespmem:s8+$0xFFFFFEED];
	[tilespmem:s10+$0xFFFFFFE0] =	vst v10  }
.Ltmp8:
0x326: {  	v5 =	vld [tilespmem:s8+$0xFFFFFF6E];
	[tilespmem:s10+$0x60] =	vst v11;
	(pc) =	sbr.rel @p0 .LBB2_13-.Ltmp8, $4  }
0x327: {  	v6 =	vld [tilespmem:s8+$0xFFFFFFEF];
	[tilespmem:s10+$0xE0] =	vst v7  }
0x328: {  	v7 =	vld [tilespmem:s8+$0x70];
	[tilespmem:s10+$0x160] =	vst v8  }
0x329: {  	[tilespmem:s10+$0xFFFFFE70] =	vst v12;
	v8 =	vld [tilespmem:s8+$0xF1]  }
0x32a: {  	[tilespmem:s10+$0xFFFFFEF0] =	vst v9;
	v9 =	vld [tilespmem:s8+$0x172];
	s8 =	sadd.s32 $0x408, s8  }
.LBB2_14:
0x32b: {  	[tilespmem:s10+$0xFFFFFF70] =	vst v5  }
0x32c: {  	s0 =	sshll.u32 s18, $0x12;
	[tilespmem:s10+$0xFFFFFFF0] =	vst v6  }
0x32d: {  	s0 =	sor.u32 s5, s0;
	[tilespmem:s10+$0x70] =	vst v7  }
0x32e: {  	s18 =	sor.u32 $0x3, s16;
	s0 =	sshrl.u32 s0, $0x3;
	[tilespmem:s10+$0xF0] =	vst v8  }
0x32f: {  	s8 =	simm.s32 $0xC200;
	p0 =	sgt.u32 s18, $0xC4;
	s0 =	sadd.s32 s3, s0;
	[tilespmem:s10+$0x170] =	vst v9  }
0x330: {  	[hbm4b:s0+s25] =	stream.strided.scatter [tilespmem:s8], [sflag:$0xB], $0x2000, s26, s25, $0x38;
	[tilespmem:$0x15440] =	vst v63  }
0x331: {  	s0 =	sadd.s32 @!p0 $0x6, s16  }
0x332: {  	s8 =	sshll.u32 @!p0 s0, $0x7;
	s0 =	sshll.u32 @!p0 s0, $0xC  }
0x333: {  	s8 =	sand.u32 @!p0 $0x300, s8;
	s0 =	sand.u32 @!p0 $0x1F8000, s0  }
0x334: {  	s0 =	sor.u32 @!p0 s0, s8  }
0x335: {  	s0 =	sor.u32 @!p0 s5, s0  }
0x336: {  	s0 =	sshrl.u32 @!p0 s0, $0x3  }
0x337: {  	s9 =	simm.s32 @!p0 $0x100;
	s8 =	simm.s32 @!p0 $0x0;
	s0 =	sadd.s32 @!p0 s1, s0  }
0x338: {  	[tilespmem:s9], [sflag:$0x3] =	stream.linear.gather @!p0 [hbm4b:s0+s8], $0x80, $0x38;
	[tilespmem:$0x15440] =	vst v63  }
0x339: {  	s0 =	simm.s32 @!p0 $0x2  }
0x33a: {  	_ =	swait.ge @!p0 [sflag:s0], $0x80  }
0x33b: {  	[sflag:s0] =	ssyncset.done @!p0 $0x0  }
0x33c: {  	s8 =	simm.s32 @!p0 $0x2200;
	[sflag:s0] =	ssyncadd.s32 @!p0 $0xFFFFFF80;
	s0 =	simm.s32 @!p0 $0x80  }
0x33d: {  	[tilespmem:s8], [sflag:$0x6] =	stream.indirect.gather @!p0 [hbm4b:s6+s0], $0x40, s0, s0, $0xb8;
	[tilespmem:$0x15440] =	vst v63  }
0x33e: {  	_ =	swait.ge [sflag:s19], $0x2000  }
0x33f: {  	[sflag:s19] =	ssyncset.done $0x0  }
0x340: {  	[sflag:s19] =	ssyncadd.s32 $0xFFFFE000  }
0x341: {  	_ =	swait.ge [sflag:s7], $0x2000  }
0x342: {  	s30 =	sshll.u32 s18, $0x6;
	[sflag:s7] =	ssyncset.done $0x0  }
0x343: {  	s0 =	sand.u32 $0x3FFFFFC0, s30;
	[sflag:s7] =	ssyncadd.s32 $0xFFFFE000  }
0x344: {  	v8 =	vld [tilespmem:s0+$0x12240]  }
0x345: {  	v7 =	vld [tilespmem:s0+$0x12250]  }
0x346: {  	v6 =	vld [tilespmem:s0+$0x12260]  }
0x347: {  	s8 =	simm.s32 $0x6300;
	v5 =	vld [tilespmem:s0+$0x12270]  }
0x348: {  	v9 =	vld [tilespmem:s8+$0xC0]  }
0x349: {  	s17 =	simm.s32 $0x7;
	v10 =	vld [tilespmem:s8+$0xFFFFFF40]  }
0x34a: {  	s22 =	simm.s32 $0x1;
	v12 =	vadd.s32 s17, v0;
	v11 =	vld [tilespmem:s8+$0xFFFFFF80]  }
0x34b: {  	s15 =	simm.s32 $0x2;
	v13 =	vadd.s32 s22, v0;
	v14 =	vld [tilespmem:s8+$0xFFFFFFC0]  }
0x34c: {  	v15 =	vadd.s32 s15, v0;
	s9 =	simm.s32 $0x3;
	v16 =	vld [tilespmem:s8+$0x0]  }
0x34d: {  	s11 =	simm.s32 $0x4;
	v17 =	vadd.s32 s9, v0;
	v18 =	vld [tilespmem:s8+$0x40];
	v9 =	vadd.f32 v9, v8  }
0x34e: {  	s28 =	simm.s32 $0x5;
	v19 =	vadd.s32 s11, v0;
	s16 =	simm.s32 $0x0;
	v20 =	vld [tilespmem:s8+$0x80];
	v10 =	vadd.f32 v10, v8  }
0x34f: {  	v23 =	vadd.s32 s28, v0;
	v22 =	vadd.s32 s16, v0;
	s30 =	simm.s32 $0x6;
	v21 =	vld [tilespmem:s8+$0xFFFFFF00];
	v11 =	vadd.f32 v11, v8;
	[tilespmem:v12+s24+$0x0] =	vst.idx.msk $0xffff, v9  }
0x350: {  	v9 =	vand.u32 $0xFF8, v22;
	[tilespmem:v13+s24+$0x0] =	vst.idx.msk $0xffff, v10;
	v10 =	vadd.f32 v14, v8;
	v12 =	vadd.s32 s30, v0;
	v13 =	vld [tilespmem:s8+$0xD0]  }
0x351: {  	[tilespmem:v15+s24+$0x0] =	vst.idx.msk $0xffff, v11;
	v11 =	vadd.f32 v16, v8;
	v9 =	vor.u32 v1, v9;
	v14 =	vld [tilespmem:s8+$0xFFFFFF50]  }
0x352: {  	v16 =	vadd.s32 s17, v2;
	v15 =	vld [tilespmem:s8+$0xFFFFFF90];
	[tilespmem:v17+s24+$0x0] =	vst.idx.msk $0xffff, v10;
	v10 =	vadd.f32 v18, v8  }
0x353: {  	v17 =	vadd.s32 s22, v2;
	[tilespmem:v19+s24+$0x0] =	vst.idx.msk $0xffff, v11;
	v11 =	vadd.f32 v20, v8;
	v18 =	vld [tilespmem:s8+$0xFFFFFFD0]  }
0x354: {  	v19 =	vadd.f32 v21, v8;
	v20 =	vadd.s32 s15, v2;
	v21 =	vld [tilespmem:s8+$0x10];
	[tilespmem:v23+s24+$0x0] =	vst.idx.msk $0xffff, v10  }
0x355: {  	v10 =	vadd.s32 s9, v2;
	v22 =	vld [tilespmem:s8+$0x50];
	[tilespmem:v12+s24+$0x0] =	vst.idx.msk $0xffff, v11;
	v11 =	vadd.f32 v13, v7  }
0x356: {  	v12 =	vadd.s32 s11, v2;
	[tilespmem:v9+s24+$0x0] =	vst.idx.msk $0xffff, v19;
	v9 =	vadd.f32 v14, v7;
	v13 =	vld [tilespmem:s8+$0x90]  }
0x357: {  	v23 =	vadd.s32 s28, v2;
	v19 =	vadd.s32 s16, v2;
	v15 =	vadd.f32 v15, v7;
	v14 =	vld [tilespmem:s8+$0xFFFFFF10];
	[tilespmem:v16+s24+$0x0] =	vst.idx.msk $0xffff, v11  }
0x358: {  	v11 =	vand.u32 $0x1FF8, v19;
	[tilespmem:v17+s24+$0x0] =	vst.idx.msk $0xffff, v9;
	v9 =	vadd.f32 v18, v7;
	v16 =	vadd.s32 s30, v2;
	v17 =	vld [tilespmem:s8+$0xE0]  }
0x359: {  	[tilespmem:v20+s24+$0x0] =	vst.idx.msk $0xffff, v15;
	v15 =	vadd.f32 v21, v7;
	v11 =	vor.u32 v1, v11;
	v18 =	vld [tilespmem:s8+$0xFFFFFF60]  }
0x35a: {  	v19 =	vld [tilespmem:s8+$0xFFFFFFA0];
	[tilespmem:v10+s24+$0x0] =	vst.idx.msk $0xffff, v9;
	v9 =	vadd.f32 v22, v7;
	v10 =	vadd.s32 s17, v3  }
0x35b: {  	v20 =	vadd.s32 s22, v3;
	[tilespmem:v12+s24+$0x0] =	vst.idx.msk $0xffff, v15;
	v21 =	vld [tilespmem:s8+$0xFFFFFFE0];
	v12 =	vadd.f32 v13, v7  }
0x35c: {  	v15 =	vld [tilespmem:s8+$0x20];
	v13 =	vadd.f32 v14, v7;
	v14 =	vadd.s32 s15, v3;
	[tilespmem:v23+s24+$0x0] =	vst.idx.msk $0xffff, v9  }
0x35d: {  	v9 =	vadd.s32 s9, v3;
	v22 =	vld [tilespmem:s8+$0x60];
	[tilespmem:v16+s24+$0x0] =	vst.idx.msk $0xffff, v12;
	v12 =	vadd.f32 v17, v6  }
0x35e: {  	[tilespmem:v11+s24+$0x0] =	vst.idx.msk $0xffff, v13;
	v11 =	vadd.f32 v18, v6;
	v13 =	vadd.s32 s11, v3;
	v16 =	vld [tilespmem:s8+$0xA0]  }
0x35f: {  	v23 =	vadd.s32 s28, v3;
	v18 =	vadd.s32 s16, v3;
	v19 =	vadd.f32 v19, v6;
	v17 =	vld [tilespmem:s8+$0xFFFFFF20];
	[tilespmem:v10+s24+$0x0] =	vst.idx.msk $0xffff, v12  }
0x360: {  	v10 =	vand.u32 $0x1FF8, v18;
	[tilespmem:v20+s24+$0x0] =	vst.idx.msk $0xffff, v11;
	v11 =	vadd.f32 v21, v6;
	v12 =	vadd.s32 s30, v3;
	v18 =	vld [tilespmem:s8+$0xF0]  }
0x361: {  	v20 =	vor.u32 v1, v10;
	v21 =	vld [tilespmem:s8+$0xFFFFFF70];
	[tilespmem:v14+s24+$0x0] =	vst.idx.msk $0xffff, v19;
	v10 =	vadd.f32 v15, v6  }
0x362: {  	v19 =	vld [tilespmem:s8+$0xFFFFFFB0];
	[tilespmem:v9+s24+$0x0] =	vst.idx.msk $0xffff, v11;
	v9 =	vadd.f32 v22, v6;
	v11 =	vadd.s32 s17, v4  }
0x363: {  	v22 =	vadd.s32 s22, v4;
	v24 =	vld [tilespmem:s8+$0xFFFFFFF0];
	[tilespmem:v13+s24+$0x0] =	vst.idx.msk $0xffff, v10;
	v13 =	vadd.f32 v16, v6  }
0x364: {  	v14 =	vadd.f32 v17, v6;
	v15 =	vld [tilespmem:s8+$0x30];
	[tilespmem:v23+s24+$0x0] =	vst.idx.msk $0xffff, v9;
	v17 =	vadd.s32 s15, v4  }
0x365: {  	v16 =	vadd.s32 s9, v4;
	v10 =	vld [tilespmem:s8+$0x70];
	[tilespmem:v12+s24+$0x0] =	vst.idx.msk $0xffff, v13;
	v18 =	vadd.f32 v18, v5  }
0x366: {  	v13 =	vadd.s32 s11, v4;
	[tilespmem:v20+s24+$0x0] =	vst.idx.msk $0xffff, v14;
	v20 =	vadd.f32 v21, v5;
	v14 =	vld [tilespmem:s8+$0xB0]  }
0x367: {  	s10 =	simm.s32 $0x6500;
	v12 =	vadd.s32 s28, v4;
	v21 =	vadd.s32 s16, v4;
	v9 =	vld [tilespmem:s8+$0xFFFFFF30];
	v19 =	vadd.f32 v19, v5;
	[tilespmem:v11+s24+$0x0] =	vst.idx.msk $0xffff, v18  }
0x368: {  	s11 =	simm.s32 $0x8;
	s8 =	simm.s32 $0x10;
	v21 =	vand.u32 $0x3FF8, v21;
	v11 =	vld [tilespmem:s10+$0xC0];
	[tilespmem:v22+s24+$0x0] =	vst.idx.msk $0xffff, v20;
	v20 =	vadd.f32 v24, v5;
	v18 =	vadd.s32 s30, v4  }
.LBB2_15:
0x369: {  	p0 =	slt.u32 s8, $0x78;
	v22 =	vld [tilespmem:s10+$0xFFFFFF40];
	s16 =	sadd.s32 $0x7, s11;
	v21 =	vor.u32 v1, v21;
	[tilespmem:v17+s24+$0x0] =	vst.idx.msk $0xffff, v19;
	v15 =	vadd.f32 v15, v5  }
0x36a: {  	s22 =	sadd.s32 $0x1, s11;
	v17 =	vld [tilespmem:s10+$0xFFFFFF80];
	v19 =	vadd.s32 s16, v0;
	[tilespmem:v16+s24+$0x0] =	vst.idx.msk $0xffff, v20;
	v10 =	vadd.f32 v10, v5  }
0x36b: {  	s28 =	sadd.s32 $0x2, s11;
	v16 =	vadd.s32 s22, v0;
	v20 =	vld [tilespmem:s10+$0xFFFFFFC0];
	[tilespmem:v13+s24+$0x0] =	vst.idx.msk $0xffff, v15;
	v13 =	vadd.f32 v14, v5  }
0x36c: {  	s9 =	sadd.s32 $0x3, s11;
	v14 =	vadd.s32 s28, v0;
	v15 =	vld [tilespmem:s10+$0x0];
	v9 =	vadd.f32 v9, v5;
	[tilespmem:v12+s24+$0x0] =	vst.idx.msk $0xffff, v10  }
0x36d: {  	s0 =	sadd.s32 $0x4, s11;
	v10 =	vadd.s32 s9, v0;
	v12 =	vld [tilespmem:s10+$0x40];
	v11 =	vadd.f32 v11, v8;
	[tilespmem:v18+s24+$0x0] =	vst.idx.msk $0xffff, v13  }
0x36e: {  	s15 =	sadd.s32 $0x5, s11;
	v18 =	vadd.s32 s0, v0;
	v13 =	vadd.f32 v22, v8;
	v22 =	vld [tilespmem:s10+$0x80];
	[tilespmem:v21+s24+$0x0] =	vst.idx.msk $0xffff, v9  }
0x36f: {  	s17 =	sadd.s32 $0x6, s11;
	v23 =	vadd.s32 s15, v0;
	v21 =	vadd.s32 s11, v0;
	v9 =	vld [tilespmem:s10+$0xFFFFFF00];
	v17 =	vadd.f32 v17, v8;
	[tilespmem:v19+s24+$0x0] =	vst.idx.msk $0xffff, v11  }
0x370: {  	v11 =	vand.u32 $0xFF8, v21;
	[tilespmem:v16+s24+$0x0] =	vst.idx.msk $0xffff, v13;
	v13 =	vadd.f32 v20, v8;
	v16 =	vadd.s32 s17, v0;
	v19 =	vld [tilespmem:s10+$0xD0]  }
0x371: {  	v11 =	vor.u32 v1, v11;
	v20 =	vld [tilespmem:s10+$0xFFFFFF50];
	[tilespmem:v14+s24+$0x0] =	vst.idx.msk $0xffff, v17;
	v14 =	vadd.f32 v15, v8  }
0x372: {  	v15 =	vld [tilespmem:s10+$0xFFFFFF90];
	[tilespmem:v10+s24+$0x0] =	vst.idx.msk $0xffff, v13;
	v10 =	vadd.f32 v12, v8;
	v12 =	vadd.s32 s16, v2  }
0x373: {  	v13 =	vadd.s32 s22, v2;
	v17 =	vld [tilespmem:s10+$0xFFFFFFD0];
	[tilespmem:v18+s24+$0x0] =	vst.idx.msk $0xffff, v14;
	v14 =	vadd.f32 v22, v8  }
0x374: {  	v18 =	vadd.s32 s28, v2;
	v9 =	vadd.f32 v9, v8;
	v21 =	vld [tilespmem:s10+$0x10];
	[tilespmem:v23+s24+$0x0] =	vst.idx.msk $0xffff, v10  }
0x375: {  	v10 =	vadd.s32 s9, v2;
	v22 =	vld [tilespmem:s10+$0x50];
	[tilespmem:v16+s24+$0x0] =	vst.idx.msk $0xffff, v14;
	v14 =	vadd.f32 v19, v7  }
0x376: {  	[tilespmem:v11+s24+$0x0] =	vst.idx.msk $0xffff, v9;
	v9 =	vadd.f32 v20, v7;
	v11 =	vadd.s32 s0, v2;
	v16 =	vld [tilespmem:s10+$0x90]  }
0x377: {  	v23 =	vadd.s32 s15, v2;
	v20 =	vadd.s32 s11, v2;
	v19 =	vld [tilespmem:s10+$0xFFFFFF10];
	v15 =	vadd.f32 v15, v7;
	[tilespmem:v12+s24+$0x0] =	vst.idx.msk $0xffff, v14  }
0x378: {  	v12 =	vand.u32 $0x1FF8, v20;
	[tilespmem:v13+s24+$0x0] =	vst.idx.msk $0xffff, v9;
	v9 =	vadd.f32 v17, v7;
	v13 =	vadd.s32 s17, v2;
	v14 =	vld [tilespmem:s10+$0xE0]  }
0x379: {  	v12 =	vor.u32 v1, v12;
	v17 =	vld [tilespmem:s10+$0xFFFFFF60];
	[tilespmem:v18+s24+$0x0] =	vst.idx.msk $0xffff, v15;
	v15 =	vadd.f32 v21, v7  }
0x37a: {  	v18 =	vld [tilespmem:s10+$0xFFFFFFA0];
	[tilespmem:v10+s24+$0x0] =	vst.idx.msk $0xffff, v9;
	v9 =	vadd.f32 v22, v7;
	v10 =	vadd.s32 s16, v3  }
0x37b: {  	v20 =	vadd.s32 s22, v3;
	v21 =	vld [tilespmem:s10+$0xFFFFFFE0];
	[tilespmem:v11+s24+$0x0] =	vst.idx.msk $0xffff, v15;
	v11 =	vadd.f32 v16, v7  }
0x37c: {  	v16 =	vadd.s32 s28, v3;
	v15 =	vadd.f32 v19, v7;
	v19 =	vld [tilespmem:s10+$0x20];
	[tilespmem:v23+s24+$0x0] =	vst.idx.msk $0xffff, v9  }
0x37d: {  	v9 =	vadd.s32 s9, v3;
	v22 =	vld [tilespmem:s10+$0x60];
	[tilespmem:v13+s24+$0x0] =	vst.idx.msk $0xffff, v11;
	v11 =	vadd.f32 v14, v6  }
0x37e: {  	v13 =	vadd.s32 s0, v3;
	[tilespmem:v12+s24+$0x0] =	vst.idx.msk $0xffff, v15;
	v12 =	vadd.f32 v17, v6;
	v14 =	vld [tilespmem:s10+$0xA0]  }
0x37f: {  	v23 =	vadd.s32 s15, v3;
	v17 =	vadd.s32 s11, v3;
	v15 =	vld [tilespmem:s10+$0xFFFFFF20];
	v18 =	vadd.f32 v18, v6;
	[tilespmem:v10+s24+$0x0] =	vst.idx.msk $0xffff, v11  }
0x380: {  	v10 =	vand.u32 $0x1FF8, v17;
	[tilespmem:v20+s24+$0x0] =	vst.idx.msk $0xffff, v12;
	v11 =	vadd.f32 v21, v6;
	v12 =	vadd.s32 s17, v3;
	v20 =	vld [tilespmem:s10+$0xF0]  }
0x381: {  	v21 =	vor.u32 v1, v10;
	v24 =	vld [tilespmem:s10+$0xFFFFFF70];
	[tilespmem:v16+s24+$0x0] =	vst.idx.msk $0xffff, v18;
	v10 =	vadd.f32 v19, v6  }
0x382: {  	v18 =	vld [tilespmem:s10+$0xFFFFFFB0];
	[tilespmem:v9+s24+$0x0] =	vst.idx.msk $0xffff, v11;
	v9 =	vadd.f32 v22, v6;
	v11 =	vadd.s32 s16, v4  }
0x383: {  	v22 =	vadd.s32 s22, v4;
	v25 =	vld [tilespmem:s10+$0xFFFFFFF0];
	[tilespmem:v13+s24+$0x0] =	vst.idx.msk $0xffff, v10;
	v13 =	vadd.f32 v14, v6  }
.Ltmp9:
0x384: {  	v17 =	vadd.s32 s28, v4;
	v14 =	vadd.f32 v15, v6;
	v15 =	vld [tilespmem:s10+$0x30];
	[tilespmem:v23+s24+$0x0] =	vst.idx.msk $0xffff, v9;
	(pc) =	sbr.rel @p0 .LBB2_15-.Ltmp9, $4  }
0x385: {  	v16 =	vadd.s32 s9, v4;
	v10 =	vld [tilespmem:s10+$0x70];
	[tilespmem:v12+s24+$0x0] =	vst.idx.msk $0xffff, v13;
	v20 =	vadd.f32 v20, v5  }
0x386: {  	v13 =	vadd.s32 s0, v4;
	[tilespmem:v21+s24+$0x0] =	vst.idx.msk $0xffff, v14;
	v23 =	vadd.f32 v24, v5;
	v14 =	vld [tilespmem:s10+$0xB0]  }
0x387: {  	v12 =	vadd.s32 s15, v4;
	v21 =	vadd.s32 s11, v4;
	v9 =	vld [tilespmem:s10+$0xFFFFFF30];
	v19 =	vadd.f32 v18, v5;
	[tilespmem:v11+s24+$0x0] =	vst.idx.msk $0xffff, v20;
	s10 =	sadd.s32 $0x200, s10  }
0x388: {  	s11 =	smov.u32 s8;
	s8 =	sadd.s32 $0x8, s8;
	v21 =	vand.u32 $0x3FF8, v21;
	v18 =	vadd.s32 s17, v4;
	v11 =	vld [tilespmem:s10+$0xC0];
	[tilespmem:v22+s24+$0x0] =	vst.idx.msk $0xffff, v23;
	v20 =	vadd.f32 v25, v5  }
0x389: {  	_ =	sdelay $0x3  }
0x38a: {  	v22 =	vld [tilespmem:s10+$0xFFFFFF40];
	s0 =	sadd.s32 $0x7, s11;
	v21 =	vor.u32 v1, v21;
	[tilespmem:v17+s24+$0x0] =	vst.idx.msk $0xffff, v19;
	v15 =	vadd.f32 v15, v5  }
0x38b: {  	s8 =	sadd.s32 $0x1, s11;
	v57 =	vld [tilespmem:s10+$0xFFFFFF80];
	v58 =	vadd.s32 s0, v0;
	[tilespmem:v16+s24+$0x0] =	vst.idx.msk $0xffff, v20;
	v10 =	vadd.f32 v10, v5  }
0x38c: {  	s9 =	sadd.s32 $0x2, s11;
	v60 =	vld [tilespmem:s10+$0xFFFFFFC0];
	v59 =	vadd.s32 s8, v0;
	[tilespmem:v13+s24+$0x0] =	vst.idx.msk $0xffff, v15;
	v61 =	vadd.f32 v14, v5  }
0x38d: {  	s16 =	sadd.s32 $0x3, s11;
	v63 =	vld [tilespmem:s10+$0x0];
	v62 =	vadd.s32 s9, v0;
	v9 =	vadd.f32 v9, v5;
	[tilespmem:v12+s24+$0x0] =	vst.idx.msk $0xffff, v10  }
0x38e: {  	s15 =	sadd.s32 $0x4, s11;
	v24 =	vld [tilespmem:s10+$0x40];
	v10 =	vadd.s32 s16, v0;
	v11 =	vadd.f32 v11, v8;
	[tilespmem:v18+s24+$0x0] =	vst.idx.msk $0xffff, v61  }
0x38f: {  	s17 =	sadd.s32 $0x5, s11;
	v27 =	vld [tilespmem:s10+$0x80];
	v26 =	vadd.s32 s15, v0;
	v25 =	vadd.f32 v22, v8;
	[tilespmem:v21+s24+$0x0] =	vst.idx.msk $0xffff, v9  }
0x390: {  	v28 =	vadd.s32 s11, v0;
	s22 =	sadd.s32 $0x6, s11;
	v23 =	vadd.s32 s17, v0;
	v9 =	vld [tilespmem:s10+$0xFFFFFF00];
	v17 =	vadd.f32 v57, v8;
	[tilespmem:v58+s24+$0x0] =	vst.idx.msk $0xffff, v11  }
0x391: {  	v30 =	vadd.s32 s22, v0;
	v29 =	vadd.f32 v60, v8;
	v11 =	vand.u32 $0xFF8, v28;
	[tilespmem:v59+s24+$0x0] =	vst.idx.msk $0xffff, v25;
	v19 =	vld [tilespmem:s10+$0xD0]  }
0x392: {  	v32 =	vadd.f32 v63, v8;
	v11 =	vor.u32 v1, v11;
	[tilespmem:v62+s24+$0x0] =	vst.idx.msk $0xffff, v17;
	v31 =	vld [tilespmem:s10+$0xFFFFFF50]  }
0x393: {  	v34 =	vadd.s32 s0, v2;
	v33 =	vld [tilespmem:s10+$0xFFFFFF90];
	[tilespmem:v10+s24+$0x0] =	vst.idx.msk $0xffff, v29;
	v10 =	vadd.f32 v24, v8  }
0x394: {  	v35 =	vadd.s32 s8, v2;
	v37 =	vadd.f32 v27, v8;
	[tilespmem:v26+s24+$0x0] =	vst.idx.msk $0xffff, v32;
	v36 =	vld [tilespmem:s10+$0xFFFFFFD0]  }
0x395: {  	v18 =	vld [tilespmem:s10+$0x10];
	v8 =	vadd.f32 v9, v8;
	v9 =	vadd.s32 s9, v2;
	[tilespmem:v23+s24+$0x0] =	vst.idx.msk $0xffff, v10  }
0x396: {  	[tilespmem:v30+s24+$0x0] =	vst.idx.msk $0xffff, v37;
	v10 =	vadd.s32 s16, v2;
	v38 =	vld [tilespmem:s10+$0x50];
	v39 =	vadd.f32 v19, v7  }
0x397: {  	v16 =	vld [tilespmem:s10+$0x90];
	[tilespmem:v11+s24+$0x0] =	vst.idx.msk $0xffff, v8;
	v11 =	vadd.s32 s15, v2;
	v8 =	vadd.f32 v31, v7  }
0x398: {  	v41 =	vadd.s32 s11, v2;
	v42 =	vadd.s32 s17, v2;
	v40 =	vld [tilespmem:s10+$0xFFFFFF10];
	v15 =	vadd.f32 v33, v7;
	[tilespmem:v34+s24+$0x0] =	vst.idx.msk $0xffff, v39  }
0x399: {  	v43 =	vand.u32 $0x1FF8, v41;
	v44 =	vadd.s32 s22, v2;
	[tilespmem:v35+s24+$0x0] =	vst.idx.msk $0xffff, v8;
	v8 =	vadd.f32 v36, v7;
	v14 =	vld [tilespmem:s10+$0xE0]  }
0x39a: {  	v12 =	vor.u32 v1, v43;
	[tilespmem:v9+s24+$0x0] =	vst.idx.msk $0xffff, v15;
	v9 =	vadd.f32 v18, v7;
	v45 =	vld [tilespmem:s10+$0xFFFFFF60]  }
0x39b: {  	v15 =	vld [tilespmem:s10+$0xFFFFFFA0];
	[tilespmem:v10+s24+$0x0] =	vst.idx.msk $0xffff, v8;
	v8 =	vadd.f32 v38, v7;
	v10 =	vadd.s32 s0, v3  }
0x39c: {  	v46 =	vadd.s32 s8, v3;
	[tilespmem:v11+s24+$0x0] =	vst.idx.msk $0xffff, v9;
	v9 =	vadd.f32 v16, v7;
	v47 =	vld [tilespmem:s10+$0xFFFFFFE0]  }
0x39d: {  	v11 =	vadd.s32 s9, v3;
	v7 =	vadd.f32 v40, v7;
	v48 =	vld [tilespmem:s10+$0x20];
	[tilespmem:v42+s24+$0x0] =	vst.idx.msk $0xffff, v8  }
0x39e: {  	v8 =	vadd.s32 s16, v3;
	[tilespmem:v44+s24+$0x0] =	vst.idx.msk $0xffff, v9;
	v49 =	vld [tilespmem:s10+$0x60];
	v9 =	vadd.f32 v14, v6  }
0x39f: {  	v50 =	vadd.s32 s15, v3;
	[tilespmem:v12+s24+$0x0] =	vst.idx.msk $0xffff, v7;
	v13 =	vld [tilespmem:s10+$0xA0];
	v7 =	vadd.f32 v45, v6  }
0x3a0: {  	v52 =	vadd.s32 s11, v3;
	v53 =	vadd.s32 s17, v3;
	v51 =	vld [tilespmem:s10+$0xFFFFFF20];
	v15 =	vadd.f32 v15, v6;
	[tilespmem:v10+s24+$0x0] =	vst.idx.msk $0xffff, v9  }
0x3a1: {  	v9 =	vand.u32 $0x1FF8, v52;
	v10 =	vadd.s32 s22, v3;
	[tilespmem:v46+s24+$0x0] =	vst.idx.msk $0xffff, v7;
	v7 =	vadd.f32 v47, v6;
	v54 =	vld [tilespmem:s10+$0xF0]  }
0x3a2: {  	v9 =	vor.u32 v1, v9;
	[tilespmem:v11+s24+$0x0] =	vst.idx.msk $0xffff, v15;
	v11 =	vadd.f32 v48, v6;
	v18 =	vld [tilespmem:s10+$0xFFFFFF70]  }
0x3a3: {  	v15 =	vld [tilespmem:s10+$0xFFFFFFB0];
	[tilespmem:v8+s24+$0x0] =	vst.idx.msk $0xffff, v7;
	v7 =	vadd.f32 v49, v6;
	v8 =	vadd.s32 s0, v4  }
0x3a4: {  	v55 =	vadd.s32 s8, v4;
	[tilespmem:v50+s24+$0x0] =	vst.idx.msk $0xffff, v11;
	v11 =	vadd.f32 v13, v6;
	v56 =	vld [tilespmem:s10+$0xFFFFFFF0]  }
0x3a5: {  	v57 =	vadd.s32 s9, v4;
	v6 =	vadd.f32 v51, v6;
	v58 =	vld [tilespmem:s10+$0x30];
	[tilespmem:v53+s24+$0x0] =	vst.idx.msk $0xffff, v7  }
0x3a6: {  	v7 =	vadd.s32 s16, v4;
	[tilespmem:v10+s24+$0x0] =	vst.idx.msk $0xffff, v11;
	v59 =	vld [tilespmem:s10+$0x70];
	v10 =	vadd.f32 v54, v5  }
0x3a7: {  	[tilespmem:v9+s24+$0x0] =	vst.idx.msk $0xffff, v6;
	v9 =	vadd.s32 s15, v4;
	v11 =	vld [tilespmem:s10+$0xB0];
	v6 =	vadd.f32 v18, v5  }
0x3a8: {  	v61 =	vadd.s32 s11, v4;
	v62 =	vadd.s32 s17, v4;
	v60 =	vld [tilespmem:s10+$0xFFFFFF30];
	v15 =	vadd.f32 v15, v5;
	[tilespmem:v8+s24+$0x0] =	vst.idx.msk $0xffff, v10  }
0x3a9: {  	v8 =	vand.u32 $0x3FF8, v61;
	v10 =	vadd.s32 s22, v4;
	[tilespmem:v55+s24+$0x0] =	vst.idx.msk $0xffff, v6;
	v6 =	vadd.f32 v56, v5  }
0x3aa: {  	v8 =	vor.u32 v1, v8;
	[tilespmem:v57+s24+$0x0] =	vst.idx.msk $0xffff, v15;
	v63 =	vadd.f32 v58, v5  }
0x3ab: {  	[tilespmem:v7+s24+$0x0] =	vst.idx.msk $0xffff, v6;
	v6 =	vadd.f32 v59, v5  }
0x3ac: {  	[tilespmem:v9+s24+$0x0] =	vst.idx.msk $0xffff, v63;
	v7 =	vadd.f32 v11, v5  }
0x3ad: {  	v5 =	vadd.f32 v60, v5;
	[tilespmem:v62+s24+$0x0] =	vst.idx.msk $0xffff, v6  }
0x3ae: {  	[tilespmem:v10+s24+$0x0] =	vst.idx.msk $0xffff, v7  }
0x3af: {  	s30 =	simm.s32 $0x10404;
	[tilespmem:v8+s24+$0x0] =	vst.idx.msk $0xffff, v5  }
0x3b0: {  	v5 =	vld [tilespmem:s30+$0x183]  }
0x3b1: {  	v6 =	vld [tilespmem:s30+$0xFFFFFE7D]  }
0x3b2: {  	v7 =	vld [tilespmem:s30+$0xFFFFFEFE]  }
0x3b3: {  	v8 =	vld [tilespmem:s30+$0xFFFFFF7F]  }
0x3b4: {  	s10 =	simm.s32 $0xE400;
	v9 =	vld [tilespmem:s30+$0x0]  }
0x3b5: {  	v10 =	vld [tilespmem:s30+$0x81];
	[tilespmem:s10+$0x180] =	vst v5  }
0x3b6: {  	[tilespmem:s10+$0xFFFFFE80] =	vst v6;
	v6 =	vld [tilespmem:s30+$0x102]  }
0x3b7: {  	[tilespmem:s10+$0xFFFFFF00] =	vst v7;
	v7 =	vld [tilespmem:s30+$0xFFFFFDFC]  }
0x3b8: {  	[tilespmem:s10+$0xFFFFFF80] =	vst v8;
	v5 =	vld [tilespmem:s30+$0x193]  }
0x3b9: {  	[tilespmem:s10+$0x0] =	vst v9;
	v8 =	vld [tilespmem:s30+$0xFFFFFE8D]  }
0x3ba: {  	[tilespmem:s10+$0x80] =	vst v10;
	v9 =	vld [tilespmem:s30+$0xFFFFFF0E]  }
0x3bb: {  	v10 =	vld [tilespmem:s30+$0xFFFFFF8F];
	[tilespmem:s10+$0x100] =	vst v6  }
0x3bc: {  	[tilespmem:s10+$0xFFFFFE00] =	vst v7;
	v6 =	vld [tilespmem:s30+$0x10]  }
0x3bd: {  	[tilespmem:s10+$0x190] =	vst v5;
	v7 =	vld [tilespmem:s30+$0xFFFFFE0C]  }
0x3be: {  	[tilespmem:s10+$0xFFFFFE90] =	vst v8;
	v8 =	vld [tilespmem:s30+$0x91]  }
0x3bf: {  	[tilespmem:s10+$0xFFFFFF10] =	vst v9;
	v5 =	vld [tilespmem:s30+$0x1A3]  }
0x3c0: {  	[tilespmem:s10+$0xFFFFFF90] =	vst v10;
	v9 =	vld [tilespmem:s30+$0x112]  }
0x3c1: {  	v10 =	vld [tilespmem:s30+$0xFFFFFE9D];
	[tilespmem:s10+$0x10] =	vst v6  }
0x3c2: {  	v6 =	vld [tilespmem:s30+$0xFFFFFF1E];
	[tilespmem:s10+$0xFFFFFE10] =	vst v7  }
0x3c3: {  	[tilespmem:s10+$0x90] =	vst v8;
	v8 =	vld [tilespmem:s30+$0xFFFFFF9F]  }
0x3c4: {  	[tilespmem:s10+$0x1A0] =	vst v5;
	v7 =	vld [tilespmem:s30+$0xFFFFFE1C]  }
0x3c5: {  	[tilespmem:s10+$0x110] =	vst v9;
	v5 =	vld [tilespmem:s30+$0x1B3]  }
0x3c6: {  	v9 =	vld [tilespmem:s30+$0x20];
	[tilespmem:s10+$0xFFFFFEA0] =	vst v10  }
0x3c7: {  	v10 =	vld [tilespmem:s30+$0xA1];
	[tilespmem:s10+$0xFFFFFF20] =	vst v6  }
0x3c8: {  	v6 =	vld [tilespmem:s30+$0x122];
	[tilespmem:s10+$0xFFFFFFA0] =	vst v8  }
0x3c9: {  	v8 =	vld [tilespmem:s30+$0xFFFFFEAD];
	[tilespmem:s10+$0xFFFFFE20] =	vst v7  }
0x3ca: {  	[tilespmem:s10+$0x1B0] =	vst v5;
	v7 =	vld [tilespmem:s30+$0xFFFFFE2C]  }
0x3cb: {  	[tilespmem:s10+$0x20] =	vst v9;
	v5 =	vld [tilespmem:s30+$0x1C3]  }
0x3cc: {  	v9 =	vld [tilespmem:s30+$0xFFFFFF2E];
	[tilespmem:s10+$0xA0] =	vst v10  }
0x3cd: {  	v10 =	vld [tilespmem:s30+$0xFFFFFFAF];
	[tilespmem:s10+$0x120] =	vst v6  }
0x3ce: {  	v6 =	vld [tilespmem:s30+$0x30];
	[tilespmem:s10+$0xFFFFFEB0] =	vst v8  }
0x3cf: {  	v8 =	vld [tilespmem:s30+$0x132];
	[tilespmem:s10+$0xFFFFFE30] =	vst v7  }
0x3d0: {  	v7 =	vld [tilespmem:s30+$0xB1];
	[tilespmem:s10+$0x1C0] =	vst v5  }
0x3d1: {  	[tilespmem:s10+$0xFFFFFF30] =	vst v9;
	v5 =	vld [tilespmem:s30+$0x1D3]  }
0x3d2: {  	[tilespmem:s10+$0xFFFFFFB0] =	vst v10;
	v10 =	vld [tilespmem:s30+$0xFFFFFEBD]  }
0x3d3: {  	v9 =	vld [tilespmem:s30+$0xFFFFFE3C];
	[tilespmem:s10+$0x30] =	vst v6  }
0x3d4: {  	v6 =	vld [tilespmem:s30+$0xFFFFFF3E];
	[tilespmem:s10+$0x130] =	vst v8  }
0x3d5: {  	v8 =	vld [tilespmem:s30+$0x40];
	[tilespmem:s10+$0xB0] =	vst v7  }
0x3d6: {  	v7 =	vld [tilespmem:s30+$0xFFFFFFBF];
	[tilespmem:s10+$0x1D0] =	vst v5  }
0x3d7: {  	[tilespmem:s10+$0xFFFFFEC0] =	vst v10;
	v5 =	vld [tilespmem:s30+$0x1E3]  }
0x3d8: {  	v10 =	vld [tilespmem:s30+$0x142];
	[tilespmem:s10+$0xFFFFFE40] =	vst v9  }
0x3d9: {  	v9 =	vld [tilespmem:s30+$0xC1];
	[tilespmem:s10+$0xFFFFFF40] =	vst v6  }
0x3da: {  	v6 =	vld [tilespmem:s30+$0xFFFFFE4C];
	[tilespmem:s10+$0x40] =	vst v8  }
0x3db: {  	[tilespmem:s10+$0xFFFFFFC0] =	vst v7;
	v7 =	vld [tilespmem:s30+$0xFFFFFECD]  }
0x3dc: {  	v8 =	vld [tilespmem:s30+$0xFFFFFF4E];
	[tilespmem:s10+$0x1E0] =	vst v5  }
0x3dd: {  	[tilespmem:s10+$0x140] =	vst v10;
	v5 =	vld [tilespmem:s30+$0x1F3]  }
0x3de: {  	v10 =	vld [tilespmem:s30+$0x50];
	[tilespmem:s10+$0xC0] =	vst v9  }
0x3df: {  	v9 =	vld [tilespmem:s30+$0xFFFFFFCF];
	[tilespmem:s10+$0xFFFFFE50] =	vst v6  }
0x3e0: {  	v6 =	vld [tilespmem:s30+$0x152];
	[tilespmem:s10+$0xFFFFFED0] =	vst v7  }
0x3e1: {  	[tilespmem:s10+$0xFFFFFF50] =	vst v8;
	v8 =	vld [tilespmem:s30+$0xFFFFFEDD]  }
0x3e2: {  	[tilespmem:s10+$0x1F0] =	vst v5;
	v5 =	vld [tilespmem:s30+$0xD1]  }
0x3e3: {  	[tilespmem:s10+$0x50] =	vst v10;
	v7 =	vld [tilespmem:s30+$0xFFFFFE5C]  }
0x3e4: {  	v11 =	vld [tilespmem:s30+$0x60];
	[tilespmem:s10+$0xFFFFFFD0] =	vst v9  }
0x3e5: {  	v9 =	vld [tilespmem:s30+$0xFFFFFF5E];
	[tilespmem:s10+$0x150] =	vst v6  }
0x3e6: {  	v10 =	vld [tilespmem:s30+$0xFFFFFFDF];
	[tilespmem:s10+$0xFFFFFEE0] =	vst v8  }
0x3e7: {  	v8 =	vld [tilespmem:s30+$0x162];
	[tilespmem:s10+$0xD0] =	vst v5  }
0x3e8: {  	[tilespmem:s10+$0xFFFFFE60] =	vst v7;
	v7 =	vld [tilespmem:s30+$0xE1]  }
0x3e9: {  	[tilespmem:s10+$0x60] =	vst v11;
	v12 =	vld [tilespmem:s30+$0xFFFFFE6C]  }
0x3ea: {  	p0 =	por $0x1, $0x1;
	[tilespmem:s10+$0xFFFFFF60] =	vst v9;
	v9 =	vld [tilespmem:s30+$0xFFFFFEED]  }
.Ltmp10:
0x3eb: {  	[tilespmem:s10+$0xFFFFFFE0] =	vst v10;
	v5 =	vld [tilespmem:s30+$0xFFFFFF6E];
	(pc) =	sbr.rel @!p0 .LBB2_18-.Ltmp10, $4  }
0x3ec: {  	v6 =	vld [tilespmem:s30+$0xFFFFFFEF];
	[tilespmem:s10+$0x160] =	vst v8  }
0x3ed: {  	[tilespmem:s10+$0xE0] =	vst v7;
	v7 =	vld [tilespmem:s30+$0x70]  }
0x3ee: {  	[tilespmem:s10+$0xFFFFFE70] =	vst v12;
	v8 =	vld [tilespmem:s30+$0xF1]  }
0x3ef: {  	s8 =	simm.s32 $0x1080C;
	s11 =	simm.s32 $0x0;
	[tilespmem:s10+$0xFFFFFEF0] =	vst v9;
	v9 =	vld [tilespmem:s30+$0x172]  }
.LBB2_17:
0x3f0: {  	v10 =	vld [tilespmem:s8+$0x183];
	s11 =	sadd.s32 $0x8, s11;
	[tilespmem:s10+$0xFFFFFF70] =	vst v5  }
0x3f1: {  	v5 =	vld [tilespmem:s8+$0xFFFFFE7D];
	p0 =	slt.u32 s11, $0x38;
	[tilespmem:s10+$0xFFFFFFF0] =	vst v6  }
0x3f2: {  	v6 =	vld [tilespmem:s8+$0xFFFFFEFE];
	[tilespmem:s10+$0x70] =	vst v7  }
0x3f3: {  	v7 =	vld [tilespmem:s8+$0xFFFFFF7F];
	[tilespmem:s10+$0xF0] =	vst v8  }
0x3f4: {  	v8 =	vld [tilespmem:s8+$0x0];
	[tilespmem:s10+$0x170] =	vst v9;
	s10 =	sadd.s32 $0x400, s10  }
0x3f5: {  	v9 =	vld [tilespmem:s8+$0x81];
	[tilespmem:s10+$0x180] =	vst v10  }
0x3f6: {  	[tilespmem:s10+$0xFFFFFE80] =	vst v5;
	v5 =	vld [tilespmem:s8+$0x193]  }
0x3f7: {  	[tilespmem:s10+$0xFFFFFF00] =	vst v6;
	v6 =	vld [tilespmem:s8+$0x102]  }
0x3f8: {  	v10 =	vld [tilespmem:s8+$0xFFFFFDFC];
	[tilespmem:s10+$0xFFFFFF80] =	vst v7  }
0x3f9: {  	v7 =	vld [tilespmem:s8+$0xFFFFFE8D];
	[tilespmem:s10+$0x0] =	vst v8  }
0x3fa: {  	v8 =	vld [tilespmem:s8+$0xFFFFFF0E];
	[tilespmem:s10+$0x80] =	vst v9  }
0x3fb: {  	v9 =	vld [tilespmem:s8+$0xFFFFFF8F];
	[tilespmem:s10+$0x190] =	vst v5  }
0x3fc: {  	[tilespmem:s10+$0x100] =	vst v6;
	v5 =	vld [tilespmem:s8+$0x1A3]  }
0x3fd: {  	[tilespmem:s10+$0xFFFFFE00] =	vst v10;
	v6 =	vld [tilespmem:s8+$0x10]  }
0x3fe: {  	v10 =	vld [tilespmem:s8+$0xFFFFFE0C];
	[tilespmem:s10+$0xFFFFFE90] =	vst v7  }
0x3ff: {  	[tilespmem:s10+$0xFFFFFF10] =	vst v8;
	v7 =	vld [tilespmem:s8+$0x91]  }
0x400: {  	[tilespmem:s10+$0xFFFFFF90] =	vst v9;
	v8 =	vld [tilespmem:s8+$0x112]  }
0x401: {  	v9 =	vld [tilespmem:s8+$0xFFFFFE9D];
	[tilespmem:s10+$0x1A0] =	vst v5  }
0x402: {  	[tilespmem:s10+$0x10] =	vst v6;
	v5 =	vld [tilespmem:s8+$0x1B3]  }
0x403: {  	[tilespmem:s10+$0xFFFFFE10] =	vst v10;
	v6 =	vld [tilespmem:s8+$0xFFFFFF1E]  }
0x404: {  	v10 =	vld [tilespmem:s8+$0xFFFFFE1C];
	[tilespmem:s10+$0x90] =	vst v7  }
0x405: {  	v7 =	vld [tilespmem:s8+$0xFFFFFF9F];
	[tilespmem:s10+$0x110] =	vst v8  }
0x406: {  	[tilespmem:s10+$0xFFFFFEA0] =	vst v9;
	v8 =	vld [tilespmem:s8+$0x20]  }
0x407: {  	v9 =	vld [tilespmem:s8+$0xA1];
	[tilespmem:s10+$0x1B0] =	vst v5  }
0x408: {  	[tilespmem:s10+$0xFFFFFF20] =	vst v6;
	v5 =	vld [tilespmem:s8+$0x1C3]  }
0x409: {  	[tilespmem:s10+$0xFFFFFE20] =	vst v10;
	v6 =	vld [tilespmem:s8+$0x122]  }
0x40a: {  	v10 =	vld [tilespmem:s8+$0xFFFFFE2C];
	[tilespmem:s10+$0xFFFFFFA0] =	vst v7  }
0x40b: {  	v7 =	vld [tilespmem:s8+$0xFFFFFEAD];
	[tilespmem:s10+$0x20] =	vst v8  }
0x40c: {  	v8 =	vld [tilespmem:s8+$0xFFFFFF2E];
	[tilespmem:s10+$0xA0] =	vst v9  }
0x40d: {  	v9 =	vld [tilespmem:s8+$0xFFFFFFAF];
	[tilespmem:s10+$0x1C0] =	vst v5  }
0x40e: {  	[tilespmem:s10+$0x120] =	vst v6;
	v5 =	vld [tilespmem:s8+$0x1D3]  }
0x40f: {  	[tilespmem:s10+$0xFFFFFE30] =	vst v10;
	v6 =	vld [tilespmem:s8+$0x30]  }
0x410: {  	[tilespmem:s10+$0xFFFFFEB0] =	vst v7;
	v7 =	vld [tilespmem:s8+$0xB1]  }
0x411: {  	[tilespmem:s10+$0xFFFFFF30] =	vst v8;
	v8 =	vld [tilespmem:s8+$0x132]  }
0x412: {  	v10 =	vld [tilespmem:s8+$0xFFFFFE3C];
	[tilespmem:s10+$0xFFFFFFB0] =	vst v9  }
0x413: {  	v9 =	vld [tilespmem:s8+$0xFFFFFEBD];
	[tilespmem:s10+$0x1D0] =	vst v5  }
0x414: {  	[tilespmem:s10+$0x30] =	vst v6;
	v5 =	vld [tilespmem:s8+$0x1E3]  }
0x415: {  	v6 =	vld [tilespmem:s8+$0xFFFFFF3E];
	[tilespmem:s10+$0xB0] =	vst v7  }
0x416: {  	v7 =	vld [tilespmem:s8+$0xFFFFFFBF];
	[tilespmem:s10+$0x130] =	vst v8  }
0x417: {  	[tilespmem:s10+$0xFFFFFE40] =	vst v10;
	v8 =	vld [tilespmem:s8+$0x40]  }
0x418: {  	[tilespmem:s10+$0xFFFFFEC0] =	vst v9;
	v9 =	vld [tilespmem:s8+$0xC1]  }
0x419: {  	v10 =	vld [tilespmem:s8+$0x142];
	[tilespmem:s10+$0x1E0] =	vst v5  }
0x41a: {  	[tilespmem:s10+$0xFFFFFF40] =	vst v6;
	v5 =	vld [tilespmem:s8+$0x1F3]  }
0x41b: {  	v6 =	vld [tilespmem:s8+$0xFFFFFE4C];
	[tilespmem:s10+$0xFFFFFFC0] =	vst v7  }
0x41c: {  	v7 =	vld [tilespmem:s8+$0xFFFFFECD];
	[tilespmem:s10+$0x40] =	vst v8  }
0x41d: {  	v8 =	vld [tilespmem:s8+$0xFFFFFF4E];
	[tilespmem:s10+$0xC0] =	vst v9  }
0x41e: {  	v9 =	vld [tilespmem:s8+$0xFFFFFFCF];
	[tilespmem:s10+$0x140] =	vst v10  }
0x41f: {  	v10 =	vld [tilespmem:s8+$0x50];
	[tilespmem:s10+$0x1F0] =	vst v5  }
0x420: {  	[tilespmem:s10+$0xFFFFFE50] =	vst v6;
	v5 =	vld [tilespmem:s8+$0xD1]  }
0x421: {  	[tilespmem:s10+$0xFFFFFED0] =	vst v7;
	v6 =	vld [tilespmem:s8+$0x152]  }
0x422: {  	v7 =	vld [tilespmem:s8+$0xFFFFFE5C];
	[tilespmem:s10+$0xFFFFFF50] =	vst v8  }
0x423: {  	v8 =	vld [tilespmem:s8+$0xFFFFFEDD];
	[tilespmem:s10+$0xFFFFFFD0] =	vst v9  }
0x424: {  	v9 =	vld [tilespmem:s8+$0xFFFFFF5E];
	[tilespmem:s10+$0x50] =	vst v10  }
0x425: {  	v10 =	vld [tilespmem:s8+$0xFFFFFFDF];
	[tilespmem:s10+$0xD0] =	vst v5  }
0x426: {  	v11 =	vld [tilespmem:s8+$0x60];
	[tilespmem:s10+$0x150] =	vst v6  }
0x427: {  	[tilespmem:s10+$0xFFFFFE60] =	vst v7;
	v7 =	vld [tilespmem:s8+$0xE1]  }
0x428: {  	[tilespmem:s10+$0xFFFFFEE0] =	vst v8;
	v8 =	vld [tilespmem:s8+$0x162]  }
0x429: {  	v12 =	vld [tilespmem:s8+$0xFFFFFE6C];
	[tilespmem:s10+$0xFFFFFF60] =	vst v9  }
0x42a: {  	v9 =	vld [tilespmem:s8+$0xFFFFFEED];
	[tilespmem:s10+$0xFFFFFFE0] =	vst v10  }
.Ltmp11:
0x42b: {  	v5 =	vld [tilespmem:s8+$0xFFFFFF6E];
	[tilespmem:s10+$0x60] =	vst v11;
	(pc) =	sbr.rel @p0 .LBB2_17-.Ltmp11, $4  }
0x42c: {  	v6 =	vld [tilespmem:s8+$0xFFFFFFEF];
	[tilespmem:s10+$0xE0] =	vst v7  }
0x42d: {  	v7 =	vld [tilespmem:s8+$0x70];
	[tilespmem:s10+$0x160] =	vst v8  }
0x42e: {  	[tilespmem:s10+$0xFFFFFE70] =	vst v12;
	v8 =	vld [tilespmem:s8+$0xF1]  }
0x42f: {  	[tilespmem:s10+$0xFFFFFEF0] =	vst v9;
	v9 =	vld [tilespmem:s8+$0x172];
	s8 =	sadd.s32 $0x408, s8  }
.LBB2_18:
0x430: {  	s13 =	sadd.s32 $0x1, s13  }
0x431: {  	[tilespmem:s10+$0xFFFFFF70] =	vst v5;
	p0 =	sne.s32 s13, $0x32  }
.Ltmp12:
0x432: {  	s0 =	sshll.u32 s18, $0x12;
	[tilespmem:s10+$0xFFFFFFF0] =	vst v6;
	(pc) =	sbr.rel @p0 .LBB2_2-.Ltmp12, $4  }
0x433: {  	s0 =	sor.u32 s5, s0;
	[tilespmem:s10+$0x70] =	vst v7  }
0x434: {  	s0 =	sshrl.u32 s0, $0x3;
	[tilespmem:s10+$0xF0] =	vst v8  }
0x435: {  	s8 =	simm.s32 $0xE200;
	s0 =	sadd.s32 s3, s0;
	[tilespmem:s10+$0x170] =	vst v9  }
0x436: {  	[hbm4b:s0+s25] =	stream.strided.scatter [tilespmem:s8], [sflag:$0xC], $0x2000, s26, s25, $0x38;
	[tilespmem:$0x15440] =	vst v63  }
0x437: {  	s0 =	simm.s32 $0xB  }
0x438: {  	_ =	swait.ge [sflag:s0], $0x2000  }
0x439: {  	[sflag:s0] =	ssyncset.done $0x0  }
0x43a: {  	s8 =	simm.s32 $0xC;
	[sflag:s0] =	ssyncadd.s32 $0xFFFFE000  }
0x43b: {  	_ =	swait.ge [sflag:s8], $0x2000  }
0x43c: {  	s9 =	rddreg [dreg:$0x9]  }
0x43d: {  	s30 =	rddreg [dreg:$0x8];
	s9 =	sadd.s32 $0x1, s9  }
0x43e: {  	p0 =	sne.s32 s9, s30  }
.Ltmp13:
0x43f: {  	_ = 	snop;
	(pc) =	sbr.rel @p0 .LBB2_1-.Ltmp13, $3  }
0x440: {  	_ =	sdelay $0x1  }
0x441: {  	[sflag:s8] =	ssyncset.done $0x0  }
0x442: {  	[sflag:s8] =	ssyncadd.s32 $0xFFFFE000  }
0x443: {  	_ =	sfence.sel $0x180000  }
0x444: {  	[bflag:$0x0] =	sbarrier.arrive $0xFFFF  }
0x445: {  	_ =	strace $0x90000047  }
0x446: {  	s0 =	stileid.u32;
	[bflag:$0x2] =	sbarrier.arrive $0xFFFF  }
0x447: {  	p0 =	sne.s32 s0, $0x0;
	s0 =	rddreg [dreg:$0x3]  }
0x448: {  	s0 =	sadd.s32 @!p0 $0x100000, s0  }
0x449: {  	[sflag:s0] =	ssyncadd.tile.s32 @!p0 $0x1;
	_ =	shalt  }
.Lfunc_end2:
_tile_overlayer_lowered:
.L_overlay_start_2:
0x44a: {  	(tag) =	ssettag $0x2  }
0x44b: {  	s0 =	rddreg [dreg:$0x0];
	s2 =	stileid.u32  }
0x44c: {  	s1 =	rddreg [dreg:$0x1];
	p0 =	sne.s32 s2, $0x0  }
0x44d: {  	s3 =	rddreg [dreg:$0x2];
	[bflag:$0x3] =	sbarrier.arrive $0xFFFF;
	s2 =	simm.s32 @!p0 $0x1C0D  }
0x44e: {  	[timem:s3], [sflag:s2] =	dma.local @!p0 [hbm:s0], s1  }
0x44f: {  	s0 =	simm.s32 @!p0 $0xD  }
0x450: {  	_ =	swait.ge @!p0 [sflag:s0], s1  }
0x451: {  	s1 =	ssub.s32 @!p0 $0x0, s1;
	[sflag:s0] =	ssyncset.done @!p0 $0x0  }
0x452: {  	[sflag:s0] =	ssyncadd.s32 @!p0 s1  }
0x453: {  	[bflag:$0x3] =	sbarrier.arrive $0xFFFF  }
0x454: {  	_ =	shalt  }

</sc_bundles>
